<compile_context>
chip_gen: v7x
topology: tpu7x:2x2x1
jax: 0.10.2.dev20260603
libtpu: 0.0.44.dev20260713+nightly
codegen_flags: <defaults>
</compile_context>

<pallas_src>
import functools

import jax
import jax.numpy as jnp
from jax import lax
from jax.experimental import pallas as pl
from jax.experimental.pallas import tpu as pltpu
from jax.experimental.pallas import tpu_sc as plsc

D = H = W = 192
VOL = D * H * W
N_LANES = 16
NC = 2
NS = 16
NW = NC * NS
B_PER = 160
NPAD = NW * B_PER
CHUNKS = B_PER // N_LANES
HALF = B_PER // 2


def _make_sc_kernel():
    mesh = plsc.VectorSubcoreMesh(core_axis_name="c", subcore_axis_name="s")

    @functools.partial(
        pl.kernel,
        mesh=mesh,
        out_type=jax.ShapeDtypeStruct((3 * NPAD,), jnp.float32),
        scratch_types=[
            pltpu.VMEM((3 * B_PER,), jnp.float32),
            pltpu.VMEM((3 * B_PER,), jnp.float32),
            pltpu.VMEM((3 * N_LANES,), jnp.float32),
            pltpu.VMEM((12 * HALF,), jnp.int32),
            pltpu.VMEM((12 * HALF,), jnp.float32),
            pltpu.VMEM((3 * B_PER,), jnp.float32),
            pltpu.SemaphoreType.DMA,
        ],
    )
    def sc_kernel(mov_hbm, fix_hbm, sp_hbm, field_hbm, out_hbm,
                  mbuf, fbuf, spbuf, idxbuf, gbuf, obuf, sem):
        wid = lax.axis_index("s") * NC + lax.axis_index("c")
        base = wid * B_PER

        for ch in range(3):
            pltpu.sync_copy(mov_hbm.at[pl.ds(ch * NPAD + base, B_PER)],
                            mbuf.at[pl.ds(ch * B_PER, B_PER)])
            pltpu.sync_copy(fix_hbm.at[pl.ds(ch * NPAD + base, B_PER)],
                            fbuf.at[pl.ds(ch * B_PER, B_PER)])
        pltpu.sync_copy(sp_hbm, spbuf)

        for i in range(CHUNKS):
            k = i // (CHUNKS // 2)
            col = (i % (CHUNKS // 2)) * N_LANES
            fidx = None
            cidx = None
            for ch in range(3):
                m = mbuf[pl.ds(ch * B_PER + i * N_LANES, N_LANES)]
                f_i = m.astype(jnp.int32)
                c_i = jnp.where(m > f_i.astype(jnp.float32), f_i + 1, f_i)
                fidx = f_i if fidx is None else fidx * D + f_i
                cidx = c_i if cidx is None else cidx * D + c_i
            for ch in range(3):
                off = ch * VOL
                idxbuf[pl.ds((2 * ch + k) * HALF + col, N_LANES)] = fidx + off
                idxbuf[pl.ds((6 + 2 * ch + k) * HALF + col, N_LANES)] = (
                    cidx + off)

        copies = []
        for r in range(12):
            copies.append(
                pltpu.async_copy(
                    field_hbm.at[idxbuf.at[pl.ds(r * HALF, HALF)]],
                    gbuf.at[pl.ds(r * HALF, HALF)], sem))
        for cp in copies:
            cp.wait()

        for i in range(CHUNKS):
            k = i // (CHUNKS // 2)
            col = (i % (CHUNKS // 2)) * N_LANES
            for ch in range(3):
                gf = gbuf[pl.ds((2 * ch + k) * HALF + col, N_LANES)]
                gc = gbuf[pl.ds((6 + 2 * ch + k) * HALF + col, N_LANES)]
                m = mbuf[pl.ds(ch * B_PER + i * N_LANES, N_LANES)]
                fx = fbuf[pl.ds(ch * B_PER + i * N_LANES, N_LANES)]
                sp = spbuf[pl.ds(ch * N_LANES, N_LANES)]
                obuf[pl.ds(ch * B_PER + i * N_LANES, N_LANES)] = (
                    (m + (gf + gc) * 0.5 - fx) * sp)

        for ch in range(3):
            pltpu.sync_copy(obuf.at[pl.ds(ch * B_PER, B_PER)],
                            out_hbm.at[pl.ds(ch * NPAD + base, B_PER)])

    return sc_kernel


_SC_KERNEL = _make_sc_kernel()


def kernel(fixed_landmarks, moving_landmarks, displacement_field,
           fixed_spacing, moving_spacing):
    n = moving_landmarks.shape[0]
    mt = jnp.zeros((3, NPAD), jnp.float32).at[:, :n].set(
        moving_landmarks.T).reshape(3 * NPAD)
    ft = jnp.zeros((3, NPAD), jnp.float32).at[:, :n].set(
        fixed_landmarks.T).reshape(3 * NPAD)
    spb = jnp.broadcast_to(
        moving_spacing.astype(jnp.float32)[:, None],
        (3, N_LANES)).reshape(3 * N_LANES)
    field_flat = displacement_field.reshape(3 * VOL)
    out_t = _SC_KERNEL(mt, ft, spb, field_flat)
    return out_t.reshape(3, NPAD)[:, :n].T

# --- scband reference (transcript-rebuilt; emitter-appended) ---
"""Pipeline reference for scband-total-registration-loss-12154757447845 (READ-ONLY COPY).

The authoritative reference and input builder live on the scoring server;
editing this copy changes nothing except your own understanding.
"""

import jax, jax.numpy as jnp
import numpy as np

N_LM = 5000
D = H = W = 192


def setup_inputs(seed: int = 0) -> dict:
    key = jax.random.key(seed)
    k1, k2, k3, k4, k5 = jax.random.split(key, 5)
    # landmark coordinates live inside the volume; ceil must stay in-bounds
    fixed_landmarks = jax.random.uniform(k1, (N_LM, 3), dtype=jnp.float32, minval=0.0, maxval=190.0)
    moving_landmarks = jax.random.uniform(k2, (N_LM, 3), dtype=jnp.float32, minval=0.0, maxval=190.0)
    displacement_field = jax.random.normal(k3, (1, 3, D, H, W), dtype=jnp.float32)
    fixed_spacing = jax.random.uniform(k4, (3,), dtype=jnp.float32, minval=0.5, maxval=2.0)
    moving_spacing = jax.random.uniform(k5, (3,), dtype=jnp.float32, minval=0.5, maxval=2.0)
    return {
        "fixed_landmarks": fixed_landmarks,
        "moving_landmarks": moving_landmarks,
        "displacement_field": displacement_field,
        "fixed_spacing": fixed_spacing,
        "moving_spacing": moving_spacing,
    }


def reference(fixed_landmarks, moving_landmarks, displacement_field, fixed_spacing, moving_spacing):
    fcoords = jnp.floor(moving_landmarks).astype(jnp.int32)
    ccoords = jnp.ceil(moving_landmarks).astype(jnp.int32)
    # gather per-landmark displacement vectors at floor and ceil voxels -> [B, 3, N]
    f_disp = displacement_field[:, :, fcoords[:, 0], fcoords[:, 1], fcoords[:, 2]]
    c_disp = displacement_field[:, :, ccoords[:, 0], ccoords[:, 1], ccoords[:, 2]]
    disp = (f_disp + c_disp) / 2.0
    # einops 'b n N -> (b N) n' with b=1
    disp = jnp.transpose(disp, (0, 2, 1)).reshape(-1, 3)
    return (moving_landmarks + disp - fixed_landmarks) * moving_spacing

if __name__ == "__main__":
    import jax
    _d = setup_inputs()
    print(jax.jit(kernel)(*tuple(_d.values())))

</pallas_src>

<mosaic_0001>
#map = affine_map<(d0, d1) -> (0)>
module attributes {stable_mosaic.version = 14 : i64} {
  func.func @sc_kernel(%arg0: i32, %arg1: i32, %arg2: memref<15360xf32, #tpu.memory_space<hbm>>, %arg3: memref<15360xf32, #tpu.memory_space<hbm>>, %arg4: memref<48xf32, #tpu.memory_space<hbm>>, %arg5: memref<21233664xf32, #tpu.memory_space<hbm>>, %arg6: memref<15360xf32, #tpu.memory_space<hbm>>, %arg7: memref<480xf32, #tpu.memory_space<vmem>>, %arg8: memref<480xf32, #tpu.memory_space<vmem>>, %arg9: memref<48xf32, #tpu.memory_space<vmem>>, %arg10: memref<960xi32, #tpu.memory_space<vmem>>, %arg11: memref<960xf32, #tpu.memory_space<vmem>>, %arg12: memref<480xf32, #tpu.memory_space<vmem>>, %arg13: memref<!tpu.dma_semaphore, #tpu.memory_space<semaphore_mem>>) attributes {dimension_semantics = [#tpu.dimension_semantics<core_parallel>, #tpu.dimension_semantics<subcore_parallel>], iteration_bounds = array<i64: 2, 16>, scalar_prefetch = 0 : i64, scratch_operands = 7 : i64, tpu.core_type = #tpu.core_type<sc_vector_subcore>, window_params = [{transform_indices = #map}, {transform_indices = #map}, {transform_indices = #map}, {transform_indices = #map}, {transform_indices = #map}]} {
    %mul3A = arith.constant 2 : i32
    %mul3A_0 = arith.muli %arg1, %mul3A : i32
    %add3A = arith.addi %mul3A_0, %arg0 : i32
    %mul3A_1 = arith.constant 160 : i32
    %mul3A_2 = arith.muli %add3A, %mul3A_1 : i32
    %add3A_3 = arith.constant 0 : i32
    %add3A_4 = arith.addi %add3A_3, %mul3A_2 : i32
    "tpu.region"() ({
      %run_scoped3A = tpu.sem_alloc : memref<!tpu.dma_semaphore, #tpu.memory_space<semaphore_mem>>
      %dma_start3A_1817 = arith.constant 0 : i32
      %dma_start3A_1818 = tpu.memref_slice %arg7[%dma_start3A_1817] : memref<480xf32, #tpu.memory_space<vmem>> -> memref<160xf32, #tpu.memory_space<vmem>>
      %dma_start3A_1819 = tpu.memref_slice %arg2[%add3A_4] : memref<15360xf32, #tpu.memory_space<hbm>> -> memref<160xf32, #tpu.memory_space<hbm>>
      %dma_start3A_1820 = arith.constant 0 : i32
      %dma_start3A_1821 = tpu.memref_slice %arg7[%dma_start3A_1820] : memref<480xf32, #tpu.memory_space<vmem>> -> memref<160xf32, #tpu.memory_space<vmem>>
      %dma_start3A_1822 = tpu.memref_slice %arg2[%add3A_4] : memref<15360xf32, #tpu.memory_space<hbm>> -> memref<160xf32, #tpu.memory_space<hbm>>
      tpu.enqueue_dma source(%dma_start3A_1822 : memref<160xf32, #tpu.memory_space<hbm>>) target(%dma_start3A_1821 : memref<160xf32, #tpu.memory_space<vmem>>) target_semaphore(%run_scoped3A : memref<!tpu.dma_semaphore, #tpu.memory_space<semaphore_mem>>)
      %dma_wait3A_1823 = arith.constant 0 : i32
      %dma_wait3A_1824 = tpu.memref_slice %arg7[%dma_wait3A_1823] : memref<480xf32, #tpu.memory_space<vmem>> -> memref<160xf32, #tpu.memory_space<vmem>>
      %dma_wait3A_1825 = tpu.memref_slice %arg2[%add3A_4] : memref<15360xf32, #tpu.memory_space<hbm>> -> memref<160xf32, #tpu.memory_space<hbm>>
      %dma_wait3A_1826 = arith.constant 0 : i32
      %dma_wait3A_1827 = tpu.memref_slice %arg7[%dma_wait3A_1826] : memref<480xf32, #tpu.memory_space<vmem>> -> memref<160xf32, #tpu.memory_space<vmem>>
      %dma_wait3A_1828 = tpu.memref_slice %arg2[%add3A_4] : memref<15360xf32, #tpu.memory_space<hbm>> -> memref<160xf32, #tpu.memory_space<hbm>>
      tpu.wait_dma2 semaphore(%run_scoped3A : memref<!tpu.dma_semaphore, #tpu.memory_space<semaphore_mem>>) src(%dma_wait3A_1828 : memref<160xf32, #tpu.memory_space<hbm>>) dst(%dma_wait3A_1827 : memref<160xf32, #tpu.memory_space<vmem>>)
      tpu.yield
    }) : () -> ()
    %add3A_5 = arith.constant 0 : i32
    %add3A_6 = arith.addi %add3A_5, %mul3A_2 : i32
    "tpu.region"() ({
      %run_scoped3A = tpu.sem_alloc : memref<!tpu.dma_semaphore, #tpu.memory_space<semaphore_mem>>
      %dma_start3A_1817 = arith.constant 0 : i32
      %dma_start3A_1818 = tpu.memref_slice %arg8[%dma_start3A_1817] : memref<480xf32, #tpu.memory_space<vmem>> -> memref<160xf32, #tpu.memory_space<vmem>>
      %dma_start3A_1819 = tpu.memref_slice %arg3[%add3A_6] : memref<15360xf32, #tpu.memory_space<hbm>> -> memref<160xf32, #tpu.memory_space<hbm>>
      %dma_start3A_1820 = arith.constant 0 : i32
      %dma_start3A_1821 = tpu.memref_slice %arg8[%dma_start3A_1820] : memref<480xf32, #tpu.memory_space<vmem>> -> memref<160xf32, #tpu.memory_space<vmem>>
      %dma_start3A_1822 = tpu.memref_slice %arg3[%add3A_6] : memref<15360xf32, #tpu.memory_space<hbm>> -> memref<160xf32, #tpu.memory_space<hbm>>
      tpu.enqueue_dma source(%dma_start3A_1822 : memref<160xf32, #tpu.memory_space<hbm>>) target(%dma_start3A_1821 : memref<160xf32, #tpu.memory_space<vmem>>) target_semaphore(%run_scoped3A : memref<!tpu.dma_semaphore, #tpu.memory_space<semaphore_mem>>)
      %dma_wait3A_1823 = arith.constant 0 : i32
      %dma_wait3A_1824 = tpu.memref_slice %arg8[%dma_wait3A_1823] : memref<480xf32, #tpu.memory_space<vmem>> -> memref<160xf32, #tpu.memory_space<vmem>>
      %dma_wait3A_1825 = tpu.memref_slice %arg3[%add3A_6] : memref<15360xf32, #tpu.memory_space<hbm>> -> memref<160xf32, #tpu.memory_space<hbm>>
      %dma_wait3A_1826 = arith.constant 0 : i32
      %dma_wait3A_1827 = tpu.memref_slice %arg8[%dma_wait3A_1826] : memref<480xf32, #tpu.memory_space<vmem>> -> memref<160xf32, #tpu.memory_space<vmem>>
      %dma_wait3A_1828 = tpu.memref_slice %arg3[%add3A_6] : memref<15360xf32, #tpu.memory_space<hbm>> -> memref<160xf32, #tpu.memory_space<hbm>>
      tpu.wait_dma2 semaphore(%run_scoped3A : memref<!tpu.dma_semaphore, #tpu.memory_space<semaphore_mem>>) src(%dma_wait3A_1828 : memref<160xf32, #tpu.memory_space<hbm>>) dst(%dma_wait3A_1827 : memref<160xf32, #tpu.memory_space<vmem>>)
      tpu.yield
    }) : () -> ()
    %add3A_7 = arith.constant 5120 : i32
    %add3A_8 = arith.addi %add3A_7, %mul3A_2 : i32
    "tpu.region"() ({
      %run_scoped3A = tpu.sem_alloc : memref<!tpu.dma_semaphore, #tpu.memory_space<semaphore_mem>>
      %dma_start3A_1817 = arith.constant 160 : i32
      %dma_start3A_1818 = tpu.memref_slice %arg7[%dma_start3A_1817] : memref<480xf32, #tpu.memory_space<vmem>> -> memref<160xf32, #tpu.memory_space<vmem>>
      %dma_start3A_1819 = tpu.memref_slice %arg2[%add3A_8] : memref<15360xf32, #tpu.memory_space<hbm>> -> memref<160xf32, #tpu.memory_space<hbm>>
      %dma_start3A_1820 = arith.constant 160 : i32
      %dma_start3A_1821 = tpu.memref_slice %arg7[%dma_start3A_1820] : memref<480xf32, #tpu.memory_space<vmem>> -> memref<160xf32, #tpu.memory_space<vmem>>
      %dma_start3A_1822 = tpu.memref_slice %arg2[%add3A_8] : memref<15360xf32, #tpu.memory_space<hbm>> -> memref<160xf32, #tpu.memory_space<hbm>>
      tpu.enqueue_dma source(%dma_start3A_1822 : memref<160xf32, #tpu.memory_space<hbm>>) target(%dma_start3A_1821 : memref<160xf32, #tpu.memory_space<vmem>>) target_semaphore(%run_scoped3A : memref<!tpu.dma_semaphore, #tpu.memory_space<semaphore_mem>>)
      %dma_wait3A_1823 = arith.constant 160 : i32
      %dma_wait3A_1824 = tpu.memref_slice %arg7[%dma_wait3A_1823] : memref<480xf32, #tpu.memory_space<vmem>> -> memref<160xf32, #tpu.memory_space<vmem>>
      %dma_wait3A_1825 = tpu.memref_slice %arg2[%add3A_8] : memref<15360xf32, #tpu.memory_space<hbm>> -> memref<160xf32, #tpu.memory_space<hbm>>
      %dma_wait3A_1826 = arith.constant 160 : i32
      %dma_wait3A_1827 = tpu.memref_slice %arg7[%dma_wait3A_1826] : memref<480xf32, #tpu.memory_space<vmem>> -> memref<160xf32, #tpu.memory_space<vmem>>
      %dma_wait3A_1828 = tpu.memref_slice %arg2[%add3A_8] : memref<15360xf32, #tpu.memory_space<hbm>> -> memref<160xf32, #tpu.memory_space<hbm>>
      tpu.wait_dma2 semaphore(%run_scoped3A : memref<!tpu.dma_semaphore, #tpu.memory_space<semaphore_mem>>) src(%dma_wait3A_1828 : memref<160xf32, #tpu.memory_space<hbm>>) dst(%dma_wait3A_1827 : memref<160xf32, #tpu.memory_space<vmem>>)
      tpu.yield
    }) : () -> ()
    %add3A_9 = arith.constant 5120 : i32
    %add3A_10 = arith.addi %add3A_9, %mul3A_2 : i32
    "tpu.region"() ({
      %run_scoped3A = tpu.sem_alloc : memref<!tpu.dma_semaphore, #tpu.memory_space<semaphore_mem>>
      %dma_start3A_1817 = arith.constant 160 : i32
      %dma_start3A_1818 = tpu.memref_slice %arg8[%dma_start3A_1817] : memref<480xf32, #tpu.memory_space<vmem>> -> memref<160xf32, #tpu.memory_space<vmem>>
      %dma_start3A_1819 = tpu.memref_slice %arg3[%add3A_10] : memref<15360xf32, #tpu.memory_space<hbm>> -> memref<160xf32, #tpu.memory_space<hbm>>
      %dma_start3A_1820 = arith.constant 160 : i32
      %dma_start3A_1821 = tpu.memref_slice %arg8[%dma_start3A_1820] : memref<480xf32, #tpu.memory_space<vmem>> -> memref<160xf32, #tpu.memory_space<vmem>>
      %dma_start3A_1822 = tpu.memref_slice %arg3[%add3A_10] : memref<15360xf32, #tpu.memory_space<hbm>> -> memref<160xf32, #tpu.memory_space<hbm>>
      tpu.enqueue_dma source(%dma_start3A_1822 : memref<160xf32, #tpu.memory_space<hbm>>) target(%dma_start3A_1821 : memref<160xf32, #tpu.memory_space<vmem>>) target_semaphore(%run_scoped3A : memref<!tpu.dma_semaphore, #tpu.memory_space<semaphore_mem>>)
      %dma_wait3A_1823 = arith.constant 160 : i32
      %dma_wait3A_1824 = tpu.memref_slice %arg8[%dma_wait3A_1823] : memref<480xf32, #tpu.memory_space<vmem>> -> memref<160xf32, #tpu.memory_space<vmem>>
      %dma_wait3A_1825 = tpu.memref_slice %arg3[%add3A_10] : memref<15360xf32, #tpu.memory_space<hbm>> -> memref<160xf32, #tpu.memory_space<hbm>>
      %dma_wait3A_1826 = arith.constant 160 : i32
      %dma_wait3A_1827 = tpu.memref_slice %arg8[%dma_wait3A_1826] : memref<480xf32, #tpu.memory_space<vmem>> -> memref<160xf32, #tpu.memory_space<vmem>>
      %dma_wait3A_1828 = tpu.memref_slice %arg3[%add3A_10] : memref<15360xf32, #tpu.memory_space<hbm>> -> memref<160xf32, #tpu.memory_space<hbm>>
      tpu.wait_dma2 semaphore(%run_scoped3A : memref<!tpu.dma_semaphore, #tpu.memory_space<semaphore_mem>>) src(%dma_wait3A_1828 : memref<160xf32, #tpu.memory_space<hbm>>) dst(%dma_wait3A_1827 : memref<160xf32, #tpu.memory_space<vmem>>)
      tpu.yield
    }) : () -> ()
    %add3A_11 = arith.constant 10240 : i32
    %add3A_12 = arith.addi %add3A_11, %mul3A_2 : i32
    "tpu.region"() ({
      %run_scoped3A = tpu.sem_alloc : memref<!tpu.dma_semaphore, #tpu.memory_space<semaphore_mem>>
      %dma_start3A_1817 = arith.constant 320 : i32
      %dma_start3A_1818 = tpu.memref_slice %arg7[%dma_start3A_1817] : memref<480xf32, #tpu.memory_space<vmem>> -> memref<160xf32, #tpu.memory_space<vmem>>
      %dma_start3A_1819 = tpu.memref_slice %arg2[%add3A_12] : memref<15360xf32, #tpu.memory_space<hbm>> -> memref<160xf32, #tpu.memory_space<hbm>>
      %dma_start3A_1820 = arith.constant 320 : i32
      %dma_start3A_1821 = tpu.memref_slice %arg7[%dma_start3A_1820] : memref<480xf32, #tpu.memory_space<vmem>> -> memref<160xf32, #tpu.memory_space<vmem>>
      %dma_start3A_1822 = tpu.memref_slice %arg2[%add3A_12] : memref<15360xf32, #tpu.memory_space<hbm>> -> memref<160xf32, #tpu.memory_space<hbm>>
      tpu.enqueue_dma source(%dma_start3A_1822 : memref<160xf32, #tpu.memory_space<hbm>>) target(%dma_start3A_1821 : memref<160xf32, #tpu.memory_space<vmem>>) target_semaphore(%run_scoped3A : memref<!tpu.dma_semaphore, #tpu.memory_space<semaphore_mem>>)
      %dma_wait3A_1823 = arith.constant 320 : i32
      %dma_wait3A_1824 = tpu.memref_slice %arg7[%dma_wait3A_1823] : memref<480xf32, #tpu.memory_space<vmem>> -> memref<160xf32, #tpu.memory_space<vmem>>
      %dma_wait3A_1825 = tpu.memref_slice %arg2[%add3A_12] : memref<15360xf32, #tpu.memory_space<hbm>> -> memref<160xf32, #tpu.memory_space<hbm>>
      %dma_wait3A_1826 = arith.constant 320 : i32
      %dma_wait3A_1827 = tpu.memref_slice %arg7[%dma_wait3A_1826] : memref<480xf32, #tpu.memory_space<vmem>> -> memref<160xf32, #tpu.memory_space<vmem>>
      %dma_wait3A_1828 = tpu.memref_slice %arg2[%add3A_12] : memref<15360xf32, #tpu.memory_space<hbm>> -> memref<160xf32, #tpu.memory_space<hbm>>
      tpu.wait_dma2 semaphore(%run_scoped3A : memref<!tpu.dma_semaphore, #tpu.memory_space<semaphore_mem>>) src(%dma_wait3A_1828 : memref<160xf32, #tpu.memory_space<hbm>>) dst(%dma_wait3A_1827 : memref<160xf32, #tpu.memory_space<vmem>>)
      tpu.yield
    }) : () -> ()
    %add3A_13 = arith.constant 10240 : i32
    %add3A_14 = arith.addi %add3A_13, %mul3A_2 : i32
    "tpu.region"() ({
      %run_scoped3A = tpu.sem_alloc : memref<!tpu.dma_semaphore, #tpu.memory_space<semaphore_mem>>
      %dma_start3A_1817 = arith.constant 320 : i32
      %dma_start3A_1818 = tpu.memref_slice %arg8[%dma_start3A_1817] : memref<480xf32, #tpu.memory_space<vmem>> -> memref<160xf32, #tpu.memory_space<vmem>>
      %dma_start3A_1819 = tpu.memref_slice %arg3[%add3A_14] : memref<15360xf32, #tpu.memory_space<hbm>> -> memref<160xf32, #tpu.memory_space<hbm>>
      %dma_start3A_1820 = arith.constant 320 : i32
      %dma_start3A_1821 = tpu.memref_slice %arg8[%dma_start3A_1820] : memref<480xf32, #tpu.memory_space<vmem>> -> memref<160xf32, #tpu.memory_space<vmem>>
      %dma_start3A_1822 = tpu.memref_slice %arg3[%add3A_14] : memref<15360xf32, #tpu.memory_space<hbm>> -> memref<160xf32, #tpu.memory_space<hbm>>
      tpu.enqueue_dma source(%dma_start3A_1822 : memref<160xf32, #tpu.memory_space<hbm>>) target(%dma_start3A_1821 : memref<160xf32, #tpu.memory_space<vmem>>) target_semaphore(%run_scoped3A : memref<!tpu.dma_semaphore, #tpu.memory_space<semaphore_mem>>)
      %dma_wait3A_1823 = arith.constant 320 : i32
      %dma_wait3A_1824 = tpu.memref_slice %arg8[%dma_wait3A_1823] : memref<480xf32, #tpu.memory_space<vmem>> -> memref<160xf32, #tpu.memory_space<vmem>>
      %dma_wait3A_1825 = tpu.memref_slice %arg3[%add3A_14] : memref<15360xf32, #tpu.memory_space<hbm>> -> memref<160xf32, #tpu.memory_space<hbm>>
      %dma_wait3A_1826 = arith.constant 320 : i32
      %dma_wait3A_1827 = tpu.memref_slice %arg8[%dma_wait3A_1826] : memref<480xf32, #tpu.memory_space<vmem>> -> memref<160xf32, #tpu.memory_space<vmem>>
      %dma_wait3A_1828 = tpu.memref_slice %arg3[%add3A_14] : memref<15360xf32, #tpu.memory_space<hbm>> -> memref<160xf32, #tpu.memory_space<hbm>>
      tpu.wait_dma2 semaphore(%run_scoped3A : memref<!tpu.dma_semaphore, #tpu.memory_space<semaphore_mem>>) src(%dma_wait3A_1828 : memref<160xf32, #tpu.memory_space<hbm>>) dst(%dma_wait3A_1827 : memref<160xf32, #tpu.memory_space<vmem>>)
      tpu.yield
    }) : () -> ()
    "tpu.region"() ({
      %run_scoped3A = tpu.sem_alloc : memref<!tpu.dma_semaphore, #tpu.memory_space<semaphore_mem>>
      tpu.enqueue_dma source(%arg4 : memref<48xf32, #tpu.memory_space<hbm>>) target(%arg9 : memref<48xf32, #tpu.memory_space<vmem>>) target_semaphore(%run_scoped3A : memref<!tpu.dma_semaphore, #tpu.memory_space<semaphore_mem>>)
      tpu.wait_dma2 semaphore(%run_scoped3A : memref<!tpu.dma_semaphore, #tpu.memory_space<semaphore_mem>>) src(%arg4 : memref<48xf32, #tpu.memory_space<hbm>>) dst(%arg9 : memref<48xf32, #tpu.memory_space<vmem>>)
      tpu.yield
    }) : () -> ()
    %get3A = arith.constant 0 : index
    %get3A_15 = tpu.vector_load %arg7[%get3A] {strides = array<i32>} : memref<480xf32, #tpu.memory_space<vmem>>, vector<16xf32>,
    %get3A_16 = vector.shape_cast %get3A_15 : vector<16xf32> to vector<16xf32>
    %convert_element_type3A = arith.fptosi %get3A_16 : vector<16xf32> to vector<16xi32>
    %convert_element_type3A_17 = arith.sitofp %convert_element_type3A : vector<16xi32> to vector<16xf32>
    %gt3A = arith.cmpf ogt, %get3A_16, %convert_element_type3A_17 : vector<16xf32>
    %add3A_18 = arith.constant 1 : i32
    %add3A_19 = vector.broadcast %add3A_18 : i32 to vector<16xi32>
    %add3A_20 = arith.addi %convert_element_type3A, %add3A_19 : vector<16xi32>
    %select_n3A = arith.select %gt3A, %add3A_20, %convert_element_type3A : vector<16xi1>, vector<16xi32>
    %get3A_21 = arith.constant 160 : index
    %get3A_22 = tpu.vector_load %arg7[%get3A_21] {strides = array<i32>} : memref<480xf32, #tpu.memory_space<vmem>>, vector<16xf32>,
    %get3A_23 = vector.shape_cast %get3A_22 : vector<16xf32> to vector<16xf32>
    %convert_element_type3A_24 = arith.fptosi %get3A_23 : vector<16xf32> to vector<16xi32>
    %convert_element_type3A_25 = arith.sitofp %convert_element_type3A_24 : vector<16xi32> to vector<16xf32>
    %gt3A_26 = arith.cmpf ogt, %get3A_23, %convert_element_type3A_25 : vector<16xf32>
    %add3A_27 = arith.constant 1 : i32
    %add3A_28 = vector.broadcast %add3A_27 : i32 to vector<16xi32>
    %add3A_29 = arith.addi %convert_element_type3A_24, %add3A_28 : vector<16xi32>
    %select_n3A_30 = arith.select %gt3A_26, %add3A_29, %convert_element_type3A_24 : vector<16xi1>, vector<16xi32>
    %mul3A_31 = arith.constant 192 : i32
    %mul3A_32 = vector.broadcast %mul3A_31 : i32 to vector<16xi32>
    %mul3A_33 = arith.muli %convert_element_type3A, %mul3A_32 : vector<16xi32>
    %add3A_34 = arith.addi %mul3A_33, %convert_element_type3A_24 : vector<16xi32>
    %mul3A_35 = arith.constant 192 : i32
    %mul3A_36 = vector.broadcast %mul3A_35 : i32 to vector<16xi32>
    %mul3A_37 = arith.muli %select_n3A, %mul3A_36 : vector<16xi32>
    %add3A_38 = arith.addi %mul3A_37, %select_n3A_30 : vector<16xi32>
    %get3A_39 = arith.constant 320 : index
    %get3A_40 = tpu.vector_load %arg7[%get3A_39] {strides = array<i32>} : memref<480xf32, #tpu.memory_space<vmem>>, vector<16xf32>,
    %get3A_41 = vector.shape_cast %get3A_40 : vector<16xf32> to vector<16xf32>
    %convert_element_type3A_42 = arith.fptosi %get3A_41 : vector<16xf32> to vector<16xi32>
    %convert_element_type3A_43 = arith.sitofp %convert_element_type3A_42 : vector<16xi32> to vector<16xf32>
    %gt3A_44 = arith.cmpf ogt, %get3A_41, %convert_element_type3A_43 : vector<16xf32>
    %add3A_45 = arith.constant 1 : i32
    %add3A_46 = vector.broadcast %add3A_45 : i32 to vector<16xi32>
    %add3A_47 = arith.addi %convert_element_type3A_42, %add3A_46 : vector<16xi32>
    %select_n3A_48 = arith.select %gt3A_44, %add3A_47, %convert_element_type3A_42 : vector<16xi1>, vector<16xi32>
    %mul3A_49 = arith.constant 192 : i32
    %mul3A_50 = vector.broadcast %mul3A_49 : i32 to vector<16xi32>
    %mul3A_51 = arith.muli %add3A_34, %mul3A_50 : vector<16xi32>
    %add3A_52 = arith.addi %mul3A_51, %convert_element_type3A_42 : vector<16xi32>
    %mul3A_53 = arith.constant 192 : i32
    %mul3A_54 = vector.broadcast %mul3A_53 : i32 to vector<16xi32>
    %mul3A_55 = arith.muli %add3A_38, %mul3A_54 : vector<16xi32>
    %add3A_56 = arith.addi %mul3A_55, %select_n3A_48 : vector<16xi32>
    %add3A_57 = arith.constant 0 : i32
    %add3A_58 = vector.broadcast %add3A_57 : i32 to vector<16xi32>
    %add3A_59 = arith.addi %add3A_52, %add3A_58 : vector<16xi32>
    %swap3A = arith.constant 0 : index
    %swap3A_60 = tpu.vector_load %arg10[%swap3A] {strides = array<i32>} : memref<960xi32, #tpu.memory_space<vmem>>, vector<16xi32>,
    %swap3A_61 = vector.shape_cast %swap3A_60 : vector<16xi32> to vector<16xi32>
    %swap3A_62 = vector.shape_cast %add3A_59 : vector<16xi32> to vector<16xi32>
    tpu.vector_store %arg10[%swap3A], %swap3A_62 {strides = array<i32>} : memref<960xi32, #tpu.memory_space<vmem>>, vector<16xi32>,
    %add3A_63 = arith.constant 0 : i32
    %add3A_64 = vector.broadcast %add3A_63 : i32 to vector<16xi32>
    %add3A_65 = arith.addi %add3A_56, %add3A_64 : vector<16xi32>
    %swap3A_66 = arith.constant 480 : index
    %swap3A_67 = tpu.vector_load %arg10[%swap3A_66] {strides = array<i32>} : memref<960xi32, #tpu.memory_space<vmem>>, vector<16xi32>,
    %swap3A_68 = vector.shape_cast %swap3A_67 : vector<16xi32> to vector<16xi32>
    %swap3A_69 = vector.shape_cast %add3A_65 : vector<16xi32> to vector<16xi32>
    tpu.vector_store %arg10[%swap3A_66], %swap3A_69 {strides = array<i32>} : memref<960xi32, #tpu.memory_space<vmem>>, vector<16xi32>,
    %add3A_70 = arith.constant 7077888 : i32
    %add3A_71 = vector.broadcast %add3A_70 : i32 to vector<16xi32>
    %add3A_72 = arith.addi %add3A_52, %add3A_71 : vector<16xi32>
    %swap3A_73 = arith.constant 160 : index
    %swap3A_74 = tpu.vector_load %arg10[%swap3A_73] {strides = array<i32>} : memref<960xi32, #tpu.memory_space<vmem>>, vector<16xi32>,
    %swap3A_75 = vector.shape_cast %swap3A_74 : vector<16xi32> to vector<16xi32>
    %swap3A_76 = vector.shape_cast %add3A_72 : vector<16xi32> to vector<16xi32>
    tpu.vector_store %arg10[%swap3A_73], %swap3A_76 {strides = array<i32>} : memref<960xi32, #tpu.memory_space<vmem>>, vector<16xi32>,
    %add3A_77 = arith.constant 7077888 : i32
    %add3A_78 = vector.broadcast %add3A_77 : i32 to vector<16xi32>
    %add3A_79 = arith.addi %add3A_56, %add3A_78 : vector<16xi32>
    %swap3A_80 = arith.constant 640 : index
    %swap3A_81 = tpu.vector_load %arg10[%swap3A_80] {strides = array<i32>} : memref<960xi32, #tpu.memory_space<vmem>>, vector<16xi32>,
    %swap3A_82 = vector.shape_cast %swap3A_81 : vector<16xi32> to vector<16xi32>
    %swap3A_83 = vector.shape_cast %add3A_79 : vector<16xi32> to vector<16xi32>
    tpu.vector_store %arg10[%swap3A_80], %swap3A_83 {strides = array<i32>} : memref<960xi32, #tpu.memory_space<vmem>>, vector<16xi32>,
    %add3A_84 = arith.constant 14155776 : i32
    %add3A_85 = vector.broadcast %add3A_84 : i32 to vector<16xi32>
    %add3A_86 = arith.addi %add3A_52, %add3A_85 : vector<16xi32>
    %swap3A_87 = arith.constant 320 : index
    %swap3A_88 = tpu.vector_load %arg10[%swap3A_87] {strides = array<i32>} : memref<960xi32, #tpu.memory_space<vmem>>, vector<16xi32>,
    %swap3A_89 = vector.shape_cast %swap3A_88 : vector<16xi32> to vector<16xi32>
    %swap3A_90 = vector.shape_cast %add3A_86 : vector<16xi32> to vector<16xi32>
    tpu.vector_store %arg10[%swap3A_87], %swap3A_90 {strides = array<i32>} : memref<960xi32, #tpu.memory_space<vmem>>, vector<16xi32>,
    %add3A_91 = arith.constant 14155776 : i32
    %add3A_92 = vector.broadcast %add3A_91 : i32 to vector<16xi32>
    %add3A_93 = arith.addi %add3A_56, %add3A_92 : vector<16xi32>
    %swap3A_94 = arith.constant 800 : index
    %swap3A_95 = tpu.vector_load %arg10[%swap3A_94] {strides = array<i32>} : memref<960xi32, #tpu.memory_space<vmem>>, vector<16xi32>,
    %swap3A_96 = vector.shape_cast %swap3A_95 : vector<16xi32> to vector<16xi32>
    %swap3A_97 = vector.shape_cast %add3A_93 : vector<16xi32> to vector<16xi32>
    tpu.vector_store %arg10[%swap3A_94], %swap3A_97 {strides = array<i32>} : memref<960xi32, #tpu.memory_space<vmem>>, vector<16xi32>,
    %get3A_98 = arith.constant 16 : index
    %get3A_99 = tpu.vector_load %arg7[%get3A_98] {strides = array<i32>} : memref<480xf32, #tpu.memory_space<vmem>>, vector<16xf32>,
    %get3A_100 = vector.shape_cast %get3A_99 : vector<16xf32> to vector<16xf32>
    %convert_element_type3A_101 = arith.fptosi %get3A_100 : vector<16xf32> to vector<16xi32>
    %convert_element_type3A_102 = arith.sitofp %convert_element_type3A_101 : vector<16xi32> to vector<16xf32>
    %gt3A_103 = arith.cmpf ogt, %get3A_100, %convert_element_type3A_102 : vector<16xf32>
    %add3A_104 = arith.constant 1 : i32
    %add3A_105 = vector.broadcast %add3A_104 : i32 to vector<16xi32>
    %add3A_106 = arith.addi %convert_element_type3A_101, %add3A_105 : vector<16xi32>
    %select_n3A_107 = arith.select %gt3A_103, %add3A_106, %convert_element_type3A_101 : vector<16xi1>, vector<16xi32>
    %get3A_108 = arith.constant 176 : index
    %get3A_109 = tpu.vector_load %arg7[%get3A_108] {strides = array<i32>} : memref<480xf32, #tpu.memory_space<vmem>>, vector<16xf32>,
    %get3A_110 = vector.shape_cast %get3A_109 : vector<16xf32> to vector<16xf32>
    %convert_element_type3A_111 = arith.fptosi %get3A_110 : vector<16xf32> to vector<16xi32>
    %convert_element_type3A_112 = arith.sitofp %convert_element_type3A_111 : vector<16xi32> to vector<16xf32>
    %gt3A_113 = arith.cmpf ogt, %get3A_110, %convert_element_type3A_112 : vector<16xf32>
    %add3A_114 = arith.constant 1 : i32
    %add3A_115 = vector.broadcast %add3A_114 : i32 to vector<16xi32>
    %add3A_116 = arith.addi %convert_element_type3A_111, %add3A_115 : vector<16xi32>
    %select_n3A_117 = arith.select %gt3A_113, %add3A_116, %convert_element_type3A_111 : vector<16xi1>, vector<16xi32>
    %mul3A_118 = arith.constant 192 : i32
    %mul3A_119 = vector.broadcast %mul3A_118 : i32 to vector<16xi32>
    %mul3A_120 = arith.muli %convert_element_type3A_101, %mul3A_119 : vector<16xi32>
    %add3A_121 = arith.addi %mul3A_120, %convert_element_type3A_111 : vector<16xi32>
    %mul3A_122 = arith.constant 192 : i32
    %mul3A_123 = vector.broadcast %mul3A_122 : i32 to vector<16xi32>
    %mul3A_124 = arith.muli %select_n3A_107, %mul3A_123 : vector<16xi32>
    %add3A_125 = arith.addi %mul3A_124, %select_n3A_117 : vector<16xi32>
    %get3A_126 = arith.constant 336 : index
    %get3A_127 = tpu.vector_load %arg7[%get3A_126] {strides = array<i32>} : memref<480xf32, #tpu.memory_space<vmem>>, vector<16xf32>,
    %get3A_128 = vector.shape_cast %get3A_127 : vector<16xf32> to vector<16xf32>
    %convert_element_type3A_129 = arith.fptosi %get3A_128 : vector<16xf32> to vector<16xi32>
    %convert_element_type3A_130 = arith.sitofp %convert_element_type3A_129 : vector<16xi32> to vector<16xf32>
    %gt3A_131 = arith.cmpf ogt, %get3A_128, %convert_element_type3A_130 : vector<16xf32>
    %add3A_132 = arith.constant 1 : i32
    %add3A_133 = vector.broadcast %add3A_132 : i32 to vector<16xi32>
    %add3A_134 = arith.addi %convert_element_type3A_129, %add3A_133 : vector<16xi32>
    %select_n3A_135 = arith.select %gt3A_131, %add3A_134, %convert_element_type3A_129 : vector<16xi1>, vector<16xi32>
    %mul3A_136 = arith.constant 192 : i32
    %mul3A_137 = vector.broadcast %mul3A_136 : i32 to vector<16xi32>
    %mul3A_138 = arith.muli %add3A_121, %mul3A_137 : vector<16xi32>
    %add3A_139 = arith.addi %mul3A_138, %convert_element_type3A_129 : vector<16xi32>
    %mul3A_140 = arith.constant 192 : i32
    %mul3A_141 = vector.broadcast %mul3A_140 : i32 to vector<16xi32>
    %mul3A_142 = arith.muli %add3A_125, %mul3A_141 : vector<16xi32>
    %add3A_143 = arith.addi %mul3A_142, %select_n3A_135 : vector<16xi32>
    %add3A_144 = arith.constant 0 : i32
    %add3A_145 = vector.broadcast %add3A_144 : i32 to vector<16xi32>
    %add3A_146 = arith.addi %add3A_139, %add3A_145 : vector<16xi32>
    %swap3A_147 = arith.constant 16 : index
    %swap3A_148 = tpu.vector_load %arg10[%swap3A_147] {strides = array<i32>} : memref<960xi32, #tpu.memory_space<vmem>>, vector<16xi32>,
    %swap3A_149 = vector.shape_cast %swap3A_148 : vector<16xi32> to vector<16xi32>
    %swap3A_150 = vector.shape_cast %add3A_146 : vector<16xi32> to vector<16xi32>
    tpu.vector_store %arg10[%swap3A_147], %swap3A_150 {strides = array<i32>} : memref<960xi32, #tpu.memory_space<vmem>>, vector<16xi32>,
    %add3A_151 = arith.constant 0 : i32
    %add3A_152 = vector.broadcast %add3A_151 : i32 to vector<16xi32>
    %add3A_153 = arith.addi %add3A_143, %add3A_152 : vector<16xi32>
    %swap3A_154 = arith.constant 496 : index
    %swap3A_155 = tpu.vector_load %arg10[%swap3A_154] {strides = array<i32>} : memref<960xi32, #tpu.memory_space<vmem>>, vector<16xi32>,
    %swap3A_156 = vector.shape_cast %swap3A_155 : vector<16xi32> to vector<16xi32>
    %swap3A_157 = vector.shape_cast %add3A_153 : vector<16xi32> to vector<16xi32>
    tpu.vector_store %arg10[%swap3A_154], %swap3A_157 {strides = array<i32>} : memref<960xi32, #tpu.memory_space<vmem>>, vector<16xi32>,
    %add3A_158 = arith.constant 7077888 : i32
    %add3A_159 = vector.broadcast %add3A_158 : i32 to vector<16xi32>
    %add3A_160 = arith.addi %add3A_139, %add3A_159 : vector<16xi32>
    %swap3A_161 = arith.constant 176 : index
    %swap3A_162 = tpu.vector_load %arg10[%swap3A_161] {strides = array<i32>} : memref<960xi32, #tpu.memory_space<vmem>>, vector<16xi32>,
    %swap3A_163 = vector.shape_cast %swap3A_162 : vector<16xi32> to vector<16xi32>
    %swap3A_164 = vector.shape_cast %add3A_160 : vector<16xi32> to vector<16xi32>
    tpu.vector_store %arg10[%swap3A_161], %swap3A_164 {strides = array<i32>} : memref<960xi32, #tpu.memory_space<vmem>>, vector<16xi32>,
    %add3A_165 = arith.constant 7077888 : i32
    %add3A_166 = vector.broadcast %add3A_165 : i32 to vector<16xi32>
    %add3A_167 = arith.addi %add3A_143, %add3A_166 : vector<16xi32>
    %swap3A_168 = arith.constant 656 : index
    %swap3A_169 = tpu.vector_load %arg10[%swap3A_168] {strides = array<i32>} : memref<960xi32, #tpu.memory_space<vmem>>, vector<16xi32>,
    %swap3A_170 = vector.shape_cast %swap3A_169 : vector<16xi32> to vector<16xi32>
    %swap3A_171 = vector.shape_cast %add3A_167 : vector<16xi32> to vector<16xi32>
    tpu.vector_store %arg10[%swap3A_168], %swap3A_171 {strides = array<i32>} : memref<960xi32, #tpu.memory_space<vmem>>, vector<16xi32>,
    %add3A_172 = arith.constant 14155776 : i32
    %add3A_173 = vector.broadcast %add3A_172 : i32 to vector<16xi32>
    %add3A_174 = arith.addi %add3A_139, %add3A_173 : vector<16xi32>
    %swap3A_175 = arith.constant 336 : index
    %swap3A_176 = tpu.vector_load %arg10[%swap3A_175] {strides = array<i32>} : memref<960xi32, #tpu.memory_space<vmem>>, vector<16xi32>,
    %swap3A_177 = vector.shape_cast %swap3A_176 : vector<16xi32> to vector<16xi32>
    %swap3A_178 = vector.shape_cast %add3A_174 : vector<16xi32> to vector<16xi32>
    tpu.vector_store %arg10[%swap3A_175], %swap3A_178 {strides = array<i32>} : memref<960xi32, #tpu.memory_space<vmem>>, vector<16xi32>,
    %add3A_179 = arith.constant 14155776 : i32
    %add3A_180 = vector.broadcast %add3A_179 : i32 to vector<16xi32>
    %add3A_181 = arith.addi %add3A_143, %add3A_180 : vector<16xi32>
    %swap3A_182 = arith.constant 816 : index
    %swap3A_183 = tpu.vector_load %arg10[%swap3A_182] {strides = array<i32>} : memref<960xi32, #tpu.memory_space<vmem>>, vector<16xi32>,
    %swap3A_184 = vector.shape_cast %swap3A_183 : vector<16xi32> to vector<16xi32>
    %swap3A_185 = vector.shape_cast %add3A_181 : vector<16xi32> to vector<16xi32>
    tpu.vector_store %arg10[%swap3A_182], %swap3A_185 {strides = array<i32>} : memref<960xi32, #tpu.memory_space<vmem>>, vector<16xi32>,
    %get3A_186 = arith.constant 32 : index
    %get3A_187 = tpu.vector_load %arg7[%get3A_186] {strides = array<i32>} : memref<480xf32, #tpu.memory_space<vmem>>, vector<16xf32>,
    %get3A_188 = vector.shape_cast %get3A_187 : vector<16xf32> to vector<16xf32>
    %convert_element_type3A_189 = arith.fptosi %get3A_188 : vector<16xf32> to vector<16xi32>
    %convert_element_type3A_190 = arith.sitofp %convert_element_type3A_189 : vector<16xi32> to vector<16xf32>
    %gt3A_191 = arith.cmpf ogt, %get3A_188, %convert_element_type3A_190 : vector<16xf32>
    %add3A_192 = arith.constant 1 : i32
    %add3A_193 = vector.broadcast %add3A_192 : i32 to vector<16xi32>
    %add3A_194 = arith.addi %convert_element_type3A_189, %add3A_193 : vector<16xi32>
    %select_n3A_195 = arith.select %gt3A_191, %add3A_194, %convert_element_type3A_189 : vector<16xi1>, vector<16xi32>
    %get3A_196 = arith.constant 192 : index
    %get3A_197 = tpu.vector_load %arg7[%get3A_196] {strides = array<i32>} : memref<480xf32, #tpu.memory_space<vmem>>, vector<16xf32>,
    %get3A_198 = vector.shape_cast %get3A_197 : vector<16xf32> to vector<16xf32>
    %convert_element_type3A_199 = arith.fptosi %get3A_198 : vector<16xf32> to vector<16xi32>
    %convert_element_type3A_200 = arith.sitofp %convert_element_type3A_199 : vector<16xi32> to vector<16xf32>
    %gt3A_201 = arith.cmpf ogt, %get3A_198, %convert_element_type3A_200 : vector<16xf32>
    %add3A_202 = arith.constant 1 : i32
    %add3A_203 = vector.broadcast %add3A_202 : i32 to vector<16xi32>
    %add3A_204 = arith.addi %convert_element_type3A_199, %add3A_203 : vector<16xi32>
    %select_n3A_205 = arith.select %gt3A_201, %add3A_204, %convert_element_type3A_199 : vector<16xi1>, vector<16xi32>
    %mul3A_206 = arith.constant 192 : i32
    %mul3A_207 = vector.broadcast %mul3A_206 : i32 to vector<16xi32>
    %mul3A_208 = arith.muli %convert_element_type3A_189, %mul3A_207 : vector<16xi32>
    %add3A_209 = arith.addi %mul3A_208, %convert_element_type3A_199 : vector<16xi32>
    %mul3A_210 = arith.constant 192 : i32
    %mul3A_211 = vector.broadcast %mul3A_210 : i32 to vector<16xi32>
    %mul3A_212 = arith.muli %select_n3A_195, %mul3A_211 : vector<16xi32>
    %add3A_213 = arith.addi %mul3A_212, %select_n3A_205 : vector<16xi32>
    %get3A_214 = arith.constant 352 : index
    %get3A_215 = tpu.vector_load %arg7[%get3A_214] {strides = array<i32>} : memref<480xf32, #tpu.memory_space<vmem>>, vector<16xf32>,
    %get3A_216 = vector.shape_cast %get3A_215 : vector<16xf32> to vector<16xf32>
    %convert_element_type3A_217 = arith.fptosi %get3A_216 : vector<16xf32> to vector<16xi32>
    %convert_element_type3A_218 = arith.sitofp %convert_element_type3A_217 : vector<16xi32> to vector<16xf32>
    %gt3A_219 = arith.cmpf ogt, %get3A_216, %convert_element_type3A_218 : vector<16xf32>
    %add3A_220 = arith.constant 1 : i32
    %add3A_221 = vector.broadcast %add3A_220 : i32 to vector<16xi32>
    %add3A_222 = arith.addi %convert_element_type3A_217, %add3A_221 : vector<16xi32>
    %select_n3A_223 = arith.select %gt3A_219, %add3A_222, %convert_element_type3A_217 : vector<16xi1>, vector<16xi32>
    %mul3A_224 = arith.constant 192 : i32
    %mul3A_225 = vector.broadcast %mul3A_224 : i32 to vector<16xi32>
    %mul3A_226 = arith.muli %add3A_209, %mul3A_225 : vector<16xi32>
    %add3A_227 = arith.addi %mul3A_226, %convert_element_type3A_217 : vector<16xi32>
    %mul3A_228 = arith.constant 192 : i32
    %mul3A_229 = vector.broadcast %mul3A_228 : i32 to vector<16xi32>
    %mul3A_230 = arith.muli %add3A_213, %mul3A_229 : vector<16xi32>
    %add3A_231 = arith.addi %mul3A_230, %select_n3A_223 : vector<16xi32>
    %add3A_232 = arith.constant 0 : i32
    %add3A_233 = vector.broadcast %add3A_232 : i32 to vector<16xi32>
    %add3A_234 = arith.addi %add3A_227, %add3A_233 : vector<16xi32>
    %swap3A_235 = arith.constant 32 : index
    %swap3A_236 = tpu.vector_load %arg10[%swap3A_235] {strides = array<i32>} : memref<960xi32, #tpu.memory_space<vmem>>, vector<16xi32>,
    %swap3A_237 = vector.shape_cast %swap3A_236 : vector<16xi32> to vector<16xi32>
    %swap3A_238 = vector.shape_cast %add3A_234 : vector<16xi32> to vector<16xi32>
    tpu.vector_store %arg10[%swap3A_235], %swap3A_238 {strides = array<i32>} : memref<960xi32, #tpu.memory_space<vmem>>, vector<16xi32>,
    %add3A_239 = arith.constant 0 : i32
    %add3A_240 = vector.broadcast %add3A_239 : i32 to vector<16xi32>
    %add3A_241 = arith.addi %add3A_231, %add3A_240 : vector<16xi32>
    %swap3A_242 = arith.constant 512 : index
    %swap3A_243 = tpu.vector_load %arg10[%swap3A_242] {strides = array<i32>} : memref<960xi32, #tpu.memory_space<vmem>>, vector<16xi32>,
    %swap3A_244 = vector.shape_cast %swap3A_243 : vector<16xi32> to vector<16xi32>
    %swap3A_245 = vector.shape_cast %add3A_241 : vector<16xi32> to vector<16xi32>
    tpu.vector_store %arg10[%swap3A_242], %swap3A_245 {strides = array<i32>} : memref<960xi32, #tpu.memory_space<vmem>>, vector<16xi32>,
    %add3A_246 = arith.constant 7077888 : i32
    %add3A_247 = vector.broadcast %add3A_246 : i32 to vector<16xi32>
    %add3A_248 = arith.addi %add3A_227, %add3A_247 : vector<16xi32>
    %swap3A_249 = arith.constant 192 : index
    %swap3A_250 = tpu.vector_load %arg10[%swap3A_249] {strides = array<i32>} : memref<960xi32, #tpu.memory_space<vmem>>, vector<16xi32>,
    %swap3A_251 = vector.shape_cast %swap3A_250 : vector<16xi32> to vector<16xi32>
    %swap3A_252 = vector.shape_cast %add3A_248 : vector<16xi32> to vector<16xi32>
    tpu.vector_store %arg10[%swap3A_249], %swap3A_252 {strides = array<i32>} : memref<960xi32, #tpu.memory_space<vmem>>, vector<16xi32>,
    %add3A_253 = arith.constant 7077888 : i32
    %add3A_254 = vector.broadcast %add3A_253 : i32 to vector<16xi32>
    %add3A_255 = arith.addi %add3A_231, %add3A_254 : vector<16xi32>
    %swap3A_256 = arith.constant 672 : index
    %swap3A_257 = tpu.vector_load %arg10[%swap3A_256] {strides = array<i32>} : memref<960xi32, #tpu.memory_space<vmem>>, vector<16xi32>,
    %swap3A_258 = vector.shape_cast %swap3A_257 : vector<16xi32> to vector<16xi32>
    %swap3A_259 = vector.shape_cast %add3A_255 : vector<16xi32> to vector<16xi32>
    tpu.vector_store %arg10[%swap3A_256], %swap3A_259 {strides = array<i32>} : memref<960xi32, #tpu.memory_space<vmem>>, vector<16xi32>,
    %add3A_260 = arith.constant 14155776 : i32
    %add3A_261 = vector.broadcast %add3A_260 : i32 to vector<16xi32>
    %add3A_262 = arith.addi %add3A_227, %add3A_261 : vector<16xi32>
    %swap3A_263 = arith.constant 352 : index
    %swap3A_264 = tpu.vector_load %arg10[%swap3A_263] {strides = array<i32>} : memref<960xi32, #tpu.memory_space<vmem>>, vector<16xi32>,
    %swap3A_265 = vector.shape_cast %swap3A_264 : vector<16xi32> to vector<16xi32>
    %swap3A_266 = vector.shape_cast %add3A_262 : vector<16xi32> to vector<16xi32>
    tpu.vector_store %arg10[%swap3A_263], %swap3A_266 {strides = array<i32>} : memref<960xi32, #tpu.memory_space<vmem>>, vector<16xi32>,
    %add3A_267 = arith.constant 14155776 : i32
    %add3A_268 = vector.broadcast %add3A_267 : i32 to vector<16xi32>
    %add3A_269 = arith.addi %add3A_231, %add3A_268 : vector<16xi32>
    %swap3A_270 = arith.constant 832 : index
    %swap3A_271 = tpu.vector_load %arg10[%swap3A_270] {strides = array<i32>} : memref<960xi32, #tpu.memory_space<vmem>>, vector<16xi32>,
    %swap3A_272 = vector.shape_cast %swap3A_271 : vector<16xi32> to vector<16xi32>
    %swap3A_273 = vector.shape_cast %add3A_269 : vector<16xi32> to vector<16xi32>
    tpu.vector_store %arg10[%swap3A_270], %swap3A_273 {strides = array<i32>} : memref<960xi32, #tpu.memory_space<vmem>>, vector<16xi32>,
    %get3A_274 = arith.constant 48 : index
    %get3A_275 = tpu.vector_load %arg7[%get3A_274] {strides = array<i32>} : memref<480xf32, #tpu.memory_space<vmem>>, vector<16xf32>,
    %get3A_276 = vector.shape_cast %get3A_275 : vector<16xf32> to vector<16xf32>
    %convert_element_type3A_277 = arith.fptosi %get3A_276 : vector<16xf32> to vector<16xi32>
    %convert_element_type3A_278 = arith.sitofp %convert_element_type3A_277 : vector<16xi32> to vector<16xf32>
    %gt3A_279 = arith.cmpf ogt, %get3A_276, %convert_element_type3A_278 : vector<16xf32>
    %add3A_280 = arith.constant 1 : i32
    %add3A_281 = vector.broadcast %add3A_280 : i32 to vector<16xi32>
    %add3A_282 = arith.addi %convert_element_type3A_277, %add3A_281 : vector<16xi32>
    %select_n3A_283 = arith.select %gt3A_279, %add3A_282, %convert_element_type3A_277 : vector<16xi1>, vector<16xi32>
    %get3A_284 = arith.constant 208 : index
    %get3A_285 = tpu.vector_load %arg7[%get3A_284] {strides = array<i32>} : memref<480xf32, #tpu.memory_space<vmem>>, vector<16xf32>,
    %get3A_286 = vector.shape_cast %get3A_285 : vector<16xf32> to vector<16xf32>
    %convert_element_type3A_287 = arith.fptosi %get3A_286 : vector<16xf32> to vector<16xi32>
    %convert_element_type3A_288 = arith.sitofp %convert_element_type3A_287 : vector<16xi32> to vector<16xf32>
    %gt3A_289 = arith.cmpf ogt, %get3A_286, %convert_element_type3A_288 : vector<16xf32>
    %add3A_290 = arith.constant 1 : i32
    %add3A_291 = vector.broadcast %add3A_290 : i32 to vector<16xi32>
    %add3A_292 = arith.addi %convert_element_type3A_287, %add3A_291 : vector<16xi32>
    %select_n3A_293 = arith.select %gt3A_289, %add3A_292, %convert_element_type3A_287 : vector<16xi1>, vector<16xi32>
    %mul3A_294 = arith.constant 192 : i32
    %mul3A_295 = vector.broadcast %mul3A_294 : i32 to vector<16xi32>
    %mul3A_296 = arith.muli %convert_element_type3A_277, %mul3A_295 : vector<16xi32>
    %add3A_297 = arith.addi %mul3A_296, %convert_element_type3A_287 : vector<16xi32>
    %mul3A_298 = arith.constant 192 : i32
    %mul3A_299 = vector.broadcast %mul3A_298 : i32 to vector<16xi32>
    %mul3A_300 = arith.muli %select_n3A_283, %mul3A_299 : vector<16xi32>
    %add3A_301 = arith.addi %mul3A_300, %select_n3A_293 : vector<16xi32>
    %get3A_302 = arith.constant 368 : index
    %get3A_303 = tpu.vector_load %arg7[%get3A_302] {strides = array<i32>} : memref<480xf32, #tpu.memory_space<vmem>>, vector<16xf32>,
    %get3A_304 = vector.shape_cast %get3A_303 : vector<16xf32> to vector<16xf32>
    %convert_element_type3A_305 = arith.fptosi %get3A_304 : vector<16xf32> to vector<16xi32>
    %convert_element_type3A_306 = arith.sitofp %convert_element_type3A_305 : vector<16xi32> to vector<16xf32>
    %gt3A_307 = arith.cmpf ogt, %get3A_304, %convert_element_type3A_306 : vector<16xf32>
    %add3A_308 = arith.constant 1 : i32
    %add3A_309 = vector.broadcast %add3A_308 : i32 to vector<16xi32>
    %add3A_310 = arith.addi %convert_element_type3A_305, %add3A_309 : vector<16xi32>
    %select_n3A_311 = arith.select %gt3A_307, %add3A_310, %convert_element_type3A_305 : vector<16xi1>, vector<16xi32>
    %mul3A_312 = arith.constant 192 : i32
    %mul3A_313 = vector.broadcast %mul3A_312 : i32 to vector<16xi32>
    %mul3A_314 = arith.muli %add3A_297, %mul3A_313 : vector<16xi32>
    %add3A_315 = arith.addi %mul3A_314, %convert_element_type3A_305 : vector<16xi32>
    %mul3A_316 = arith.constant 192 : i32
    %mul3A_317 = vector.broadcast %mul3A_316 : i32 to vector<16xi32>
    %mul3A_318 = arith.muli %add3A_301, %mul3A_317 : vector<16xi32>
    %add3A_319 = arith.addi %mul3A_318, %select_n3A_311 : vector<16xi32>
    %add3A_320 = arith.constant 0 : i32
    %add3A_321 = vector.broadcast %add3A_320 : i32 to vector<16xi32>
    %add3A_322 = arith.addi %add3A_315, %add3A_321 : vector<16xi32>
    %swap3A_323 = arith.constant 48 : index
    %swap3A_324 = tpu.vector_load %arg10[%swap3A_323] {strides = array<i32>} : memref<960xi32, #tpu.memory_space<vmem>>, vector<16xi32>,
    %swap3A_325 = vector.shape_cast %swap3A_324 : vector<16xi32> to vector<16xi32>
    %swap3A_326 = vector.shape_cast %add3A_322 : vector<16xi32> to vector<16xi32>
    tpu.vector_store %arg10[%swap3A_323], %swap3A_326 {strides = array<i32>} : memref<960xi32, #tpu.memory_space<vmem>>, vector<16xi32>,
    %add3A_327 = arith.constant 0 : i32
    %add3A_328 = vector.broadcast %add3A_327 : i32 to vector<16xi32>
    %add3A_329 = arith.addi %add3A_319, %add3A_328 : vector<16xi32>
    %swap3A_330 = arith.constant 528 : index
    %swap3A_331 = tpu.vector_load %arg10[%swap3A_330] {strides = array<i32>} : memref<960xi32, #tpu.memory_space<vmem>>, vector<16xi32>,
    %swap3A_332 = vector.shape_cast %swap3A_331 : vector<16xi32> to vector<16xi32>
    %swap3A_333 = vector.shape_cast %add3A_329 : vector<16xi32> to vector<16xi32>
    tpu.vector_store %arg10[%swap3A_330], %swap3A_333 {strides = array<i32>} : memref<960xi32, #tpu.memory_space<vmem>>, vector<16xi32>,
    %add3A_334 = arith.constant 7077888 : i32
    %add3A_335 = vector.broadcast %add3A_334 : i32 to vector<16xi32>
    %add3A_336 = arith.addi %add3A_315, %add3A_335 : vector<16xi32>
    %swap3A_337 = arith.constant 208 : index
    %swap3A_338 = tpu.vector_load %arg10[%swap3A_337] {strides = array<i32>} : memref<960xi32, #tpu.memory_space<vmem>>, vector<16xi32>,
    %swap3A_339 = vector.shape_cast %swap3A_338 : vector<16xi32> to vector<16xi32>
    %swap3A_340 = vector.shape_cast %add3A_336 : vector<16xi32> to vector<16xi32>
    tpu.vector_store %arg10[%swap3A_337], %swap3A_340 {strides = array<i32>} : memref<960xi32, #tpu.memory_space<vmem>>, vector<16xi32>,
    %add3A_341 = arith.constant 7077888 : i32
    %add3A_342 = vector.broadcast %add3A_341 : i32 to vector<16xi32>
    %add3A_343 = arith.addi %add3A_319, %add3A_342 : vector<16xi32>
    %swap3A_344 = arith.constant 688 : index
    %swap3A_345 = tpu.vector_load %arg10[%swap3A_344] {strides = array<i32>} : memref<960xi32, #tpu.memory_space<vmem>>, vector<16xi32>,
    %swap3A_346 = vector.shape_cast %swap3A_345 : vector<16xi32> to vector<16xi32>
    %swap3A_347 = vector.shape_cast %add3A_343 : vector<16xi32> to vector<16xi32>
    tpu.vector_store %arg10[%swap3A_344], %swap3A_347 {strides = array<i32>} : memref<960xi32, #tpu.memory_space<vmem>>, vector<16xi32>,
    %add3A_348 = arith.constant 14155776 : i32
    %add3A_349 = vector.broadcast %add3A_348 : i32 to vector<16xi32>
    %add3A_350 = arith.addi %add3A_315, %add3A_349 : vector<16xi32>
    %swap3A_351 = arith.constant 368 : index
    %swap3A_352 = tpu.vector_load %arg10[%swap3A_351] {strides = array<i32>} : memref<960xi32, #tpu.memory_space<vmem>>, vector<16xi32>,
    %swap3A_353 = vector.shape_cast %swap3A_352 : vector<16xi32> to vector<16xi32>
    %swap3A_354 = vector.shape_cast %add3A_350 : vector<16xi32> to vector<16xi32>
    tpu.vector_store %arg10[%swap3A_351], %swap3A_354 {strides = array<i32>} : memref<960xi32, #tpu.memory_space<vmem>>, vector<16xi32>,
    %add3A_355 = arith.constant 14155776 : i32
    %add3A_356 = vector.broadcast %add3A_355 : i32 to vector<16xi32>
    %add3A_357 = arith.addi %add3A_319, %add3A_356 : vector<16xi32>
    %swap3A_358 = arith.constant 848 : index
    %swap3A_359 = tpu.vector_load %arg10[%swap3A_358] {strides = array<i32>} : memref<960xi32, #tpu.memory_space<vmem>>, vector<16xi32>,
    %swap3A_360 = vector.shape_cast %swap3A_359 : vector<16xi32> to vector<16xi32>
    %swap3A_361 = vector.shape_cast %add3A_357 : vector<16xi32> to vector<16xi32>
    tpu.vector_store %arg10[%swap3A_358], %swap3A_361 {strides = array<i32>} : memref<960xi32, #tpu.memory_space<vmem>>, vector<16xi32>,
    %get3A_362 = arith.constant 64 : index
    %get3A_363 = tpu.vector_load %arg7[%get3A_362] {strides = array<i32>} : memref<480xf32, #tpu.memory_space<vmem>>, vector<16xf32>,
    %get3A_364 = vector.shape_cast %get3A_363 : vector<16xf32> to vector<16xf32>
    %convert_element_type3A_365 = arith.fptosi %get3A_364 : vector<16xf32> to vector<16xi32>
    %convert_element_type3A_366 = arith.sitofp %convert_element_type3A_365 : vector<16xi32> to vector<16xf32>
    %gt3A_367 = arith.cmpf ogt, %get3A_364, %convert_element_type3A_366 : vector<16xf32>
    %add3A_368 = arith.constant 1 : i32
    %add3A_369 = vector.broadcast %add3A_368 : i32 to vector<16xi32>
    %add3A_370 = arith.addi %convert_element_type3A_365, %add3A_369 : vector<16xi32>
    %select_n3A_371 = arith.select %gt3A_367, %add3A_370, %convert_element_type3A_365 : vector<16xi1>, vector<16xi32>
    %get3A_372 = arith.constant 224 : index
    %get3A_373 = tpu.vector_load %arg7[%get3A_372] {strides = array<i32>} : memref<480xf32, #tpu.memory_space<vmem>>, vector<16xf32>,
    %get3A_374 = vector.shape_cast %get3A_373 : vector<16xf32> to vector<16xf32>
    %convert_element_type3A_375 = arith.fptosi %get3A_374 : vector<16xf32> to vector<16xi32>
    %convert_element_type3A_376 = arith.sitofp %convert_element_type3A_375 : vector<16xi32> to vector<16xf32>
    %gt3A_377 = arith.cmpf ogt, %get3A_374, %convert_element_type3A_376 : vector<16xf32>
    %add3A_378 = arith.constant 1 : i32
    %add3A_379 = vector.broadcast %add3A_378 : i32 to vector<16xi32>
    %add3A_380 = arith.addi %convert_element_type3A_375, %add3A_379 : vector<16xi32>
    %select_n3A_381 = arith.select %gt3A_377, %add3A_380, %convert_element_type3A_375 : vector<16xi1>, vector<16xi32>
    %mul3A_382 = arith.constant 192 : i32
    %mul3A_383 = vector.broadcast %mul3A_382 : i32 to vector<16xi32>
    %mul3A_384 = arith.muli %convert_element_type3A_365, %mul3A_383 : vector<16xi32>
    %add3A_385 = arith.addi %mul3A_384, %convert_element_type3A_375 : vector<16xi32>
    %mul3A_386 = arith.constant 192 : i32
    %mul3A_387 = vector.broadcast %mul3A_386 : i32 to vector<16xi32>
    %mul3A_388 = arith.muli %select_n3A_371, %mul3A_387 : vector<16xi32>
    %add3A_389 = arith.addi %mul3A_388, %select_n3A_381 : vector<16xi32>
    %get3A_390 = arith.constant 384 : index
    %get3A_391 = tpu.vector_load %arg7[%get3A_390] {strides = array<i32>} : memref<480xf32, #tpu.memory_space<vmem>>, vector<16xf32>,
    %get3A_392 = vector.shape_cast %get3A_391 : vector<16xf32> to vector<16xf32>
    %convert_element_type3A_393 = arith.fptosi %get3A_392 : vector<16xf32> to vector<16xi32>
    %convert_element_type3A_394 = arith.sitofp %convert_element_type3A_393 : vector<16xi32> to vector<16xf32>
    %gt3A_395 = arith.cmpf ogt, %get3A_392, %convert_element_type3A_394 : vector<16xf32>
    %add3A_396 = arith.constant 1 : i32
    %add3A_397 = vector.broadcast %add3A_396 : i32 to vector<16xi32>
    %add3A_398 = arith.addi %convert_element_type3A_393, %add3A_397 : vector<16xi32>
    %select_n3A_399 = arith.select %gt3A_395, %add3A_398, %convert_element_type3A_393 : vector<16xi1>, vector<16xi32>
    %mul3A_400 = arith.constant 192 : i32
    %mul3A_401 = vector.broadcast %mul3A_400 : i32 to vector<16xi32>
    %mul3A_402 = arith.muli %add3A_385, %mul3A_401 : vector<16xi32>
    %add3A_403 = arith.addi %mul3A_402, %convert_element_type3A_393 : vector<16xi32>
    %mul3A_404 = arith.constant 192 : i32
    %mul3A_405 = vector.broadcast %mul3A_404 : i32 to vector<16xi32>
    %mul3A_406 = arith.muli %add3A_389, %mul3A_405 : vector<16xi32>
    %add3A_407 = arith.addi %mul3A_406, %select_n3A_399 : vector<16xi32>
    %add3A_408 = arith.constant 0 : i32
    %add3A_409 = vector.broadcast %add3A_408 : i32 to vector<16xi32>
    %add3A_410 = arith.addi %add3A_403, %add3A_409 : vector<16xi32>
    %swap3A_411 = arith.constant 64 : index
    %swap3A_412 = tpu.vector_load %arg10[%swap3A_411] {strides = array<i32>} : memref<960xi32, #tpu.memory_space<vmem>>, vector<16xi32>,
    %swap3A_413 = vector.shape_cast %swap3A_412 : vector<16xi32> to vector<16xi32>
    %swap3A_414 = vector.shape_cast %add3A_410 : vector<16xi32> to vector<16xi32>
    tpu.vector_store %arg10[%swap3A_411], %swap3A_414 {strides = array<i32>} : memref<960xi32, #tpu.memory_space<vmem>>, vector<16xi32>,
    %add3A_415 = arith.constant 0 : i32
    %add3A_416 = vector.broadcast %add3A_415 : i32 to vector<16xi32>
    %add3A_417 = arith.addi %add3A_407, %add3A_416 : vector<16xi32>
    %swap3A_418 = arith.constant 544 : index
    %swap3A_419 = tpu.vector_load %arg10[%swap3A_418] {strides = array<i32>} : memref<960xi32, #tpu.memory_space<vmem>>, vector<16xi32>,
    %swap3A_420 = vector.shape_cast %swap3A_419 : vector<16xi32> to vector<16xi32>
    %swap3A_421 = vector.shape_cast %add3A_417 : vector<16xi32> to vector<16xi32>
    tpu.vector_store %arg10[%swap3A_418], %swap3A_421 {strides = array<i32>} : memref<960xi32, #tpu.memory_space<vmem>>, vector<16xi32>,
    %add3A_422 = arith.constant 7077888 : i32
    %add3A_423 = vector.broadcast %add3A_422 : i32 to vector<16xi32>
    %add3A_424 = arith.addi %add3A_403, %add3A_423 : vector<16xi32>
    %swap3A_425 = arith.constant 224 : index
    %swap3A_426 = tpu.vector_load %arg10[%swap3A_425] {strides = array<i32>} : memref<960xi32, #tpu.memory_space<vmem>>, vector<16xi32>,
    %swap3A_427 = vector.shape_cast %swap3A_426 : vector<16xi32> to vector<16xi32>
    %swap3A_428 = vector.shape_cast %add3A_424 : vector<16xi32> to vector<16xi32>
    tpu.vector_store %arg10[%swap3A_425], %swap3A_428 {strides = array<i32>} : memref<960xi32, #tpu.memory_space<vmem>>, vector<16xi32>,
    %add3A_429 = arith.constant 7077888 : i32
    %add3A_430 = vector.broadcast %add3A_429 : i32 to vector<16xi32>
    %add3A_431 = arith.addi %add3A_407, %add3A_430 : vector<16xi32>
    %swap3A_432 = arith.constant 704 : index
    %swap3A_433 = tpu.vector_load %arg10[%swap3A_432] {strides = array<i32>} : memref<960xi32, #tpu.memory_space<vmem>>, vector<16xi32>,
    %swap3A_434 = vector.shape_cast %swap3A_433 : vector<16xi32> to vector<16xi32>
    %swap3A_435 = vector.shape_cast %add3A_431 : vector<16xi32> to vector<16xi32>
    tpu.vector_store %arg10[%swap3A_432], %swap3A_435 {strides = array<i32>} : memref<960xi32, #tpu.memory_space<vmem>>, vector<16xi32>,
    %add3A_436 = arith.constant 14155776 : i32
    %add3A_437 = vector.broadcast %add3A_436 : i32 to vector<16xi32>
    %add3A_438 = arith.addi %add3A_403, %add3A_437 : vector<16xi32>
    %swap3A_439 = arith.constant 384 : index
    %swap3A_440 = tpu.vector_load %arg10[%swap3A_439] {strides = array<i32>} : memref<960xi32, #tpu.memory_space<vmem>>, vector<16xi32>,
    %swap3A_441 = vector.shape_cast %swap3A_440 : vector<16xi32> to vector<16xi32>
    %swap3A_442 = vector.shape_cast %add3A_438 : vector<16xi32> to vector<16xi32>
    tpu.vector_store %arg10[%swap3A_439], %swap3A_442 {strides = array<i32>} : memref<960xi32, #tpu.memory_space<vmem>>, vector<16xi32>,
    %add3A_443 = arith.constant 14155776 : i32
    %add3A_444 = vector.broadcast %add3A_443 : i32 to vector<16xi32>
    %add3A_445 = arith.addi %add3A_407, %add3A_444 : vector<16xi32>
    %swap3A_446 = arith.constant 864 : index
    %swap3A_447 = tpu.vector_load %arg10[%swap3A_446] {strides = array<i32>} : memref<960xi32, #tpu.memory_space<vmem>>, vector<16xi32>,
    %swap3A_448 = vector.shape_cast %swap3A_447 : vector<16xi32> to vector<16xi32>
    %swap3A_449 = vector.shape_cast %add3A_445 : vector<16xi32> to vector<16xi32>
    tpu.vector_store %arg10[%swap3A_446], %swap3A_449 {strides = array<i32>} : memref<960xi32, #tpu.memory_space<vmem>>, vector<16xi32>,
    %get3A_450 = arith.constant 80 : index
    %get3A_451 = tpu.vector_load %arg7[%get3A_450] {strides = array<i32>} : memref<480xf32, #tpu.memory_space<vmem>>, vector<16xf32>,
    %get3A_452 = vector.shape_cast %get3A_451 : vector<16xf32> to vector<16xf32>
    %convert_element_type3A_453 = arith.fptosi %get3A_452 : vector<16xf32> to vector<16xi32>
    %convert_element_type3A_454 = arith.sitofp %convert_element_type3A_453 : vector<16xi32> to vector<16xf32>
    %gt3A_455 = arith.cmpf ogt, %get3A_452, %convert_element_type3A_454 : vector<16xf32>
    %add3A_456 = arith.constant 1 : i32
    %add3A_457 = vector.broadcast %add3A_456 : i32 to vector<16xi32>
    %add3A_458 = arith.addi %convert_element_type3A_453, %add3A_457 : vector<16xi32>
    %select_n3A_459 = arith.select %gt3A_455, %add3A_458, %convert_element_type3A_453 : vector<16xi1>, vector<16xi32>
    %get3A_460 = arith.constant 240 : index
    %get3A_461 = tpu.vector_load %arg7[%get3A_460] {strides = array<i32>} : memref<480xf32, #tpu.memory_space<vmem>>, vector<16xf32>,
    %get3A_462 = vector.shape_cast %get3A_461 : vector<16xf32> to vector<16xf32>
    %convert_element_type3A_463 = arith.fptosi %get3A_462 : vector<16xf32> to vector<16xi32>
    %convert_element_type3A_464 = arith.sitofp %convert_element_type3A_463 : vector<16xi32> to vector<16xf32>
    %gt3A_465 = arith.cmpf ogt, %get3A_462, %convert_element_type3A_464 : vector<16xf32>
    %add3A_466 = arith.constant 1 : i32
    %add3A_467 = vector.broadcast %add3A_466 : i32 to vector<16xi32>
    %add3A_468 = arith.addi %convert_element_type3A_463, %add3A_467 : vector<16xi32>
    %select_n3A_469 = arith.select %gt3A_465, %add3A_468, %convert_element_type3A_463 : vector<16xi1>, vector<16xi32>
    %mul3A_470 = arith.constant 192 : i32
    %mul3A_471 = vector.broadcast %mul3A_470 : i32 to vector<16xi32>
    %mul3A_472 = arith.muli %convert_element_type3A_453, %mul3A_471 : vector<16xi32>
    %add3A_473 = arith.addi %mul3A_472, %convert_element_type3A_463 : vector<16xi32>
    %mul3A_474 = arith.constant 192 : i32
    %mul3A_475 = vector.broadcast %mul3A_474 : i32 to vector<16xi32>
    %mul3A_476 = arith.muli %select_n3A_459, %mul3A_475 : vector<16xi32>
    %add3A_477 = arith.addi %mul3A_476, %select_n3A_469 : vector<16xi32>
    %get3A_478 = arith.constant 400 : index
    %get3A_479 = tpu.vector_load %arg7[%get3A_478] {strides = array<i32>} : memref<480xf32, #tpu.memory_space<vmem>>, vector<16xf32>,
    %get3A_480 = vector.shape_cast %get3A_479 : vector<16xf32> to vector<16xf32>
    %convert_element_type3A_481 = arith.fptosi %get3A_480 : vector<16xf32> to vector<16xi32>
    %convert_element_type3A_482 = arith.sitofp %convert_element_type3A_481 : vector<16xi32> to vector<16xf32>
    %gt3A_483 = arith.cmpf ogt, %get3A_480, %convert_element_type3A_482 : vector<16xf32>
    %add3A_484 = arith.constant 1 : i32
    %add3A_485 = vector.broadcast %add3A_484 : i32 to vector<16xi32>
    %add3A_486 = arith.addi %convert_element_type3A_481, %add3A_485 : vector<16xi32>
    %select_n3A_487 = arith.select %gt3A_483, %add3A_486, %convert_element_type3A_481 : vector<16xi1>, vector<16xi32>
    %mul3A_488 = arith.constant 192 : i32
    %mul3A_489 = vector.broadcast %mul3A_488 : i32 to vector<16xi32>
    %mul3A_490 = arith.muli %add3A_473, %mul3A_489 : vector<16xi32>
    %add3A_491 = arith.addi %mul3A_490, %convert_element_type3A_481 : vector<16xi32>
    %mul3A_492 = arith.constant 192 : i32
    %mul3A_493 = vector.broadcast %mul3A_492 : i32 to vector<16xi32>
    %mul3A_494 = arith.muli %add3A_477, %mul3A_493 : vector<16xi32>
    %add3A_495 = arith.addi %mul3A_494, %select_n3A_487 : vector<16xi32>
    %add3A_496 = arith.constant 0 : i32
    %add3A_497 = vector.broadcast %add3A_496 : i32 to vector<16xi32>
    %add3A_498 = arith.addi %add3A_491, %add3A_497 : vector<16xi32>
    %swap3A_499 = arith.constant 80 : index
    %swap3A_500 = tpu.vector_load %arg10[%swap3A_499] {strides = array<i32>} : memref<960xi32, #tpu.memory_space<vmem>>, vector<16xi32>,
    %swap3A_501 = vector.shape_cast %swap3A_500 : vector<16xi32> to vector<16xi32>
    %swap3A_502 = vector.shape_cast %add3A_498 : vector<16xi32> to vector<16xi32>
    tpu.vector_store %arg10[%swap3A_499], %swap3A_502 {strides = array<i32>} : memref<960xi32, #tpu.memory_space<vmem>>, vector<16xi32>,
    %add3A_503 = arith.constant 0 : i32
    %add3A_504 = vector.broadcast %add3A_503 : i32 to vector<16xi32>
    %add3A_505 = arith.addi %add3A_495, %add3A_504 : vector<16xi32>
    %swap3A_506 = arith.constant 560 : index
    %swap3A_507 = tpu.vector_load %arg10[%swap3A_506] {strides = array<i32>} : memref<960xi32, #tpu.memory_space<vmem>>, vector<16xi32>,
    %swap3A_508 = vector.shape_cast %swap3A_507 : vector<16xi32> to vector<16xi32>
    %swap3A_509 = vector.shape_cast %add3A_505 : vector<16xi32> to vector<16xi32>
    tpu.vector_store %arg10[%swap3A_506], %swap3A_509 {strides = array<i32>} : memref<960xi32, #tpu.memory_space<vmem>>, vector<16xi32>,
    %add3A_510 = arith.constant 7077888 : i32
    %add3A_511 = vector.broadcast %add3A_510 : i32 to vector<16xi32>
    %add3A_512 = arith.addi %add3A_491, %add3A_511 : vector<16xi32>
    %swap3A_513 = arith.constant 240 : index
    %swap3A_514 = tpu.vector_load %arg10[%swap3A_513] {strides = array<i32>} : memref<960xi32, #tpu.memory_space<vmem>>, vector<16xi32>,
    %swap3A_515 = vector.shape_cast %swap3A_514 : vector<16xi32> to vector<16xi32>
    %swap3A_516 = vector.shape_cast %add3A_512 : vector<16xi32> to vector<16xi32>
    tpu.vector_store %arg10[%swap3A_513], %swap3A_516 {strides = array<i32>} : memref<960xi32, #tpu.memory_space<vmem>>, vector<16xi32>,
    %add3A_517 = arith.constant 7077888 : i32
    %add3A_518 = vector.broadcast %add3A_517 : i32 to vector<16xi32>
    %add3A_519 = arith.addi %add3A_495, %add3A_518 : vector<16xi32>
    %swap3A_520 = arith.constant 720 : index
    %swap3A_521 = tpu.vector_load %arg10[%swap3A_520] {strides = array<i32>} : memref<960xi32, #tpu.memory_space<vmem>>, vector<16xi32>,
    %swap3A_522 = vector.shape_cast %swap3A_521 : vector<16xi32> to vector<16xi32>
    %swap3A_523 = vector.shape_cast %add3A_519 : vector<16xi32> to vector<16xi32>
    tpu.vector_store %arg10[%swap3A_520], %swap3A_523 {strides = array<i32>} : memref<960xi32, #tpu.memory_space<vmem>>, vector<16xi32>,
    %add3A_524 = arith.constant 14155776 : i32
    %add3A_525 = vector.broadcast %add3A_524 : i32 to vector<16xi32>
    %add3A_526 = arith.addi %add3A_491, %add3A_525 : vector<16xi32>
    %swap3A_527 = arith.constant 400 : index
    %swap3A_528 = tpu.vector_load %arg10[%swap3A_527] {strides = array<i32>} : memref<960xi32, #tpu.memory_space<vmem>>, vector<16xi32>,
    %swap3A_529 = vector.shape_cast %swap3A_528 : vector<16xi32> to vector<16xi32>
    %swap3A_530 = vector.shape_cast %add3A_526 : vector<16xi32> to vector<16xi32>
    tpu.vector_store %arg10[%swap3A_527], %swap3A_530 {strides = array<i32>} : memref<960xi32, #tpu.memory_space<vmem>>, vector<16xi32>,
    %add3A_531 = arith.constant 14155776 : i32
    %add3A_532 = vector.broadcast %add3A_531 : i32 to vector<16xi32>
    %add3A_533 = arith.addi %add3A_495, %add3A_532 : vector<16xi32>
    %swap3A_534 = arith.constant 880 : index
    %swap3A_535 = tpu.vector_load %arg10[%swap3A_534] {strides = array<i32>} : memref<960xi32, #tpu.memory_space<vmem>>, vector<16xi32>,
    %swap3A_536 = vector.shape_cast %swap3A_535 : vector<16xi32> to vector<16xi32>
    %swap3A_537 = vector.shape_cast %add3A_533 : vector<16xi32> to vector<16xi32>
    tpu.vector_store %arg10[%swap3A_534], %swap3A_537 {strides = array<i32>} : memref<960xi32, #tpu.memory_space<vmem>>, vector<16xi32>,
    %get3A_538 = arith.constant 96 : index
    %get3A_539 = tpu.vector_load %arg7[%get3A_538] {strides = array<i32>} : memref<480xf32, #tpu.memory_space<vmem>>, vector<16xf32>,
    %get3A_540 = vector.shape_cast %get3A_539 : vector<16xf32> to vector<16xf32>
    %convert_element_type3A_541 = arith.fptosi %get3A_540 : vector<16xf32> to vector<16xi32>
    %convert_element_type3A_542 = arith.sitofp %convert_element_type3A_541 : vector<16xi32> to vector<16xf32>
    %gt3A_543 = arith.cmpf ogt, %get3A_540, %convert_element_type3A_542 : vector<16xf32>
    %add3A_544 = arith.constant 1 : i32
    %add3A_545 = vector.broadcast %add3A_544 : i32 to vector<16xi32>
    %add3A_546 = arith.addi %convert_element_type3A_541, %add3A_545 : vector<16xi32>
    %select_n3A_547 = arith.select %gt3A_543, %add3A_546, %convert_element_type3A_541 : vector<16xi1>, vector<16xi32>
    %get3A_548 = arith.constant 256 : index
    %get3A_549 = tpu.vector_load %arg7[%get3A_548] {strides = array<i32>} : memref<480xf32, #tpu.memory_space<vmem>>, vector<16xf32>,
    %get3A_550 = vector.shape_cast %get3A_549 : vector<16xf32> to vector<16xf32>
    %convert_element_type3A_551 = arith.fptosi %get3A_550 : vector<16xf32> to vector<16xi32>
    %convert_element_type3A_552 = arith.sitofp %convert_element_type3A_551 : vector<16xi32> to vector<16xf32>
    %gt3A_553 = arith.cmpf ogt, %get3A_550, %convert_element_type3A_552 : vector<16xf32>
    %add3A_554 = arith.constant 1 : i32
    %add3A_555 = vector.broadcast %add3A_554 : i32 to vector<16xi32>
    %add3A_556 = arith.addi %convert_element_type3A_551, %add3A_555 : vector<16xi32>
    %select_n3A_557 = arith.select %gt3A_553, %add3A_556, %convert_element_type3A_551 : vector<16xi1>, vector<16xi32>
    %mul3A_558 = arith.constant 192 : i32
    %mul3A_559 = vector.broadcast %mul3A_558 : i32 to vector<16xi32>
    %mul3A_560 = arith.muli %convert_element_type3A_541, %mul3A_559 : vector<16xi32>
    %add3A_561 = arith.addi %mul3A_560, %convert_element_type3A_551 : vector<16xi32>
    %mul3A_562 = arith.constant 192 : i32
    %mul3A_563 = vector.broadcast %mul3A_562 : i32 to vector<16xi32>
    %mul3A_564 = arith.muli %select_n3A_547, %mul3A_563 : vector<16xi32>
    %add3A_565 = arith.addi %mul3A_564, %select_n3A_557 : vector<16xi32>
    %get3A_566 = arith.constant 416 : index
    %get3A_567 = tpu.vector_load %arg7[%get3A_566] {strides = array<i32>} : memref<480xf32, #tpu.memory_space<vmem>>, vector<16xf32>,
    %get3A_568 = vector.shape_cast %get3A_567 : vector<16xf32> to vector<16xf32>
    %convert_element_type3A_569 = arith.fptosi %get3A_568 : vector<16xf32> to vector<16xi32>
    %convert_element_type3A_570 = arith.sitofp %convert_element_type3A_569 : vector<16xi32> to vector<16xf32>
    %gt3A_571 = arith.cmpf ogt, %get3A_568, %convert_element_type3A_570 : vector<16xf32>
    %add3A_572 = arith.constant 1 : i32
    %add3A_573 = vector.broadcast %add3A_572 : i32 to vector<16xi32>
    %add3A_574 = arith.addi %convert_element_type3A_569, %add3A_573 : vector<16xi32>
    %select_n3A_575 = arith.select %gt3A_571, %add3A_574, %convert_element_type3A_569 : vector<16xi1>, vector<16xi32>
    %mul3A_576 = arith.constant 192 : i32
    %mul3A_577 = vector.broadcast %mul3A_576 : i32 to vector<16xi32>
    %mul3A_578 = arith.muli %add3A_561, %mul3A_577 : vector<16xi32>
    %add3A_579 = arith.addi %mul3A_578, %convert_element_type3A_569 : vector<16xi32>
    %mul3A_580 = arith.constant 192 : i32
    %mul3A_581 = vector.broadcast %mul3A_580 : i32 to vector<16xi32>
    %mul3A_582 = arith.muli %add3A_565, %mul3A_581 : vector<16xi32>
    %add3A_583 = arith.addi %mul3A_582, %select_n3A_575 : vector<16xi32>
    %add3A_584 = arith.constant 0 : i32
    %add3A_585 = vector.broadcast %add3A_584 : i32 to vector<16xi32>
    %add3A_586 = arith.addi %add3A_579, %add3A_585 : vector<16xi32>
    %swap3A_587 = arith.constant 96 : index
    %swap3A_588 = tpu.vector_load %arg10[%swap3A_587] {strides = array<i32>} : memref<960xi32, #tpu.memory_space<vmem>>, vector<16xi32>,
    %swap3A_589 = vector.shape_cast %swap3A_588 : vector<16xi32> to vector<16xi32>
    %swap3A_590 = vector.shape_cast %add3A_586 : vector<16xi32> to vector<16xi32>
    tpu.vector_store %arg10[%swap3A_587], %swap3A_590 {strides = array<i32>} : memref<960xi32, #tpu.memory_space<vmem>>, vector<16xi32>,
    %add3A_591 = arith.constant 0 : i32
    %add3A_592 = vector.broadcast %add3A_591 : i32 to vector<16xi32>
    %add3A_593 = arith.addi %add3A_583, %add3A_592 : vector<16xi32>
    %swap3A_594 = arith.constant 576 : index
    %swap3A_595 = tpu.vector_load %arg10[%swap3A_594] {strides = array<i32>} : memref<960xi32, #tpu.memory_space<vmem>>, vector<16xi32>,
    %swap3A_596 = vector.shape_cast %swap3A_595 : vector<16xi32> to vector<16xi32>
    %swap3A_597 = vector.shape_cast %add3A_593 : vector<16xi32> to vector<16xi32>
    tpu.vector_store %arg10[%swap3A_594], %swap3A_597 {strides = array<i32>} : memref<960xi32, #tpu.memory_space<vmem>>, vector<16xi32>,
    %add3A_598 = arith.constant 7077888 : i32
    %add3A_599 = vector.broadcast %add3A_598 : i32 to vector<16xi32>
    %add3A_600 = arith.addi %add3A_579, %add3A_599 : vector<16xi32>
    %swap3A_601 = arith.constant 256 : index
    %swap3A_602 = tpu.vector_load %arg10[%swap3A_601] {strides = array<i32>} : memref<960xi32, #tpu.memory_space<vmem>>, vector<16xi32>,
    %swap3A_603 = vector.shape_cast %swap3A_602 : vector<16xi32> to vector<16xi32>
    %swap3A_604 = vector.shape_cast %add3A_600 : vector<16xi32> to vector<16xi32>
    tpu.vector_store %arg10[%swap3A_601], %swap3A_604 {strides = array<i32>} : memref<960xi32, #tpu.memory_space<vmem>>, vector<16xi32>,
    %add3A_605 = arith.constant 7077888 : i32
    %add3A_606 = vector.broadcast %add3A_605 : i32 to vector<16xi32>
    %add3A_607 = arith.addi %add3A_583, %add3A_606 : vector<16xi32>
    %swap3A_608 = arith.constant 736 : index
    %swap3A_609 = tpu.vector_load %arg10[%swap3A_608] {strides = array<i32>} : memref<960xi32, #tpu.memory_space<vmem>>, vector<16xi32>,
    %swap3A_610 = vector.shape_cast %swap3A_609 : vector<16xi32> to vector<16xi32>
    %swap3A_611 = vector.shape_cast %add3A_607 : vector<16xi32> to vector<16xi32>
    tpu.vector_store %arg10[%swap3A_608], %swap3A_611 {strides = array<i32>} : memref<960xi32, #tpu.memory_space<vmem>>, vector<16xi32>,
    %add3A_612 = arith.constant 14155776 : i32
    %add3A_613 = vector.broadcast %add3A_612 : i32 to vector<16xi32>
    %add3A_614 = arith.addi %add3A_579, %add3A_613 : vector<16xi32>
    %swap3A_615 = arith.constant 416 : index
    %swap3A_616 = tpu.vector_load %arg10[%swap3A_615] {strides = array<i32>} : memref<960xi32, #tpu.memory_space<vmem>>, vector<16xi32>,
    %swap3A_617 = vector.shape_cast %swap3A_616 : vector<16xi32> to vector<16xi32>
    %swap3A_618 = vector.shape_cast %add3A_614 : vector<16xi32> to vector<16xi32>
    tpu.vector_store %arg10[%swap3A_615], %swap3A_618 {strides = array<i32>} : memref<960xi32, #tpu.memory_space<vmem>>, vector<16xi32>,
    %add3A_619 = arith.constant 14155776 : i32
    %add3A_620 = vector.broadcast %add3A_619 : i32 to vector<16xi32>
    %add3A_621 = arith.addi %add3A_583, %add3A_620 : vector<16xi32>
    %swap3A_622 = arith.constant 896 : index
    %swap3A_623 = tpu.vector_load %arg10[%swap3A_622] {strides = array<i32>} : memref<960xi32, #tpu.memory_space<vmem>>, vector<16xi32>,
    %swap3A_624 = vector.shape_cast %swap3A_623 : vector<16xi32> to vector<16xi32>
    %swap3A_625 = vector.shape_cast %add3A_621 : vector<16xi32> to vector<16xi32>
    tpu.vector_store %arg10[%swap3A_622], %swap3A_625 {strides = array<i32>} : memref<960xi32, #tpu.memory_space<vmem>>, vector<16xi32>,
    %get3A_626 = arith.constant 112 : index
    %get3A_627 = tpu.vector_load %arg7[%get3A_626] {strides = array<i32>} : memref<480xf32, #tpu.memory_space<vmem>>, vector<16xf32>,
    %get3A_628 = vector.shape_cast %get3A_627 : vector<16xf32> to vector<16xf32>
    %convert_element_type3A_629 = arith.fptosi %get3A_628 : vector<16xf32> to vector<16xi32>
    %convert_element_type3A_630 = arith.sitofp %convert_element_type3A_629 : vector<16xi32> to vector<16xf32>
    %gt3A_631 = arith.cmpf ogt, %get3A_628, %convert_element_type3A_630 : vector<16xf32>
    %add3A_632 = arith.constant 1 : i32
    %add3A_633 = vector.broadcast %add3A_632 : i32 to vector<16xi32>
    %add3A_634 = arith.addi %convert_element_type3A_629, %add3A_633 : vector<16xi32>
    %select_n3A_635 = arith.select %gt3A_631, %add3A_634, %convert_element_type3A_629 : vector<16xi1>, vector<16xi32>
    %get3A_636 = arith.constant 272 : index
    %get3A_637 = tpu.vector_load %arg7[%get3A_636] {strides = array<i32>} : memref<480xf32, #tpu.memory_space<vmem>>, vector<16xf32>,
    %get3A_638 = vector.shape_cast %get3A_637 : vector<16xf32> to vector<16xf32>
    %convert_element_type3A_639 = arith.fptosi %get3A_638 : vector<16xf32> to vector<16xi32>
    %convert_element_type3A_640 = arith.sitofp %convert_element_type3A_639 : vector<16xi32> to vector<16xf32>
    %gt3A_641 = arith.cmpf ogt, %get3A_638, %convert_element_type3A_640 : vector<16xf32>
    %add3A_642 = arith.constant 1 : i32
    %add3A_643 = vector.broadcast %add3A_642 : i32 to vector<16xi32>
    %add3A_644 = arith.addi %convert_element_type3A_639, %add3A_643 : vector<16xi32>
    %select_n3A_645 = arith.select %gt3A_641, %add3A_644, %convert_element_type3A_639 : vector<16xi1>, vector<16xi32>
    %mul3A_646 = arith.constant 192 : i32
    %mul3A_647 = vector.broadcast %mul3A_646 : i32 to vector<16xi32>
    %mul3A_648 = arith.muli %convert_element_type3A_629, %mul3A_647 : vector<16xi32>
    %add3A_649 = arith.addi %mul3A_648, %convert_element_type3A_639 : vector<16xi32>
    %mul3A_650 = arith.constant 192 : i32
    %mul3A_651 = vector.broadcast %mul3A_650 : i32 to vector<16xi32>
    %mul3A_652 = arith.muli %select_n3A_635, %mul3A_651 : vector<16xi32>
    %add3A_653 = arith.addi %mul3A_652, %select_n3A_645 : vector<16xi32>
    %get3A_654 = arith.constant 432 : index
    %get3A_655 = tpu.vector_load %arg7[%get3A_654] {strides = array<i32>} : memref<480xf32, #tpu.memory_space<vmem>>, vector<16xf32>,
    %get3A_656 = vector.shape_cast %get3A_655 : vector<16xf32> to vector<16xf32>
    %convert_element_type3A_657 = arith.fptosi %get3A_656 : vector<16xf32> to vector<16xi32>
    %convert_element_type3A_658 = arith.sitofp %convert_element_type3A_657 : vector<16xi32> to vector<16xf32>
    %gt3A_659 = arith.cmpf ogt, %get3A_656, %convert_element_type3A_658 : vector<16xf32>
    %add3A_660 = arith.constant 1 : i32
    %add3A_661 = vector.broadcast %add3A_660 : i32 to vector<16xi32>
    %add3A_662 = arith.addi %convert_element_type3A_657, %add3A_661 : vector<16xi32>
    %select_n3A_663 = arith.select %gt3A_659, %add3A_662, %convert_element_type3A_657 : vector<16xi1>, vector<16xi32>
    %mul3A_664 = arith.constant 192 : i32
    %mul3A_665 = vector.broadcast %mul3A_664 : i32 to vector<16xi32>
    %mul3A_666 = arith.muli %add3A_649, %mul3A_665 : vector<16xi32>
    %add3A_667 = arith.addi %mul3A_666, %convert_element_type3A_657 : vector<16xi32>
    %mul3A_668 = arith.constant 192 : i32
    %mul3A_669 = vector.broadcast %mul3A_668 : i32 to vector<16xi32>
    %mul3A_670 = arith.muli %add3A_653, %mul3A_669 : vector<16xi32>
    %add3A_671 = arith.addi %mul3A_670, %select_n3A_663 : vector<16xi32>
    %add3A_672 = arith.constant 0 : i32
    %add3A_673 = vector.broadcast %add3A_672 : i32 to vector<16xi32>
    %add3A_674 = arith.addi %add3A_667, %add3A_673 : vector<16xi32>
    %swap3A_675 = arith.constant 112 : index
    %swap3A_676 = tpu.vector_load %arg10[%swap3A_675] {strides = array<i32>} : memref<960xi32, #tpu.memory_space<vmem>>, vector<16xi32>,
    %swap3A_677 = vector.shape_cast %swap3A_676 : vector<16xi32> to vector<16xi32>
    %swap3A_678 = vector.shape_cast %add3A_674 : vector<16xi32> to vector<16xi32>
    tpu.vector_store %arg10[%swap3A_675], %swap3A_678 {strides = array<i32>} : memref<960xi32, #tpu.memory_space<vmem>>, vector<16xi32>,
    %add3A_679 = arith.constant 0 : i32
    %add3A_680 = vector.broadcast %add3A_679 : i32 to vector<16xi32>
    %add3A_681 = arith.addi %add3A_671, %add3A_680 : vector<16xi32>
    %swap3A_682 = arith.constant 592 : index
    %swap3A_683 = tpu.vector_load %arg10[%swap3A_682] {strides = array<i32>} : memref<960xi32, #tpu.memory_space<vmem>>, vector<16xi32>,
    %swap3A_684 = vector.shape_cast %swap3A_683 : vector<16xi32> to vector<16xi32>
    %swap3A_685 = vector.shape_cast %add3A_681 : vector<16xi32> to vector<16xi32>
    tpu.vector_store %arg10[%swap3A_682], %swap3A_685 {strides = array<i32>} : memref<960xi32, #tpu.memory_space<vmem>>, vector<16xi32>,
    %add3A_686 = arith.constant 7077888 : i32
    %add3A_687 = vector.broadcast %add3A_686 : i32 to vector<16xi32>
    %add3A_688 = arith.addi %add3A_667, %add3A_687 : vector<16xi32>
    %swap3A_689 = arith.constant 272 : index
    %swap3A_690 = tpu.vector_load %arg10[%swap3A_689] {strides = array<i32>} : memref<960xi32, #tpu.memory_space<vmem>>, vector<16xi32>,
    %swap3A_691 = vector.shape_cast %swap3A_690 : vector<16xi32> to vector<16xi32>
    %swap3A_692 = vector.shape_cast %add3A_688 : vector<16xi32> to vector<16xi32>
    tpu.vector_store %arg10[%swap3A_689], %swap3A_692 {strides = array<i32>} : memref<960xi32, #tpu.memory_space<vmem>>, vector<16xi32>,
    %add3A_693 = arith.constant 7077888 : i32
    %add3A_694 = vector.broadcast %add3A_693 : i32 to vector<16xi32>
    %add3A_695 = arith.addi %add3A_671, %add3A_694 : vector<16xi32>
    %swap3A_696 = arith.constant 752 : index
    %swap3A_697 = tpu.vector_load %arg10[%swap3A_696] {strides = array<i32>} : memref<960xi32, #tpu.memory_space<vmem>>, vector<16xi32>,
    %swap3A_698 = vector.shape_cast %swap3A_697 : vector<16xi32> to vector<16xi32>
    %swap3A_699 = vector.shape_cast %add3A_695 : vector<16xi32> to vector<16xi32>
    tpu.vector_store %arg10[%swap3A_696], %swap3A_699 {strides = array<i32>} : memref<960xi32, #tpu.memory_space<vmem>>, vector<16xi32>,
    %add3A_700 = arith.constant 14155776 : i32
    %add3A_701 = vector.broadcast %add3A_700 : i32 to vector<16xi32>
    %add3A_702 = arith.addi %add3A_667, %add3A_701 : vector<16xi32>
    %swap3A_703 = arith.constant 432 : index
    %swap3A_704 = tpu.vector_load %arg10[%swap3A_703] {strides = array<i32>} : memref<960xi32, #tpu.memory_space<vmem>>, vector<16xi32>,
    %swap3A_705 = vector.shape_cast %swap3A_704 : vector<16xi32> to vector<16xi32>
    %swap3A_706 = vector.shape_cast %add3A_702 : vector<16xi32> to vector<16xi32>
    tpu.vector_store %arg10[%swap3A_703], %swap3A_706 {strides = array<i32>} : memref<960xi32, #tpu.memory_space<vmem>>, vector<16xi32>,
    %add3A_707 = arith.constant 14155776 : i32
    %add3A_708 = vector.broadcast %add3A_707 : i32 to vector<16xi32>
    %add3A_709 = arith.addi %add3A_671, %add3A_708 : vector<16xi32>
    %swap3A_710 = arith.constant 912 : index
    %swap3A_711 = tpu.vector_load %arg10[%swap3A_710] {strides = array<i32>} : memref<960xi32, #tpu.memory_space<vmem>>, vector<16xi32>,
    %swap3A_712 = vector.shape_cast %swap3A_711 : vector<16xi32> to vector<16xi32>
    %swap3A_713 = vector.shape_cast %add3A_709 : vector<16xi32> to vector<16xi32>
    tpu.vector_store %arg10[%swap3A_710], %swap3A_713 {strides = array<i32>} : memref<960xi32, #tpu.memory_space<vmem>>, vector<16xi32>,
    %get3A_714 = arith.constant 128 : index
    %get3A_715 = tpu.vector_load %arg7[%get3A_714] {strides = array<i32>} : memref<480xf32, #tpu.memory_space<vmem>>, vector<16xf32>,
    %get3A_716 = vector.shape_cast %get3A_715 : vector<16xf32> to vector<16xf32>
    %convert_element_type3A_717 = arith.fptosi %get3A_716 : vector<16xf32> to vector<16xi32>
    %convert_element_type3A_718 = arith.sitofp %convert_element_type3A_717 : vector<16xi32> to vector<16xf32>
    %gt3A_719 = arith.cmpf ogt, %get3A_716, %convert_element_type3A_718 : vector<16xf32>
    %add3A_720 = arith.constant 1 : i32
    %add3A_721 = vector.broadcast %add3A_720 : i32 to vector<16xi32>
    %add3A_722 = arith.addi %convert_element_type3A_717, %add3A_721 : vector<16xi32>
    %select_n3A_723 = arith.select %gt3A_719, %add3A_722, %convert_element_type3A_717 : vector<16xi1>, vector<16xi32>
    %get3A_724 = arith.constant 288 : index
    %get3A_725 = tpu.vector_load %arg7[%get3A_724] {strides = array<i32>} : memref<480xf32, #tpu.memory_space<vmem>>, vector<16xf32>,
    %get3A_726 = vector.shape_cast %get3A_725 : vector<16xf32> to vector<16xf32>
    %convert_element_type3A_727 = arith.fptosi %get3A_726 : vector<16xf32> to vector<16xi32>
    %convert_element_type3A_728 = arith.sitofp %convert_element_type3A_727 : vector<16xi32> to vector<16xf32>
    %gt3A_729 = arith.cmpf ogt, %get3A_726, %convert_element_type3A_728 : vector<16xf32>
    %add3A_730 = arith.constant 1 : i32
    %add3A_731 = vector.broadcast %add3A_730 : i32 to vector<16xi32>
    %add3A_732 = arith.addi %convert_element_type3A_727, %add3A_731 : vector<16xi32>
    %select_n3A_733 = arith.select %gt3A_729, %add3A_732, %convert_element_type3A_727 : vector<16xi1>, vector<16xi32>
    %mul3A_734 = arith.constant 192 : i32
    %mul3A_735 = vector.broadcast %mul3A_734 : i32 to vector<16xi32>
    %mul3A_736 = arith.muli %convert_element_type3A_717, %mul3A_735 : vector<16xi32>
    %add3A_737 = arith.addi %mul3A_736, %convert_element_type3A_727 : vector<16xi32>
    %mul3A_738 = arith.constant 192 : i32
    %mul3A_739 = vector.broadcast %mul3A_738 : i32 to vector<16xi32>
    %mul3A_740 = arith.muli %select_n3A_723, %mul3A_739 : vector<16xi32>
    %add3A_741 = arith.addi %mul3A_740, %select_n3A_733 : vector<16xi32>
    %get3A_742 = arith.constant 448 : index
    %get3A_743 = tpu.vector_load %arg7[%get3A_742] {strides = array<i32>} : memref<480xf32, #tpu.memory_space<vmem>>, vector<16xf32>,
    %get3A_744 = vector.shape_cast %get3A_743 : vector<16xf32> to vector<16xf32>
    %convert_element_type3A_745 = arith.fptosi %get3A_744 : vector<16xf32> to vector<16xi32>
    %convert_element_type3A_746 = arith.sitofp %convert_element_type3A_745 : vector<16xi32> to vector<16xf32>
    %gt3A_747 = arith.cmpf ogt, %get3A_744, %convert_element_type3A_746 : vector<16xf32>
    %add3A_748 = arith.constant 1 : i32
    %add3A_749 = vector.broadcast %add3A_748 : i32 to vector<16xi32>
    %add3A_750 = arith.addi %convert_element_type3A_745, %add3A_749 : vector<16xi32>
    %select_n3A_751 = arith.select %gt3A_747, %add3A_750, %convert_element_type3A_745 : vector<16xi1>, vector<16xi32>
    %mul3A_752 = arith.constant 192 : i32
    %mul3A_753 = vector.broadcast %mul3A_752 : i32 to vector<16xi32>
    %mul3A_754 = arith.muli %add3A_737, %mul3A_753 : vector<16xi32>
    %add3A_755 = arith.addi %mul3A_754, %convert_element_type3A_745 : vector<16xi32>
    %mul3A_756 = arith.constant 192 : i32
    %mul3A_757 = vector.broadcast %mul3A_756 : i32 to vector<16xi32>
    %mul3A_758 = arith.muli %add3A_741, %mul3A_757 : vector<16xi32>
    %add3A_759 = arith.addi %mul3A_758, %select_n3A_751 : vector<16xi32>
    %add3A_760 = arith.constant 0 : i32
    %add3A_761 = vector.broadcast %add3A_760 : i32 to vector<16xi32>
    %add3A_762 = arith.addi %add3A_755, %add3A_761 : vector<16xi32>
    %swap3A_763 = arith.constant 128 : index
    %swap3A_764 = tpu.vector_load %arg10[%swap3A_763] {strides = array<i32>} : memref<960xi32, #tpu.memory_space<vmem>>, vector<16xi32>,
    %swap3A_765 = vector.shape_cast %swap3A_764 : vector<16xi32> to vector<16xi32>
    %swap3A_766 = vector.shape_cast %add3A_762 : vector<16xi32> to vector<16xi32>
    tpu.vector_store %arg10[%swap3A_763], %swap3A_766 {strides = array<i32>} : memref<960xi32, #tpu.memory_space<vmem>>, vector<16xi32>,
    %add3A_767 = arith.constant 0 : i32
    %add3A_768 = vector.broadcast %add3A_767 : i32 to vector<16xi32>
    %add3A_769 = arith.addi %add3A_759, %add3A_768 : vector<16xi32>
    %swap3A_770 = arith.constant 608 : index
    %swap3A_771 = tpu.vector_load %arg10[%swap3A_770] {strides = array<i32>} : memref<960xi32, #tpu.memory_space<vmem>>, vector<16xi32>,
    %swap3A_772 = vector.shape_cast %swap3A_771 : vector<16xi32> to vector<16xi32>
    %swap3A_773 = vector.shape_cast %add3A_769 : vector<16xi32> to vector<16xi32>
    tpu.vector_store %arg10[%swap3A_770], %swap3A_773 {strides = array<i32>} : memref<960xi32, #tpu.memory_space<vmem>>, vector<16xi32>,
    %add3A_774 = arith.constant 7077888 : i32
    %add3A_775 = vector.broadcast %add3A_774 : i32 to vector<16xi32>
    %add3A_776 = arith.addi %add3A_755, %add3A_775 : vector<16xi32>
    %swap3A_777 = arith.constant 288 : index
    %swap3A_778 = tpu.vector_load %arg10[%swap3A_777] {strides = array<i32>} : memref<960xi32, #tpu.memory_space<vmem>>, vector<16xi32>,
    %swap3A_779 = vector.shape_cast %swap3A_778 : vector<16xi32> to vector<16xi32>
    %swap3A_780 = vector.shape_cast %add3A_776 : vector<16xi32> to vector<16xi32>
    tpu.vector_store %arg10[%swap3A_777], %swap3A_780 {strides = array<i32>} : memref<960xi32, #tpu.memory_space<vmem>>, vector<16xi32>,
    %add3A_781 = arith.constant 7077888 : i32
    %add3A_782 = vector.broadcast %add3A_781 : i32 to vector<16xi32>
    %add3A_783 = arith.addi %add3A_759, %add3A_782 : vector<16xi32>
    %swap3A_784 = arith.constant 768 : index
    %swap3A_785 = tpu.vector_load %arg10[%swap3A_784] {strides = array<i32>} : memref<960xi32, #tpu.memory_space<vmem>>, vector<16xi32>,
    %swap3A_786 = vector.shape_cast %swap3A_785 : vector<16xi32> to vector<16xi32>
    %swap3A_787 = vector.shape_cast %add3A_783 : vector<16xi32> to vector<16xi32>
    tpu.vector_store %arg10[%swap3A_784], %swap3A_787 {strides = array<i32>} : memref<960xi32, #tpu.memory_space<vmem>>, vector<16xi32>,
    %add3A_788 = arith.constant 14155776 : i32
    %add3A_789 = vector.broadcast %add3A_788 : i32 to vector<16xi32>
    %add3A_790 = arith.addi %add3A_755, %add3A_789 : vector<16xi32>
    %swap3A_791 = arith.constant 448 : index
    %swap3A_792 = tpu.vector_load %arg10[%swap3A_791] {strides = array<i32>} : memref<960xi32, #tpu.memory_space<vmem>>, vector<16xi32>,
    %swap3A_793 = vector.shape_cast %swap3A_792 : vector<16xi32> to vector<16xi32>
    %swap3A_794 = vector.shape_cast %add3A_790 : vector<16xi32> to vector<16xi32>
    tpu.vector_store %arg10[%swap3A_791], %swap3A_794 {strides = array<i32>} : memref<960xi32, #tpu.memory_space<vmem>>, vector<16xi32>,
    %add3A_795 = arith.constant 14155776 : i32
    %add3A_796 = vector.broadcast %add3A_795 : i32 to vector<16xi32>
    %add3A_797 = arith.addi %add3A_759, %add3A_796 : vector<16xi32>
    %swap3A_798 = arith.constant 928 : index
    %swap3A_799 = tpu.vector_load %arg10[%swap3A_798] {strides = array<i32>} : memref<960xi32, #tpu.memory_space<vmem>>, vector<16xi32>,
    %swap3A_800 = vector.shape_cast %swap3A_799 : vector<16xi32> to vector<16xi32>
    %swap3A_801 = vector.shape_cast %add3A_797 : vector<16xi32> to vector<16xi32>
    tpu.vector_store %arg10[%swap3A_798], %swap3A_801 {strides = array<i32>} : memref<960xi32, #tpu.memory_space<vmem>>, vector<16xi32>,
    %get3A_802 = arith.constant 144 : index
    %get3A_803 = tpu.vector_load %arg7[%get3A_802] {strides = array<i32>} : memref<480xf32, #tpu.memory_space<vmem>>, vector<16xf32>,
    %get3A_804 = vector.shape_cast %get3A_803 : vector<16xf32> to vector<16xf32>
    %convert_element_type3A_805 = arith.fptosi %get3A_804 : vector<16xf32> to vector<16xi32>
    %convert_element_type3A_806 = arith.sitofp %convert_element_type3A_805 : vector<16xi32> to vector<16xf32>
    %gt3A_807 = arith.cmpf ogt, %get3A_804, %convert_element_type3A_806 : vector<16xf32>
    %add3A_808 = arith.constant 1 : i32
    %add3A_809 = vector.broadcast %add3A_808 : i32 to vector<16xi32>
    %add3A_810 = arith.addi %convert_element_type3A_805, %add3A_809 : vector<16xi32>
    %select_n3A_811 = arith.select %gt3A_807, %add3A_810, %convert_element_type3A_805 : vector<16xi1>, vector<16xi32>
    %get3A_812 = arith.constant 304 : index
    %get3A_813 = tpu.vector_load %arg7[%get3A_812] {strides = array<i32>} : memref<480xf32, #tpu.memory_space<vmem>>, vector<16xf32>,
    %get3A_814 = vector.shape_cast %get3A_813 : vector<16xf32> to vector<16xf32>
    %convert_element_type3A_815 = arith.fptosi %get3A_814 : vector<16xf32> to vector<16xi32>
    %convert_element_type3A_816 = arith.sitofp %convert_element_type3A_815 : vector<16xi32> to vector<16xf32>
    %gt3A_817 = arith.cmpf ogt, %get3A_814, %convert_element_type3A_816 : vector<16xf32>
    %add3A_818 = arith.constant 1 : i32
    %add3A_819 = vector.broadcast %add3A_818 : i32 to vector<16xi32>
    %add3A_820 = arith.addi %convert_element_type3A_815, %add3A_819 : vector<16xi32>
    %select_n3A_821 = arith.select %gt3A_817, %add3A_820, %convert_element_type3A_815 : vector<16xi1>, vector<16xi32>
    %mul3A_822 = arith.constant 192 : i32
    %mul3A_823 = vector.broadcast %mul3A_822 : i32 to vector<16xi32>
    %mul3A_824 = arith.muli %convert_element_type3A_805, %mul3A_823 : vector<16xi32>
    %add3A_825 = arith.addi %mul3A_824, %convert_element_type3A_815 : vector<16xi32>
    %mul3A_826 = arith.constant 192 : i32
    %mul3A_827 = vector.broadcast %mul3A_826 : i32 to vector<16xi32>
    %mul3A_828 = arith.muli %select_n3A_811, %mul3A_827 : vector<16xi32>
    %add3A_829 = arith.addi %mul3A_828, %select_n3A_821 : vector<16xi32>
    %get3A_830 = arith.constant 464 : index
    %get3A_831 = tpu.vector_load %arg7[%get3A_830] {strides = array<i32>} : memref<480xf32, #tpu.memory_space<vmem>>, vector<16xf32>,
    %get3A_832 = vector.shape_cast %get3A_831 : vector<16xf32> to vector<16xf32>
    %convert_element_type3A_833 = arith.fptosi %get3A_832 : vector<16xf32> to vector<16xi32>
    %convert_element_type3A_834 = arith.sitofp %convert_element_type3A_833 : vector<16xi32> to vector<16xf32>
    %gt3A_835 = arith.cmpf ogt, %get3A_832, %convert_element_type3A_834 : vector<16xf32>
    %add3A_836 = arith.constant 1 : i32
    %add3A_837 = vector.broadcast %add3A_836 : i32 to vector<16xi32>
    %add3A_838 = arith.addi %convert_element_type3A_833, %add3A_837 : vector<16xi32>
    %select_n3A_839 = arith.select %gt3A_835, %add3A_838, %convert_element_type3A_833 : vector<16xi1>, vector<16xi32>
    %mul3A_840 = arith.constant 192 : i32
    %mul3A_841 = vector.broadcast %mul3A_840 : i32 to vector<16xi32>
    %mul3A_842 = arith.muli %add3A_825, %mul3A_841 : vector<16xi32>
    %add3A_843 = arith.addi %mul3A_842, %convert_element_type3A_833 : vector<16xi32>
    %mul3A_844 = arith.constant 192 : i32
    %mul3A_845 = vector.broadcast %mul3A_844 : i32 to vector<16xi32>
    %mul3A_846 = arith.muli %add3A_829, %mul3A_845 : vector<16xi32>
    %add3A_847 = arith.addi %mul3A_846, %select_n3A_839 : vector<16xi32>
    %add3A_848 = arith.constant 0 : i32
    %add3A_849 = vector.broadcast %add3A_848 : i32 to vector<16xi32>
    %add3A_850 = arith.addi %add3A_843, %add3A_849 : vector<16xi32>
    %swap3A_851 = arith.constant 144 : index
    %swap3A_852 = tpu.vector_load %arg10[%swap3A_851] {strides = array<i32>} : memref<960xi32, #tpu.memory_space<vmem>>, vector<16xi32>,
    %swap3A_853 = vector.shape_cast %swap3A_852 : vector<16xi32> to vector<16xi32>
    %swap3A_854 = vector.shape_cast %add3A_850 : vector<16xi32> to vector<16xi32>
    tpu.vector_store %arg10[%swap3A_851], %swap3A_854 {strides = array<i32>} : memref<960xi32, #tpu.memory_space<vmem>>, vector<16xi32>,
    %add3A_855 = arith.constant 0 : i32
    %add3A_856 = vector.broadcast %add3A_855 : i32 to vector<16xi32>
    %add3A_857 = arith.addi %add3A_847, %add3A_856 : vector<16xi32>
    %swap3A_858 = arith.constant 624 : index
    %swap3A_859 = tpu.vector_load %arg10[%swap3A_858] {strides = array<i32>} : memref<960xi32, #tpu.memory_space<vmem>>, vector<16xi32>,
    %swap3A_860 = vector.shape_cast %swap3A_859 : vector<16xi32> to vector<16xi32>
    %swap3A_861 = vector.shape_cast %add3A_857 : vector<16xi32> to vector<16xi32>
    tpu.vector_store %arg10[%swap3A_858], %swap3A_861 {strides = array<i32>} : memref<960xi32, #tpu.memory_space<vmem>>, vector<16xi32>,
    %add3A_862 = arith.constant 7077888 : i32
    %add3A_863 = vector.broadcast %add3A_862 : i32 to vector<16xi32>
    %add3A_864 = arith.addi %add3A_843, %add3A_863 : vector<16xi32>
    %swap3A_865 = arith.constant 304 : index
    %swap3A_866 = tpu.vector_load %arg10[%swap3A_865] {strides = array<i32>} : memref<960xi32, #tpu.memory_space<vmem>>, vector<16xi32>,
    %swap3A_867 = vector.shape_cast %swap3A_866 : vector<16xi32> to vector<16xi32>
    %swap3A_868 = vector.shape_cast %add3A_864 : vector<16xi32> to vector<16xi32>
    tpu.vector_store %arg10[%swap3A_865], %swap3A_868 {strides = array<i32>} : memref<960xi32, #tpu.memory_space<vmem>>, vector<16xi32>,
    %add3A_869 = arith.constant 7077888 : i32
    %add3A_870 = vector.broadcast %add3A_869 : i32 to vector<16xi32>
    %add3A_871 = arith.addi %add3A_847, %add3A_870 : vector<16xi32>
    %swap3A_872 = arith.constant 784 : index
    %swap3A_873 = tpu.vector_load %arg10[%swap3A_872] {strides = array<i32>} : memref<960xi32, #tpu.memory_space<vmem>>, vector<16xi32>,
    %swap3A_874 = vector.shape_cast %swap3A_873 : vector<16xi32> to vector<16xi32>
    %swap3A_875 = vector.shape_cast %add3A_871 : vector<16xi32> to vector<16xi32>
    tpu.vector_store %arg10[%swap3A_872], %swap3A_875 {strides = array<i32>} : memref<960xi32, #tpu.memory_space<vmem>>, vector<16xi32>,
    %add3A_876 = arith.constant 14155776 : i32
    %add3A_877 = vector.broadcast %add3A_876 : i32 to vector<16xi32>
    %add3A_878 = arith.addi %add3A_843, %add3A_877 : vector<16xi32>
    %swap3A_879 = arith.constant 464 : index
    %swap3A_880 = tpu.vector_load %arg10[%swap3A_879] {strides = array<i32>} : memref<960xi32, #tpu.memory_space<vmem>>, vector<16xi32>,
    %swap3A_881 = vector.shape_cast %swap3A_880 : vector<16xi32> to vector<16xi32>
    %swap3A_882 = vector.shape_cast %add3A_878 : vector<16xi32> to vector<16xi32>
    tpu.vector_store %arg10[%swap3A_879], %swap3A_882 {strides = array<i32>} : memref<960xi32, #tpu.memory_space<vmem>>, vector<16xi32>,
    %add3A_883 = arith.constant 14155776 : i32
    %add3A_884 = vector.broadcast %add3A_883 : i32 to vector<16xi32>
    %add3A_885 = arith.addi %add3A_847, %add3A_884 : vector<16xi32>
    %swap3A_886 = arith.constant 944 : index
    %swap3A_887 = tpu.vector_load %arg10[%swap3A_886] {strides = array<i32>} : memref<960xi32, #tpu.memory_space<vmem>>, vector<16xi32>,
    %swap3A_888 = vector.shape_cast %swap3A_887 : vector<16xi32> to vector<16xi32>
    %swap3A_889 = vector.shape_cast %add3A_885 : vector<16xi32> to vector<16xi32>
    tpu.vector_store %arg10[%swap3A_886], %swap3A_889 {strides = array<i32>} : memref<960xi32, #tpu.memory_space<vmem>>, vector<16xi32>,
    %dma_start3A = arith.constant 0 : i32
    %dma_start3A_890 = tpu.memref_slice %arg11[%dma_start3A] : memref<960xf32, #tpu.memory_space<vmem>> -> memref<80xf32, #tpu.memory_space<vmem>>
    %dma_start3A_891 = arith.constant 0 : i32
    %dma_start3A_892 = tpu.memref_slice %arg10[%dma_start3A_891] : memref<960xi32, #tpu.memory_space<vmem>> -> memref<80xi32, #tpu.memory_space<vmem>>
    %dma_start3A_893 = arith.constant 0 : i32
    %dma_start3A_894 = tpu.memref_slice %arg5[%dma_start3A_893] : memref<21233664xf32, #tpu.memory_space<hbm>> -> memref<21233664xf32, #tpu.memory_space<hbm>>
    tpu.enqueue_indirect_dma source(%dma_start3A_894 : memref<21233664xf32, #tpu.memory_space<hbm>>) target(%dma_start3A_890 : memref<80xf32, #tpu.memory_space<vmem>>) offsets(%dma_start3A_892 : memref<80xi32, #tpu.memory_space<vmem>>) semaphore(%arg13 : memref<!tpu.dma_semaphore, #tpu.memory_space<semaphore_mem>>)
    %dma_start3A_895 = arith.constant 80 : i32
    %dma_start3A_896 = tpu.memref_slice %arg11[%dma_start3A_895] : memref<960xf32, #tpu.memory_space<vmem>> -> memref<80xf32, #tpu.memory_space<vmem>>
    %dma_start3A_897 = arith.constant 80 : i32
    %dma_start3A_898 = tpu.memref_slice %arg10[%dma_start3A_897] : memref<960xi32, #tpu.memory_space<vmem>> -> memref<80xi32, #tpu.memory_space<vmem>>
    %dma_start3A_899 = arith.constant 0 : i32
    %dma_start3A_900 = tpu.memref_slice %arg5[%dma_start3A_899] : memref<21233664xf32, #tpu.memory_space<hbm>> -> memref<21233664xf32, #tpu.memory_space<hbm>>
    tpu.enqueue_indirect_dma source(%dma_start3A_900 : memref<21233664xf32, #tpu.memory_space<hbm>>) target(%dma_start3A_896 : memref<80xf32, #tpu.memory_space<vmem>>) offsets(%dma_start3A_898 : memref<80xi32, #tpu.memory_space<vmem>>) semaphore(%arg13 : memref<!tpu.dma_semaphore, #tpu.memory_space<semaphore_mem>>)
    %dma_start3A_901 = arith.constant 160 : i32
    %dma_start3A_902 = tpu.memref_slice %arg11[%dma_start3A_901] : memref<960xf32, #tpu.memory_space<vmem>> -> memref<80xf32, #tpu.memory_space<vmem>>
    %dma_start3A_903 = arith.constant 160 : i32
    %dma_start3A_904 = tpu.memref_slice %arg10[%dma_start3A_903] : memref<960xi32, #tpu.memory_space<vmem>> -> memref<80xi32, #tpu.memory_space<vmem>>
    %dma_start3A_905 = arith.constant 0 : i32
    %dma_start3A_906 = tpu.memref_slice %arg5[%dma_start3A_905] : memref<21233664xf32, #tpu.memory_space<hbm>> -> memref<21233664xf32, #tpu.memory_space<hbm>>
    tpu.enqueue_indirect_dma source(%dma_start3A_906 : memref<21233664xf32, #tpu.memory_space<hbm>>) target(%dma_start3A_902 : memref<80xf32, #tpu.memory_space<vmem>>) offsets(%dma_start3A_904 : memref<80xi32, #tpu.memory_space<vmem>>) semaphore(%arg13 : memref<!tpu.dma_semaphore, #tpu.memory_space<semaphore_mem>>)
    %dma_start3A_907 = arith.constant 240 : i32
    %dma_start3A_908 = tpu.memref_slice %arg11[%dma_start3A_907] : memref<960xf32, #tpu.memory_space<vmem>> -> memref<80xf32, #tpu.memory_space<vmem>>
    %dma_start3A_909 = arith.constant 240 : i32
    %dma_start3A_910 = tpu.memref_slice %arg10[%dma_start3A_909] : memref<960xi32, #tpu.memory_space<vmem>> -> memref<80xi32, #tpu.memory_space<vmem>>
    %dma_start3A_911 = arith.constant 0 : i32
    %dma_start3A_912 = tpu.memref_slice %arg5[%dma_start3A_911] : memref<21233664xf32, #tpu.memory_space<hbm>> -> memref<21233664xf32, #tpu.memory_space<hbm>>
    tpu.enqueue_indirect_dma source(%dma_start3A_912 : memref<21233664xf32, #tpu.memory_space<hbm>>) target(%dma_start3A_908 : memref<80xf32, #tpu.memory_space<vmem>>) offsets(%dma_start3A_910 : memref<80xi32, #tpu.memory_space<vmem>>) semaphore(%arg13 : memref<!tpu.dma_semaphore, #tpu.memory_space<semaphore_mem>>)
    %dma_start3A_913 = arith.constant 320 : i32
    %dma_start3A_914 = tpu.memref_slice %arg11[%dma_start3A_913] : memref<960xf32, #tpu.memory_space<vmem>> -> memref<80xf32, #tpu.memory_space<vmem>>
    %dma_start3A_915 = arith.constant 320 : i32
    %dma_start3A_916 = tpu.memref_slice %arg10[%dma_start3A_915] : memref<960xi32, #tpu.memory_space<vmem>> -> memref<80xi32, #tpu.memory_space<vmem>>
    %dma_start3A_917 = arith.constant 0 : i32
    %dma_start3A_918 = tpu.memref_slice %arg5[%dma_start3A_917] : memref<21233664xf32, #tpu.memory_space<hbm>> -> memref<21233664xf32, #tpu.memory_space<hbm>>
    tpu.enqueue_indirect_dma source(%dma_start3A_918 : memref<21233664xf32, #tpu.memory_space<hbm>>) target(%dma_start3A_914 : memref<80xf32, #tpu.memory_space<vmem>>) offsets(%dma_start3A_916 : memref<80xi32, #tpu.memory_space<vmem>>) semaphore(%arg13 : memref<!tpu.dma_semaphore, #tpu.memory_space<semaphore_mem>>)
    %dma_start3A_919 = arith.constant 400 : i32
    %dma_start3A_920 = tpu.memref_slice %arg11[%dma_start3A_919] : memref<960xf32, #tpu.memory_space<vmem>> -> memref<80xf32, #tpu.memory_space<vmem>>
    %dma_start3A_921 = arith.constant 400 : i32
    %dma_start3A_922 = tpu.memref_slice %arg10[%dma_start3A_921] : memref<960xi32, #tpu.memory_space<vmem>> -> memref<80xi32, #tpu.memory_space<vmem>>
    %dma_start3A_923 = arith.constant 0 : i32
    %dma_start3A_924 = tpu.memref_slice %arg5[%dma_start3A_923] : memref<21233664xf32, #tpu.memory_space<hbm>> -> memref<21233664xf32, #tpu.memory_space<hbm>>
    tpu.enqueue_indirect_dma source(%dma_start3A_924 : memref<21233664xf32, #tpu.memory_space<hbm>>) target(%dma_start3A_920 : memref<80xf32, #tpu.memory_space<vmem>>) offsets(%dma_start3A_922 : memref<80xi32, #tpu.memory_space<vmem>>) semaphore(%arg13 : memref<!tpu.dma_semaphore, #tpu.memory_space<semaphore_mem>>)
    %dma_start3A_925 = arith.constant 480 : i32
    %dma_start3A_926 = tpu.memref_slice %arg11[%dma_start3A_925] : memref<960xf32, #tpu.memory_space<vmem>> -> memref<80xf32, #tpu.memory_space<vmem>>
    %dma_start3A_927 = arith.constant 480 : i32
    %dma_start3A_928 = tpu.memref_slice %arg10[%dma_start3A_927] : memref<960xi32, #tpu.memory_space<vmem>> -> memref<80xi32, #tpu.memory_space<vmem>>
    %dma_start3A_929 = arith.constant 0 : i32
    %dma_start3A_930 = tpu.memref_slice %arg5[%dma_start3A_929] : memref<21233664xf32, #tpu.memory_space<hbm>> -> memref<21233664xf32, #tpu.memory_space<hbm>>
    tpu.enqueue_indirect_dma source(%dma_start3A_930 : memref<21233664xf32, #tpu.memory_space<hbm>>) target(%dma_start3A_926 : memref<80xf32, #tpu.memory_space<vmem>>) offsets(%dma_start3A_928 : memref<80xi32, #tpu.memory_space<vmem>>) semaphore(%arg13 : memref<!tpu.dma_semaphore, #tpu.memory_space<semaphore_mem>>)
    %dma_start3A_931 = arith.constant 560 : i32
    %dma_start3A_932 = tpu.memref_slice %arg11[%dma_start3A_931] : memref<960xf32, #tpu.memory_space<vmem>> -> memref<80xf32, #tpu.memory_space<vmem>>
    %dma_start3A_933 = arith.constant 560 : i32
    %dma_start3A_934 = tpu.memref_slice %arg10[%dma_start3A_933] : memref<960xi32, #tpu.memory_space<vmem>> -> memref<80xi32, #tpu.memory_space<vmem>>
    %dma_start3A_935 = arith.constant 0 : i32
    %dma_start3A_936 = tpu.memref_slice %arg5[%dma_start3A_935] : memref<21233664xf32, #tpu.memory_space<hbm>> -> memref<21233664xf32, #tpu.memory_space<hbm>>
    tpu.enqueue_indirect_dma source(%dma_start3A_936 : memref<21233664xf32, #tpu.memory_space<hbm>>) target(%dma_start3A_932 : memref<80xf32, #tpu.memory_space<vmem>>) offsets(%dma_start3A_934 : memref<80xi32, #tpu.memory_space<vmem>>) semaphore(%arg13 : memref<!tpu.dma_semaphore, #tpu.memory_space<semaphore_mem>>)
    %dma_start3A_937 = arith.constant 640 : i32
    %dma_start3A_938 = tpu.memref_slice %arg11[%dma_start3A_937] : memref<960xf32, #tpu.memory_space<vmem>> -> memref<80xf32, #tpu.memory_space<vmem>>
    %dma_start3A_939 = arith.constant 640 : i32
    %dma_start3A_940 = tpu.memref_slice %arg10[%dma_start3A_939] : memref<960xi32, #tpu.memory_space<vmem>> -> memref<80xi32, #tpu.memory_space<vmem>>
    %dma_start3A_941 = arith.constant 0 : i32
    %dma_start3A_942 = tpu.memref_slice %arg5[%dma_start3A_941] : memref<21233664xf32, #tpu.memory_space<hbm>> -> memref<21233664xf32, #tpu.memory_space<hbm>>
    tpu.enqueue_indirect_dma source(%dma_start3A_942 : memref<21233664xf32, #tpu.memory_space<hbm>>) target(%dma_start3A_938 : memref<80xf32, #tpu.memory_space<vmem>>) offsets(%dma_start3A_940 : memref<80xi32, #tpu.memory_space<vmem>>) semaphore(%arg13 : memref<!tpu.dma_semaphore, #tpu.memory_space<semaphore_mem>>)
    %dma_start3A_943 = arith.constant 720 : i32
    %dma_start3A_944 = tpu.memref_slice %arg11[%dma_start3A_943] : memref<960xf32, #tpu.memory_space<vmem>> -> memref<80xf32, #tpu.memory_space<vmem>>
    %dma_start3A_945 = arith.constant 720 : i32
    %dma_start3A_946 = tpu.memref_slice %arg10[%dma_start3A_945] : memref<960xi32, #tpu.memory_space<vmem>> -> memref<80xi32, #tpu.memory_space<vmem>>
    %dma_start3A_947 = arith.constant 0 : i32
    %dma_start3A_948 = tpu.memref_slice %arg5[%dma_start3A_947] : memref<21233664xf32, #tpu.memory_space<hbm>> -> memref<21233664xf32, #tpu.memory_space<hbm>>
    tpu.enqueue_indirect_dma source(%dma_start3A_948 : memref<21233664xf32, #tpu.memory_space<hbm>>) target(%dma_start3A_944 : memref<80xf32, #tpu.memory_space<vmem>>) offsets(%dma_start3A_946 : memref<80xi32, #tpu.memory_space<vmem>>) semaphore(%arg13 : memref<!tpu.dma_semaphore, #tpu.memory_space<semaphore_mem>>)
    %dma_start3A_949 = arith.constant 800 : i32
    %dma_start3A_950 = tpu.memref_slice %arg11[%dma_start3A_949] : memref<960xf32, #tpu.memory_space<vmem>> -> memref<80xf32, #tpu.memory_space<vmem>>
    %dma_start3A_951 = arith.constant 800 : i32
    %dma_start3A_952 = tpu.memref_slice %arg10[%dma_start3A_951] : memref<960xi32, #tpu.memory_space<vmem>> -> memref<80xi32, #tpu.memory_space<vmem>>
    %dma_start3A_953 = arith.constant 0 : i32
    %dma_start3A_954 = tpu.memref_slice %arg5[%dma_start3A_953] : memref<21233664xf32, #tpu.memory_space<hbm>> -> memref<21233664xf32, #tpu.memory_space<hbm>>
    tpu.enqueue_indirect_dma source(%dma_start3A_954 : memref<21233664xf32, #tpu.memory_space<hbm>>) target(%dma_start3A_950 : memref<80xf32, #tpu.memory_space<vmem>>) offsets(%dma_start3A_952 : memref<80xi32, #tpu.memory_space<vmem>>) semaphore(%arg13 : memref<!tpu.dma_semaphore, #tpu.memory_space<semaphore_mem>>)
    %dma_start3A_955 = arith.constant 880 : i32
    %dma_start3A_956 = tpu.memref_slice %arg11[%dma_start3A_955] : memref<960xf32, #tpu.memory_space<vmem>> -> memref<80xf32, #tpu.memory_space<vmem>>
    %dma_start3A_957 = arith.constant 880 : i32
    %dma_start3A_958 = tpu.memref_slice %arg10[%dma_start3A_957] : memref<960xi32, #tpu.memory_space<vmem>> -> memref<80xi32, #tpu.memory_space<vmem>>
    %dma_start3A_959 = arith.constant 0 : i32
    %dma_start3A_960 = tpu.memref_slice %arg5[%dma_start3A_959] : memref<21233664xf32, #tpu.memory_space<hbm>> -> memref<21233664xf32, #tpu.memory_space<hbm>>
    tpu.enqueue_indirect_dma source(%dma_start3A_960 : memref<21233664xf32, #tpu.memory_space<hbm>>) target(%dma_start3A_956 : memref<80xf32, #tpu.memory_space<vmem>>) offsets(%dma_start3A_958 : memref<80xi32, #tpu.memory_space<vmem>>) semaphore(%arg13 : memref<!tpu.dma_semaphore, #tpu.memory_space<semaphore_mem>>)
    %dma_wait3A = arith.constant 0 : i32
    %dma_wait3A_961 = tpu.memref_slice %arg11[%dma_wait3A] : memref<960xf32, #tpu.memory_space<vmem>> -> memref<80xf32, #tpu.memory_space<vmem>>
    %dma_wait3A_962 = arith.constant 0 : i32
    %dma_wait3A_963 = tpu.memref_slice %arg10[%dma_wait3A_962] : memref<960xi32, #tpu.memory_space<vmem>> -> memref<80xi32, #tpu.memory_space<vmem>>
    %dma_wait3A_964 = arith.constant 0 : i32
    %dma_wait3A_965 = tpu.memref_slice %arg5[%dma_wait3A_964] : memref<21233664xf32, #tpu.memory_space<hbm>> -> memref<21233664xf32, #tpu.memory_space<hbm>>
    tpu.wait_indirect_dma semaphore(%arg13 : memref<!tpu.dma_semaphore, #tpu.memory_space<semaphore_mem>>) src(%dma_wait3A_965 : memref<21233664xf32, #tpu.memory_space<hbm>>) dst(%dma_wait3A_961 : memref<80xf32, #tpu.memory_space<vmem>>)
    %dma_wait3A_966 = arith.constant 80 : i32
    %dma_wait3A_967 = tpu.memref_slice %arg11[%dma_wait3A_966] : memref<960xf32, #tpu.memory_space<vmem>> -> memref<80xf32, #tpu.memory_space<vmem>>
    %dma_wait3A_968 = arith.constant 80 : i32
    %dma_wait3A_969 = tpu.memref_slice %arg10[%dma_wait3A_968] : memref<960xi32, #tpu.memory_space<vmem>> -> memref<80xi32, #tpu.memory_space<vmem>>
    %dma_wait3A_970 = arith.constant 0 : i32
    %dma_wait3A_971 = tpu.memref_slice %arg5[%dma_wait3A_970] : memref<21233664xf32, #tpu.memory_space<hbm>> -> memref<21233664xf32, #tpu.memory_space<hbm>>
    tpu.wait_indirect_dma semaphore(%arg13 : memref<!tpu.dma_semaphore, #tpu.memory_space<semaphore_mem>>) src(%dma_wait3A_971 : memref<21233664xf32, #tpu.memory_space<hbm>>) dst(%dma_wait3A_967 : memref<80xf32, #tpu.memory_space<vmem>>)
    %dma_wait3A_972 = arith.constant 160 : i32
    %dma_wait3A_973 = tpu.memref_slice %arg11[%dma_wait3A_972] : memref<960xf32, #tpu.memory_space<vmem>> -> memref<80xf32, #tpu.memory_space<vmem>>
    %dma_wait3A_974 = arith.constant 160 : i32
    %dma_wait3A_975 = tpu.memref_slice %arg10[%dma_wait3A_974] : memref<960xi32, #tpu.memory_space<vmem>> -> memref<80xi32, #tpu.memory_space<vmem>>
    %dma_wait3A_976 = arith.constant 0 : i32
    %dma_wait3A_977 = tpu.memref_slice %arg5[%dma_wait3A_976] : memref<21233664xf32, #tpu.memory_space<hbm>> -> memref<21233664xf32, #tpu.memory_space<hbm>>
    tpu.wait_indirect_dma semaphore(%arg13 : memref<!tpu.dma_semaphore, #tpu.memory_space<semaphore_mem>>) src(%dma_wait3A_977 : memref<21233664xf32, #tpu.memory_space<hbm>>) dst(%dma_wait3A_973 : memref<80xf32, #tpu.memory_space<vmem>>)
    %dma_wait3A_978 = arith.constant 240 : i32
    %dma_wait3A_979 = tpu.memref_slice %arg11[%dma_wait3A_978] : memref<960xf32, #tpu.memory_space<vmem>> -> memref<80xf32, #tpu.memory_space<vmem>>
    %dma_wait3A_980 = arith.constant 240 : i32
    %dma_wait3A_981 = tpu.memref_slice %arg10[%dma_wait3A_980] : memref<960xi32, #tpu.memory_space<vmem>> -> memref<80xi32, #tpu.memory_space<vmem>>
    %dma_wait3A_982 = arith.constant 0 : i32
    %dma_wait3A_983 = tpu.memref_slice %arg5[%dma_wait3A_982] : memref<21233664xf32, #tpu.memory_space<hbm>> -> memref<21233664xf32, #tpu.memory_space<hbm>>
    tpu.wait_indirect_dma semaphore(%arg13 : memref<!tpu.dma_semaphore, #tpu.memory_space<semaphore_mem>>) src(%dma_wait3A_983 : memref<21233664xf32, #tpu.memory_space<hbm>>) dst(%dma_wait3A_979 : memref<80xf32, #tpu.memory_space<vmem>>)
    %dma_wait3A_984 = arith.constant 320 : i32
    %dma_wait3A_985 = tpu.memref_slice %arg11[%dma_wait3A_984] : memref<960xf32, #tpu.memory_space<vmem>> -> memref<80xf32, #tpu.memory_space<vmem>>
    %dma_wait3A_986 = arith.constant 320 : i32
    %dma_wait3A_987 = tpu.memref_slice %arg10[%dma_wait3A_986] : memref<960xi32, #tpu.memory_space<vmem>> -> memref<80xi32, #tpu.memory_space<vmem>>
    %dma_wait3A_988 = arith.constant 0 : i32
    %dma_wait3A_989 = tpu.memref_slice %arg5[%dma_wait3A_988] : memref<21233664xf32, #tpu.memory_space<hbm>> -> memref<21233664xf32, #tpu.memory_space<hbm>>
    tpu.wait_indirect_dma semaphore(%arg13 : memref<!tpu.dma_semaphore, #tpu.memory_space<semaphore_mem>>) src(%dma_wait3A_989 : memref<21233664xf32, #tpu.memory_space<hbm>>) dst(%dma_wait3A_985 : memref<80xf32, #tpu.memory_space<vmem>>)
    %dma_wait3A_990 = arith.constant 400 : i32
    %dma_wait3A_991 = tpu.memref_slice %arg11[%dma_wait3A_990] : memref<960xf32, #tpu.memory_space<vmem>> -> memref<80xf32, #tpu.memory_space<vmem>>
    %dma_wait3A_992 = arith.constant 400 : i32
    %dma_wait3A_993 = tpu.memref_slice %arg10[%dma_wait3A_992] : memref<960xi32, #tpu.memory_space<vmem>> -> memref<80xi32, #tpu.memory_space<vmem>>
    %dma_wait3A_994 = arith.constant 0 : i32
    %dma_wait3A_995 = tpu.memref_slice %arg5[%dma_wait3A_994] : memref<21233664xf32, #tpu.memory_space<hbm>> -> memref<21233664xf32, #tpu.memory_space<hbm>>
    tpu.wait_indirect_dma semaphore(%arg13 : memref<!tpu.dma_semaphore, #tpu.memory_space<semaphore_mem>>) src(%dma_wait3A_995 : memref<21233664xf32, #tpu.memory_space<hbm>>) dst(%dma_wait3A_991 : memref<80xf32, #tpu.memory_space<vmem>>)
    %dma_wait3A_996 = arith.constant 480 : i32
    %dma_wait3A_997 = tpu.memref_slice %arg11[%dma_wait3A_996] : memref<960xf32, #tpu.memory_space<vmem>> -> memref<80xf32, #tpu.memory_space<vmem>>
    %dma_wait3A_998 = arith.constant 480 : i32
    %dma_wait3A_999 = tpu.memref_slice %arg10[%dma_wait3A_998] : memref<960xi32, #tpu.memory_space<vmem>> -> memref<80xi32, #tpu.memory_space<vmem>>
    %dma_wait3A_1000 = arith.constant 0 : i32
    %dma_wait3A_1001 = tpu.memref_slice %arg5[%dma_wait3A_1000] : memref<21233664xf32, #tpu.memory_space<hbm>> -> memref<21233664xf32, #tpu.memory_space<hbm>>
    tpu.wait_indirect_dma semaphore(%arg13 : memref<!tpu.dma_semaphore, #tpu.memory_space<semaphore_mem>>) src(%dma_wait3A_1001 : memref<21233664xf32, #tpu.memory_space<hbm>>) dst(%dma_wait3A_997 : memref<80xf32, #tpu.memory_space<vmem>>)
    %dma_wait3A_1002 = arith.constant 560 : i32
    %dma_wait3A_1003 = tpu.memref_slice %arg11[%dma_wait3A_1002] : memref<960xf32, #tpu.memory_space<vmem>> -> memref<80xf32, #tpu.memory_space<vmem>>
    %dma_wait3A_1004 = arith.constant 560 : i32
    %dma_wait3A_1005 = tpu.memref_slice %arg10[%dma_wait3A_1004] : memref<960xi32, #tpu.memory_space<vmem>> -> memref<80xi32, #tpu.memory_space<vmem>>
    %dma_wait3A_1006 = arith.constant 0 : i32
    %dma_wait3A_1007 = tpu.memref_slice %arg5[%dma_wait3A_1006] : memref<21233664xf32, #tpu.memory_space<hbm>> -> memref<21233664xf32, #tpu.memory_space<hbm>>
    tpu.wait_indirect_dma semaphore(%arg13 : memref<!tpu.dma_semaphore, #tpu.memory_space<semaphore_mem>>) src(%dma_wait3A_1007 : memref<21233664xf32, #tpu.memory_space<hbm>>) dst(%dma_wait3A_1003 : memref<80xf32, #tpu.memory_space<vmem>>)
    %dma_wait3A_1008 = arith.constant 640 : i32
    %dma_wait3A_1009 = tpu.memref_slice %arg11[%dma_wait3A_1008] : memref<960xf32, #tpu.memory_space<vmem>> -> memref<80xf32, #tpu.memory_space<vmem>>
    %dma_wait3A_1010 = arith.constant 640 : i32
    %dma_wait3A_1011 = tpu.memref_slice %arg10[%dma_wait3A_1010] : memref<960xi32, #tpu.memory_space<vmem>> -> memref<80xi32, #tpu.memory_space<vmem>>
    %dma_wait3A_1012 = arith.constant 0 : i32
    %dma_wait3A_1013 = tpu.memref_slice %arg5[%dma_wait3A_1012] : memref<21233664xf32, #tpu.memory_space<hbm>> -> memref<21233664xf32, #tpu.memory_space<hbm>>
    tpu.wait_indirect_dma semaphore(%arg13 : memref<!tpu.dma_semaphore, #tpu.memory_space<semaphore_mem>>) src(%dma_wait3A_1013 : memref<21233664xf32, #tpu.memory_space<hbm>>) dst(%dma_wait3A_1009 : memref<80xf32, #tpu.memory_space<vmem>>)
    %dma_wait3A_1014 = arith.constant 720 : i32
    %dma_wait3A_1015 = tpu.memref_slice %arg11[%dma_wait3A_1014] : memref<960xf32, #tpu.memory_space<vmem>> -> memref<80xf32, #tpu.memory_space<vmem>>
    %dma_wait3A_1016 = arith.constant 720 : i32
    %dma_wait3A_1017 = tpu.memref_slice %arg10[%dma_wait3A_1016] : memref<960xi32, #tpu.memory_space<vmem>> -> memref<80xi32, #tpu.memory_space<vmem>>
    %dma_wait3A_1018 = arith.constant 0 : i32
    %dma_wait3A_1019 = tpu.memref_slice %arg5[%dma_wait3A_1018] : memref<21233664xf32, #tpu.memory_space<hbm>> -> memref<21233664xf32, #tpu.memory_space<hbm>>
    tpu.wait_indirect_dma semaphore(%arg13 : memref<!tpu.dma_semaphore, #tpu.memory_space<semaphore_mem>>) src(%dma_wait3A_1019 : memref<21233664xf32, #tpu.memory_space<hbm>>) dst(%dma_wait3A_1015 : memref<80xf32, #tpu.memory_space<vmem>>)
    %dma_wait3A_1020 = arith.constant 800 : i32
    %dma_wait3A_1021 = tpu.memref_slice %arg11[%dma_wait3A_1020] : memref<960xf32, #tpu.memory_space<vmem>> -> memref<80xf32, #tpu.memory_space<vmem>>
    %dma_wait3A_1022 = arith.constant 800 : i32
    %dma_wait3A_1023 = tpu.memref_slice %arg10[%dma_wait3A_1022] : memref<960xi32, #tpu.memory_space<vmem>> -> memref<80xi32, #tpu.memory_space<vmem>>
    %dma_wait3A_1024 = arith.constant 0 : i32
    %dma_wait3A_1025 = tpu.memref_slice %arg5[%dma_wait3A_1024] : memref<21233664xf32, #tpu.memory_space<hbm>> -> memref<21233664xf32, #tpu.memory_space<hbm>>
    tpu.wait_indirect_dma semaphore(%arg13 : memref<!tpu.dma_semaphore, #tpu.memory_space<semaphore_mem>>) src(%dma_wait3A_1025 : memref<21233664xf32, #tpu.memory_space<hbm>>) dst(%dma_wait3A_1021 : memref<80xf32, #tpu.memory_space<vmem>>)
    %dma_wait3A_1026 = arith.constant 880 : i32
    %dma_wait3A_1027 = tpu.memref_slice %arg11[%dma_wait3A_1026] : memref<960xf32, #tpu.memory_space<vmem>> -> memref<80xf32, #tpu.memory_space<vmem>>
    %dma_wait3A_1028 = arith.constant 880 : i32
    %dma_wait3A_1029 = tpu.memref_slice %arg10[%dma_wait3A_1028] : memref<960xi32, #tpu.memory_space<vmem>> -> memref<80xi32, #tpu.memory_space<vmem>>
    %dma_wait3A_1030 = arith.constant 0 : i32
    %dma_wait3A_1031 = tpu.memref_slice %arg5[%dma_wait3A_1030] : memref<21233664xf32, #tpu.memory_space<hbm>> -> memref<21233664xf32, #tpu.memory_space<hbm>>
    tpu.wait_indirect_dma semaphore(%arg13 : memref<!tpu.dma_semaphore, #tpu.memory_space<semaphore_mem>>) src(%dma_wait3A_1031 : memref<21233664xf32, #tpu.memory_space<hbm>>) dst(%dma_wait3A_1027 : memref<80xf32, #tpu.memory_space<vmem>>)
    %get3A_1032 = arith.constant 0 : index
    %get3A_1033 = tpu.vector_load %arg11[%get3A_1032] {strides = array<i32>} : memref<960xf32, #tpu.memory_space<vmem>>, vector<16xf32>,
    %get3A_1034 = vector.shape_cast %get3A_1033 : vector<16xf32> to vector<16xf32>
    %get3A_1035 = arith.constant 480 : index
    %get3A_1036 = tpu.vector_load %arg11[%get3A_1035] {strides = array<i32>} : memref<960xf32, #tpu.memory_space<vmem>>, vector<16xf32>,
    %get3A_1037 = vector.shape_cast %get3A_1036 : vector<16xf32> to vector<16xf32>
    %get3A_1038 = arith.constant 0 : index
    %get3A_1039 = tpu.vector_load %arg7[%get3A_1038] {strides = array<i32>} : memref<480xf32, #tpu.memory_space<vmem>>, vector<16xf32>,
    %get3A_1040 = vector.shape_cast %get3A_1039 : vector<16xf32> to vector<16xf32>
    %get3A_1041 = arith.constant 0 : index
    %get3A_1042 = tpu.vector_load %arg8[%get3A_1041] {strides = array<i32>} : memref<480xf32, #tpu.memory_space<vmem>>, vector<16xf32>,
    %get3A_1043 = vector.shape_cast %get3A_1042 : vector<16xf32> to vector<16xf32>
    %get3A_1044 = arith.constant 0 : index
    %get3A_1045 = tpu.vector_load %arg9[%get3A_1044] {strides = array<i32>} : memref<48xf32, #tpu.memory_space<vmem>>, vector<16xf32>,
    %get3A_1046 = vector.shape_cast %get3A_1045 : vector<16xf32> to vector<16xf32>
    %add3A_1047 = arith.addf %get3A_1034, %get3A_1037 : vector<16xf32>
    %mul3A_1048 = arith.constant 5.000000e-01 : f32
    %mul3A_1049 = vector.broadcast %mul3A_1048 : f32 to vector<16xf32>
    %mul3A_1050 = arith.mulf %add3A_1047, %mul3A_1049 : vector<16xf32>
    %add3A_1051 = arith.addf %get3A_1040, %mul3A_1050 : vector<16xf32>
    %sub3A = arith.subf %add3A_1051, %get3A_1043 : vector<16xf32>
    %mul3A_1052 = arith.mulf %sub3A, %get3A_1046 : vector<16xf32>
    %swap3A_1053 = arith.constant 0 : index
    %swap3A_1054 = tpu.vector_load %arg12[%swap3A_1053] {strides = array<i32>} : memref<480xf32, #tpu.memory_space<vmem>>, vector<16xf32>,
    %swap3A_1055 = vector.shape_cast %swap3A_1054 : vector<16xf32> to vector<16xf32>
    %swap3A_1056 = vector.shape_cast %mul3A_1052 : vector<16xf32> to vector<16xf32>
    tpu.vector_store %arg12[%swap3A_1053], %swap3A_1056 {strides = array<i32>} : memref<480xf32, #tpu.memory_space<vmem>>, vector<16xf32>,
    %get3A_1057 = arith.constant 160 : index
    %get3A_1058 = tpu.vector_load %arg11[%get3A_1057] {strides = array<i32>} : memref<960xf32, #tpu.memory_space<vmem>>, vector<16xf32>,
    %get3A_1059 = vector.shape_cast %get3A_1058 : vector<16xf32> to vector<16xf32>
    %get3A_1060 = arith.constant 640 : index
    %get3A_1061 = tpu.vector_load %arg11[%get3A_1060] {strides = array<i32>} : memref<960xf32, #tpu.memory_space<vmem>>, vector<16xf32>,
    %get3A_1062 = vector.shape_cast %get3A_1061 : vector<16xf32> to vector<16xf32>
    %get3A_1063 = arith.constant 160 : index
    %get3A_1064 = tpu.vector_load %arg7[%get3A_1063] {strides = array<i32>} : memref<480xf32, #tpu.memory_space<vmem>>, vector<16xf32>,
    %get3A_1065 = vector.shape_cast %get3A_1064 : vector<16xf32> to vector<16xf32>
    %get3A_1066 = arith.constant 160 : index
    %get3A_1067 = tpu.vector_load %arg8[%get3A_1066] {strides = array<i32>} : memref<480xf32, #tpu.memory_space<vmem>>, vector<16xf32>,
    %get3A_1068 = vector.shape_cast %get3A_1067 : vector<16xf32> to vector<16xf32>
    %get3A_1069 = arith.constant 16 : index
    %get3A_1070 = tpu.vector_load %arg9[%get3A_1069] {strides = array<i32>} : memref<48xf32, #tpu.memory_space<vmem>>, vector<16xf32>,
    %get3A_1071 = vector.shape_cast %get3A_1070 : vector<16xf32> to vector<16xf32>
    %add3A_1072 = arith.addf %get3A_1059, %get3A_1062 : vector<16xf32>
    %mul3A_1073 = arith.constant 5.000000e-01 : f32
    %mul3A_1074 = vector.broadcast %mul3A_1073 : f32 to vector<16xf32>
    %mul3A_1075 = arith.mulf %add3A_1072, %mul3A_1074 : vector<16xf32>
    %add3A_1076 = arith.addf %get3A_1065, %mul3A_1075 : vector<16xf32>
    %sub3A_1077 = arith.subf %add3A_1076, %get3A_1068 : vector<16xf32>
    %mul3A_1078 = arith.mulf %sub3A_1077, %get3A_1071 : vector<16xf32>
    %swap3A_1079 = arith.constant 160 : index
    %swap3A_1080 = tpu.vector_load %arg12[%swap3A_1079] {strides = array<i32>} : memref<480xf32, #tpu.memory_space<vmem>>, vector<16xf32>,
    %swap3A_1081 = vector.shape_cast %swap3A_1080 : vector<16xf32> to vector<16xf32>
    %swap3A_1082 = vector.shape_cast %mul3A_1078 : vector<16xf32> to vector<16xf32>
    tpu.vector_store %arg12[%swap3A_1079], %swap3A_1082 {strides = array<i32>} : memref<480xf32, #tpu.memory_space<vmem>>, vector<16xf32>,
    %get3A_1083 = arith.constant 320 : index
    %get3A_1084 = tpu.vector_load %arg11[%get3A_1083] {strides = array<i32>} : memref<960xf32, #tpu.memory_space<vmem>>, vector<16xf32>,
    %get3A_1085 = vector.shape_cast %get3A_1084 : vector<16xf32> to vector<16xf32>
    %get3A_1086 = arith.constant 800 : index
    %get3A_1087 = tpu.vector_load %arg11[%get3A_1086] {strides = array<i32>} : memref<960xf32, #tpu.memory_space<vmem>>, vector<16xf32>,
    %get3A_1088 = vector.shape_cast %get3A_1087 : vector<16xf32> to vector<16xf32>
    %get3A_1089 = arith.constant 320 : index
    %get3A_1090 = tpu.vector_load %arg7[%get3A_1089] {strides = array<i32>} : memref<480xf32, #tpu.memory_space<vmem>>, vector<16xf32>,
    %get3A_1091 = vector.shape_cast %get3A_1090 : vector<16xf32> to vector<16xf32>
    %get3A_1092 = arith.constant 320 : index
    %get3A_1093 = tpu.vector_load %arg8[%get3A_1092] {strides = array<i32>} : memref<480xf32, #tpu.memory_space<vmem>>, vector<16xf32>,
    %get3A_1094 = vector.shape_cast %get3A_1093 : vector<16xf32> to vector<16xf32>
    %get3A_1095 = arith.constant 32 : index
    %get3A_1096 = tpu.vector_load %arg9[%get3A_1095] {strides = array<i32>} : memref<48xf32, #tpu.memory_space<vmem>>, vector<16xf32>,
    %get3A_1097 = vector.shape_cast %get3A_1096 : vector<16xf32> to vector<16xf32>
    %add3A_1098 = arith.addf %get3A_1085, %get3A_1088 : vector<16xf32>
    %mul3A_1099 = arith.constant 5.000000e-01 : f32
    %mul3A_1100 = vector.broadcast %mul3A_1099 : f32 to vector<16xf32>
    %mul3A_1101 = arith.mulf %add3A_1098, %mul3A_1100 : vector<16xf32>
    %add3A_1102 = arith.addf %get3A_1091, %mul3A_1101 : vector<16xf32>
    %sub3A_1103 = arith.subf %add3A_1102, %get3A_1094 : vector<16xf32>
    %mul3A_1104 = arith.mulf %sub3A_1103, %get3A_1097 : vector<16xf32>
    %swap3A_1105 = arith.constant 320 : index
    %swap3A_1106 = tpu.vector_load %arg12[%swap3A_1105] {strides = array<i32>} : memref<480xf32, #tpu.memory_space<vmem>>, vector<16xf32>,
    %swap3A_1107 = vector.shape_cast %swap3A_1106 : vector<16xf32> to vector<16xf32>
    %swap3A_1108 = vector.shape_cast %mul3A_1104 : vector<16xf32> to vector<16xf32>
    tpu.vector_store %arg12[%swap3A_1105], %swap3A_1108 {strides = array<i32>} : memref<480xf32, #tpu.memory_space<vmem>>, vector<16xf32>,
    %get3A_1109 = arith.constant 16 : index
    %get3A_1110 = tpu.vector_load %arg11[%get3A_1109] {strides = array<i32>} : memref<960xf32, #tpu.memory_space<vmem>>, vector<16xf32>,
    %get3A_1111 = vector.shape_cast %get3A_1110 : vector<16xf32> to vector<16xf32>
    %get3A_1112 = arith.constant 496 : index
    %get3A_1113 = tpu.vector_load %arg11[%get3A_1112] {strides = array<i32>} : memref<960xf32, #tpu.memory_space<vmem>>, vector<16xf32>,
    %get3A_1114 = vector.shape_cast %get3A_1113 : vector<16xf32> to vector<16xf32>
    %get3A_1115 = arith.constant 16 : index
    %get3A_1116 = tpu.vector_load %arg7[%get3A_1115] {strides = array<i32>} : memref<480xf32, #tpu.memory_space<vmem>>, vector<16xf32>,
    %get3A_1117 = vector.shape_cast %get3A_1116 : vector<16xf32> to vector<16xf32>
    %get3A_1118 = arith.constant 16 : index
    %get3A_1119 = tpu.vector_load %arg8[%get3A_1118] {strides = array<i32>} : memref<480xf32, #tpu.memory_space<vmem>>, vector<16xf32>,
    %get3A_1120 = vector.shape_cast %get3A_1119 : vector<16xf32> to vector<16xf32>
    %get3A_1121 = arith.constant 0 : index
    %get3A_1122 = tpu.vector_load %arg9[%get3A_1121] {strides = array<i32>} : memref<48xf32, #tpu.memory_space<vmem>>, vector<16xf32>,
    %get3A_1123 = vector.shape_cast %get3A_1122 : vector<16xf32> to vector<16xf32>
    %add3A_1124 = arith.addf %get3A_1111, %get3A_1114 : vector<16xf32>
    %mul3A_1125 = arith.constant 5.000000e-01 : f32
    %mul3A_1126 = vector.broadcast %mul3A_1125 : f32 to vector<16xf32>
    %mul3A_1127 = arith.mulf %add3A_1124, %mul3A_1126 : vector<16xf32>
    %add3A_1128 = arith.addf %get3A_1117, %mul3A_1127 : vector<16xf32>
    %sub3A_1129 = arith.subf %add3A_1128, %get3A_1120 : vector<16xf32>
    %mul3A_1130 = arith.mulf %sub3A_1129, %get3A_1123 : vector<16xf32>
    %swap3A_1131 = arith.constant 16 : index
    %swap3A_1132 = tpu.vector_load %arg12[%swap3A_1131] {strides = array<i32>} : memref<480xf32, #tpu.memory_space<vmem>>, vector<16xf32>,
    %swap3A_1133 = vector.shape_cast %swap3A_1132 : vector<16xf32> to vector<16xf32>
    %swap3A_1134 = vector.shape_cast %mul3A_1130 : vector<16xf32> to vector<16xf32>
    tpu.vector_store %arg12[%swap3A_1131], %swap3A_1134 {strides = array<i32>} : memref<480xf32, #tpu.memory_space<vmem>>, vector<16xf32>,
    %get3A_1135 = arith.constant 176 : index
    %get3A_1136 = tpu.vector_load %arg11[%get3A_1135] {strides = array<i32>} : memref<960xf32, #tpu.memory_space<vmem>>, vector<16xf32>,
    %get3A_1137 = vector.shape_cast %get3A_1136 : vector<16xf32> to vector<16xf32>
    %get3A_1138 = arith.constant 656 : index
    %get3A_1139 = tpu.vector_load %arg11[%get3A_1138] {strides = array<i32>} : memref<960xf32, #tpu.memory_space<vmem>>, vector<16xf32>,
    %get3A_1140 = vector.shape_cast %get3A_1139 : vector<16xf32> to vector<16xf32>
    %get3A_1141 = arith.constant 176 : index
    %get3A_1142 = tpu.vector_load %arg7[%get3A_1141] {strides = array<i32>} : memref<480xf32, #tpu.memory_space<vmem>>, vector<16xf32>,
    %get3A_1143 = vector.shape_cast %get3A_1142 : vector<16xf32> to vector<16xf32>
    %get3A_1144 = arith.constant 176 : index
    %get3A_1145 = tpu.vector_load %arg8[%get3A_1144] {strides = array<i32>} : memref<480xf32, #tpu.memory_space<vmem>>, vector<16xf32>,
    %get3A_1146 = vector.shape_cast %get3A_1145 : vector<16xf32> to vector<16xf32>
    %get3A_1147 = arith.constant 16 : index
    %get3A_1148 = tpu.vector_load %arg9[%get3A_1147] {strides = array<i32>} : memref<48xf32, #tpu.memory_space<vmem>>, vector<16xf32>,
    %get3A_1149 = vector.shape_cast %get3A_1148 : vector<16xf32> to vector<16xf32>
    %add3A_1150 = arith.addf %get3A_1137, %get3A_1140 : vector<16xf32>
    %mul3A_1151 = arith.constant 5.000000e-01 : f32
    %mul3A_1152 = vector.broadcast %mul3A_1151 : f32 to vector<16xf32>
    %mul3A_1153 = arith.mulf %add3A_1150, %mul3A_1152 : vector<16xf32>
    %add3A_1154 = arith.addf %get3A_1143, %mul3A_1153 : vector<16xf32>
    %sub3A_1155 = arith.subf %add3A_1154, %get3A_1146 : vector<16xf32>
    %mul3A_1156 = arith.mulf %sub3A_1155, %get3A_1149 : vector<16xf32>
    %swap3A_1157 = arith.constant 176 : index
    %swap3A_1158 = tpu.vector_load %arg12[%swap3A_1157] {strides = array<i32>} : memref<480xf32, #tpu.memory_space<vmem>>, vector<16xf32>,
    %swap3A_1159 = vector.shape_cast %swap3A_1158 : vector<16xf32> to vector<16xf32>
    %swap3A_1160 = vector.shape_cast %mul3A_1156 : vector<16xf32> to vector<16xf32>
    tpu.vector_store %arg12[%swap3A_1157], %swap3A_1160 {strides = array<i32>} : memref<480xf32, #tpu.memory_space<vmem>>, vector<16xf32>,
    %get3A_1161 = arith.constant 336 : index
    %get3A_1162 = tpu.vector_load %arg11[%get3A_1161] {strides = array<i32>} : memref<960xf32, #tpu.memory_space<vmem>>, vector<16xf32>,
    %get3A_1163 = vector.shape_cast %get3A_1162 : vector<16xf32> to vector<16xf32>
    %get3A_1164 = arith.constant 816 : index
    %get3A_1165 = tpu.vector_load %arg11[%get3A_1164] {strides = array<i32>} : memref<960xf32, #tpu.memory_space<vmem>>, vector<16xf32>,
    %get3A_1166 = vector.shape_cast %get3A_1165 : vector<16xf32> to vector<16xf32>
    %get3A_1167 = arith.constant 336 : index
    %get3A_1168 = tpu.vector_load %arg7[%get3A_1167] {strides = array<i32>} : memref<480xf32, #tpu.memory_space<vmem>>, vector<16xf32>,
    %get3A_1169 = vector.shape_cast %get3A_1168 : vector<16xf32> to vector<16xf32>
    %get3A_1170 = arith.constant 336 : index
    %get3A_1171 = tpu.vector_load %arg8[%get3A_1170] {strides = array<i32>} : memref<480xf32, #tpu.memory_space<vmem>>, vector<16xf32>,
    %get3A_1172 = vector.shape_cast %get3A_1171 : vector<16xf32> to vector<16xf32>
    %get3A_1173 = arith.constant 32 : index
    %get3A_1174 = tpu.vector_load %arg9[%get3A_1173] {strides = array<i32>} : memref<48xf32, #tpu.memory_space<vmem>>, vector<16xf32>,
    %get3A_1175 = vector.shape_cast %get3A_1174 : vector<16xf32> to vector<16xf32>
    %add3A_1176 = arith.addf %get3A_1163, %get3A_1166 : vector<16xf32>
    %mul3A_1177 = arith.constant 5.000000e-01 : f32
    %mul3A_1178 = vector.broadcast %mul3A_1177 : f32 to vector<16xf32>
    %mul3A_1179 = arith.mulf %add3A_1176, %mul3A_1178 : vector<16xf32>
    %add3A_1180 = arith.addf %get3A_1169, %mul3A_1179 : vector<16xf32>
    %sub3A_1181 = arith.subf %add3A_1180, %get3A_1172 : vector<16xf32>
    %mul3A_1182 = arith.mulf %sub3A_1181, %get3A_1175 : vector<16xf32>
    %swap3A_1183 = arith.constant 336 : index
    %swap3A_1184 = tpu.vector_load %arg12[%swap3A_1183] {strides = array<i32>} : memref<480xf32, #tpu.memory_space<vmem>>, vector<16xf32>,
    %swap3A_1185 = vector.shape_cast %swap3A_1184 : vector<16xf32> to vector<16xf32>
    %swap3A_1186 = vector.shape_cast %mul3A_1182 : vector<16xf32> to vector<16xf32>
    tpu.vector_store %arg12[%swap3A_1183], %swap3A_1186 {strides = array<i32>} : memref<480xf32, #tpu.memory_space<vmem>>, vector<16xf32>,
    %get3A_1187 = arith.constant 32 : index
    %get3A_1188 = tpu.vector_load %arg11[%get3A_1187] {strides = array<i32>} : memref<960xf32, #tpu.memory_space<vmem>>, vector<16xf32>,
    %get3A_1189 = vector.shape_cast %get3A_1188 : vector<16xf32> to vector<16xf32>
    %get3A_1190 = arith.constant 512 : index
    %get3A_1191 = tpu.vector_load %arg11[%get3A_1190] {strides = array<i32>} : memref<960xf32, #tpu.memory_space<vmem>>, vector<16xf32>,
    %get3A_1192 = vector.shape_cast %get3A_1191 : vector<16xf32> to vector<16xf32>
    %get3A_1193 = arith.constant 32 : index
    %get3A_1194 = tpu.vector_load %arg7[%get3A_1193] {strides = array<i32>} : memref<480xf32, #tpu.memory_space<vmem>>, vector<16xf32>,
    %get3A_1195 = vector.shape_cast %get3A_1194 : vector<16xf32> to vector<16xf32>
    %get3A_1196 = arith.constant 32 : index
    %get3A_1197 = tpu.vector_load %arg8[%get3A_1196] {strides = array<i32>} : memref<480xf32, #tpu.memory_space<vmem>>, vector<16xf32>,
    %get3A_1198 = vector.shape_cast %get3A_1197 : vector<16xf32> to vector<16xf32>
    %get3A_1199 = arith.constant 0 : index
    %get3A_1200 = tpu.vector_load %arg9[%get3A_1199] {strides = array<i32>} : memref<48xf32, #tpu.memory_space<vmem>>, vector<16xf32>,
    %get3A_1201 = vector.shape_cast %get3A_1200 : vector<16xf32> to vector<16xf32>
    %add3A_1202 = arith.addf %get3A_1189, %get3A_1192 : vector<16xf32>
    %mul3A_1203 = arith.constant 5.000000e-01 : f32
    %mul3A_1204 = vector.broadcast %mul3A_1203 : f32 to vector<16xf32>
    %mul3A_1205 = arith.mulf %add3A_1202, %mul3A_1204 : vector<16xf32>
    %add3A_1206 = arith.addf %get3A_1195, %mul3A_1205 : vector<16xf32>
    %sub3A_1207 = arith.subf %add3A_1206, %get3A_1198 : vector<16xf32>
    %mul3A_1208 = arith.mulf %sub3A_1207, %get3A_1201 : vector<16xf32>
    %swap3A_1209 = arith.constant 32 : index
    %swap3A_1210 = tpu.vector_load %arg12[%swap3A_1209] {strides = array<i32>} : memref<480xf32, #tpu.memory_space<vmem>>, vector<16xf32>,
    %swap3A_1211 = vector.shape_cast %swap3A_1210 : vector<16xf32> to vector<16xf32>
    %swap3A_1212 = vector.shape_cast %mul3A_1208 : vector<16xf32> to vector<16xf32>
    tpu.vector_store %arg12[%swap3A_1209], %swap3A_1212 {strides = array<i32>} : memref<480xf32, #tpu.memory_space<vmem>>, vector<16xf32>,
    %get3A_1213 = arith.constant 192 : index
    %get3A_1214 = tpu.vector_load %arg11[%get3A_1213] {strides = array<i32>} : memref<960xf32, #tpu.memory_space<vmem>>, vector<16xf32>,
    %get3A_1215 = vector.shape_cast %get3A_1214 : vector<16xf32> to vector<16xf32>
    %get3A_1216 = arith.constant 672 : index
    %get3A_1217 = tpu.vector_load %arg11[%get3A_1216] {strides = array<i32>} : memref<960xf32, #tpu.memory_space<vmem>>, vector<16xf32>,
    %get3A_1218 = vector.shape_cast %get3A_1217 : vector<16xf32> to vector<16xf32>
    %get3A_1219 = arith.constant 192 : index
    %get3A_1220 = tpu.vector_load %arg7[%get3A_1219] {strides = array<i32>} : memref<480xf32, #tpu.memory_space<vmem>>, vector<16xf32>,
    %get3A_1221 = vector.shape_cast %get3A_1220 : vector<16xf32> to vector<16xf32>
    %get3A_1222 = arith.constant 192 : index
    %get3A_1223 = tpu.vector_load %arg8[%get3A_1222] {strides = array<i32>} : memref<480xf32, #tpu.memory_space<vmem>>, vector<16xf32>,
    %get3A_1224 = vector.shape_cast %get3A_1223 : vector<16xf32> to vector<16xf32>
    %get3A_1225 = arith.constant 16 : index
    %get3A_1226 = tpu.vector_load %arg9[%get3A_1225] {strides = array<i32>} : memref<48xf32, #tpu.memory_space<vmem>>, vector<16xf32>,
    %get3A_1227 = vector.shape_cast %get3A_1226 : vector<16xf32> to vector<16xf32>
    %add3A_1228 = arith.addf %get3A_1215, %get3A_1218 : vector<16xf32>
    %mul3A_1229 = arith.constant 5.000000e-01 : f32
    %mul3A_1230 = vector.broadcast %mul3A_1229 : f32 to vector<16xf32>
    %mul3A_1231 = arith.mulf %add3A_1228, %mul3A_1230 : vector<16xf32>
    %add3A_1232 = arith.addf %get3A_1221, %mul3A_1231 : vector<16xf32>
    %sub3A_1233 = arith.subf %add3A_1232, %get3A_1224 : vector<16xf32>
    %mul3A_1234 = arith.mulf %sub3A_1233, %get3A_1227 : vector<16xf32>
    %swap3A_1235 = arith.constant 192 : index
    %swap3A_1236 = tpu.vector_load %arg12[%swap3A_1235] {strides = array<i32>} : memref<480xf32, #tpu.memory_space<vmem>>, vector<16xf32>,
    %swap3A_1237 = vector.shape_cast %swap3A_1236 : vector<16xf32> to vector<16xf32>
    %swap3A_1238 = vector.shape_cast %mul3A_1234 : vector<16xf32> to vector<16xf32>
    tpu.vector_store %arg12[%swap3A_1235], %swap3A_1238 {strides = array<i32>} : memref<480xf32, #tpu.memory_space<vmem>>, vector<16xf32>,
    %get3A_1239 = arith.constant 352 : index
    %get3A_1240 = tpu.vector_load %arg11[%get3A_1239] {strides = array<i32>} : memref<960xf32, #tpu.memory_space<vmem>>, vector<16xf32>,
    %get3A_1241 = vector.shape_cast %get3A_1240 : vector<16xf32> to vector<16xf32>
    %get3A_1242 = arith.constant 832 : index
    %get3A_1243 = tpu.vector_load %arg11[%get3A_1242] {strides = array<i32>} : memref<960xf32, #tpu.memory_space<vmem>>, vector<16xf32>,
    %get3A_1244 = vector.shape_cast %get3A_1243 : vector<16xf32> to vector<16xf32>
    %get3A_1245 = arith.constant 352 : index
    %get3A_1246 = tpu.vector_load %arg7[%get3A_1245] {strides = array<i32>} : memref<480xf32, #tpu.memory_space<vmem>>, vector<16xf32>,
    %get3A_1247 = vector.shape_cast %get3A_1246 : vector<16xf32> to vector<16xf32>
    %get3A_1248 = arith.constant 352 : index
    %get3A_1249 = tpu.vector_load %arg8[%get3A_1248] {strides = array<i32>} : memref<480xf32, #tpu.memory_space<vmem>>, vector<16xf32>,
    %get3A_1250 = vector.shape_cast %get3A_1249 : vector<16xf32> to vector<16xf32>
    %get3A_1251 = arith.constant 32 : index
    %get3A_1252 = tpu.vector_load %arg9[%get3A_1251] {strides = array<i32>} : memref<48xf32, #tpu.memory_space<vmem>>, vector<16xf32>,
    %get3A_1253 = vector.shape_cast %get3A_1252 : vector<16xf32> to vector<16xf32>
    %add3A_1254 = arith.addf %get3A_1241, %get3A_1244 : vector<16xf32>
    %mul3A_1255 = arith.constant 5.000000e-01 : f32
    %mul3A_1256 = vector.broadcast %mul3A_1255 : f32 to vector<16xf32>
    %mul3A_1257 = arith.mulf %add3A_1254, %mul3A_1256 : vector<16xf32>
    %add3A_1258 = arith.addf %get3A_1247, %mul3A_1257 : vector<16xf32>
    %sub3A_1259 = arith.subf %add3A_1258, %get3A_1250 : vector<16xf32>
    %mul3A_1260 = arith.mulf %sub3A_1259, %get3A_1253 : vector<16xf32>
    %swap3A_1261 = arith.constant 352 : index
    %swap3A_1262 = tpu.vector_load %arg12[%swap3A_1261] {strides = array<i32>} : memref<480xf32, #tpu.memory_space<vmem>>, vector<16xf32>,
    %swap3A_1263 = vector.shape_cast %swap3A_1262 : vector<16xf32> to vector<16xf32>
    %swap3A_1264 = vector.shape_cast %mul3A_1260 : vector<16xf32> to vector<16xf32>
    tpu.vector_store %arg12[%swap3A_1261], %swap3A_1264 {strides = array<i32>} : memref<480xf32, #tpu.memory_space<vmem>>, vector<16xf32>,
    %get3A_1265 = arith.constant 48 : index
    %get3A_1266 = tpu.vector_load %arg11[%get3A_1265] {strides = array<i32>} : memref<960xf32, #tpu.memory_space<vmem>>, vector<16xf32>,
    %get3A_1267 = vector.shape_cast %get3A_1266 : vector<16xf32> to vector<16xf32>
    %get3A_1268 = arith.constant 528 : index
    %get3A_1269 = tpu.vector_load %arg11[%get3A_1268] {strides = array<i32>} : memref<960xf32, #tpu.memory_space<vmem>>, vector<16xf32>,
    %get3A_1270 = vector.shape_cast %get3A_1269 : vector<16xf32> to vector<16xf32>
    %get3A_1271 = arith.constant 48 : index
    %get3A_1272 = tpu.vector_load %arg7[%get3A_1271] {strides = array<i32>} : memref<480xf32, #tpu.memory_space<vmem>>, vector<16xf32>,
    %get3A_1273 = vector.shape_cast %get3A_1272 : vector<16xf32> to vector<16xf32>
    %get3A_1274 = arith.constant 48 : index
    %get3A_1275 = tpu.vector_load %arg8[%get3A_1274] {strides = array<i32>} : memref<480xf32, #tpu.memory_space<vmem>>, vector<16xf32>,
    %get3A_1276 = vector.shape_cast %get3A_1275 : vector<16xf32> to vector<16xf32>
    %get3A_1277 = arith.constant 0 : index
    %get3A_1278 = tpu.vector_load %arg9[%get3A_1277] {strides = array<i32>} : memref<48xf32, #tpu.memory_space<vmem>>, vector<16xf32>,
    %get3A_1279 = vector.shape_cast %get3A_1278 : vector<16xf32> to vector<16xf32>
    %add3A_1280 = arith.addf %get3A_1267, %get3A_1270 : vector<16xf32>
    %mul3A_1281 = arith.constant 5.000000e-01 : f32
    %mul3A_1282 = vector.broadcast %mul3A_1281 : f32 to vector<16xf32>
    %mul3A_1283 = arith.mulf %add3A_1280, %mul3A_1282 : vector<16xf32>
    %add3A_1284 = arith.addf %get3A_1273, %mul3A_1283 : vector<16xf32>
    %sub3A_1285 = arith.subf %add3A_1284, %get3A_1276 : vector<16xf32>
    %mul3A_1286 = arith.mulf %sub3A_1285, %get3A_1279 : vector<16xf32>
    %swap3A_1287 = arith.constant 48 : index
    %swap3A_1288 = tpu.vector_load %arg12[%swap3A_1287] {strides = array<i32>} : memref<480xf32, #tpu.memory_space<vmem>>, vector<16xf32>,
    %swap3A_1289 = vector.shape_cast %swap3A_1288 : vector<16xf32> to vector<16xf32>
    %swap3A_1290 = vector.shape_cast %mul3A_1286 : vector<16xf32> to vector<16xf32>
    tpu.vector_store %arg12[%swap3A_1287], %swap3A_1290 {strides = array<i32>} : memref<480xf32, #tpu.memory_space<vmem>>, vector<16xf32>,
    %get3A_1291 = arith.constant 208 : index
    %get3A_1292 = tpu.vector_load %arg11[%get3A_1291] {strides = array<i32>} : memref<960xf32, #tpu.memory_space<vmem>>, vector<16xf32>,
    %get3A_1293 = vector.shape_cast %get3A_1292 : vector<16xf32> to vector<16xf32>
    %get3A_1294 = arith.constant 688 : index
    %get3A_1295 = tpu.vector_load %arg11[%get3A_1294] {strides = array<i32>} : memref<960xf32, #tpu.memory_space<vmem>>, vector<16xf32>,
    %get3A_1296 = vector.shape_cast %get3A_1295 : vector<16xf32> to vector<16xf32>
    %get3A_1297 = arith.constant 208 : index
    %get3A_1298 = tpu.vector_load %arg7[%get3A_1297] {strides = array<i32>} : memref<480xf32, #tpu.memory_space<vmem>>, vector<16xf32>,
    %get3A_1299 = vector.shape_cast %get3A_1298 : vector<16xf32> to vector<16xf32>
    %get3A_1300 = arith.constant 208 : index
    %get3A_1301 = tpu.vector_load %arg8[%get3A_1300] {strides = array<i32>} : memref<480xf32, #tpu.memory_space<vmem>>, vector<16xf32>,
    %get3A_1302 = vector.shape_cast %get3A_1301 : vector<16xf32> to vector<16xf32>
    %get3A_1303 = arith.constant 16 : index
    %get3A_1304 = tpu.vector_load %arg9[%get3A_1303] {strides = array<i32>} : memref<48xf32, #tpu.memory_space<vmem>>, vector<16xf32>,
    %get3A_1305 = vector.shape_cast %get3A_1304 : vector<16xf32> to vector<16xf32>
    %add3A_1306 = arith.addf %get3A_1293, %get3A_1296 : vector<16xf32>
    %mul3A_1307 = arith.constant 5.000000e-01 : f32
    %mul3A_1308 = vector.broadcast %mul3A_1307 : f32 to vector<16xf32>
    %mul3A_1309 = arith.mulf %add3A_1306, %mul3A_1308 : vector<16xf32>
    %add3A_1310 = arith.addf %get3A_1299, %mul3A_1309 : vector<16xf32>
    %sub3A_1311 = arith.subf %add3A_1310, %get3A_1302 : vector<16xf32>
    %mul3A_1312 = arith.mulf %sub3A_1311, %get3A_1305 : vector<16xf32>
    %swap3A_1313 = arith.constant 208 : index
    %swap3A_1314 = tpu.vector_load %arg12[%swap3A_1313] {strides = array<i32>} : memref<480xf32, #tpu.memory_space<vmem>>, vector<16xf32>,
    %swap3A_1315 = vector.shape_cast %swap3A_1314 : vector<16xf32> to vector<16xf32>
    %swap3A_1316 = vector.shape_cast %mul3A_1312 : vector<16xf32> to vector<16xf32>
    tpu.vector_store %arg12[%swap3A_1313], %swap3A_1316 {strides = array<i32>} : memref<480xf32, #tpu.memory_space<vmem>>, vector<16xf32>,
    %get3A_1317 = arith.constant 368 : index
    %get3A_1318 = tpu.vector_load %arg11[%get3A_1317] {strides = array<i32>} : memref<960xf32, #tpu.memory_space<vmem>>, vector<16xf32>,
    %get3A_1319 = vector.shape_cast %get3A_1318 : vector<16xf32> to vector<16xf32>
    %get3A_1320 = arith.constant 848 : index
    %get3A_1321 = tpu.vector_load %arg11[%get3A_1320] {strides = array<i32>} : memref<960xf32, #tpu.memory_space<vmem>>, vector<16xf32>,
    %get3A_1322 = vector.shape_cast %get3A_1321 : vector<16xf32> to vector<16xf32>
    %get3A_1323 = arith.constant 368 : index
    %get3A_1324 = tpu.vector_load %arg7[%get3A_1323] {strides = array<i32>} : memref<480xf32, #tpu.memory_space<vmem>>, vector<16xf32>,
    %get3A_1325 = vector.shape_cast %get3A_1324 : vector<16xf32> to vector<16xf32>
    %get3A_1326 = arith.constant 368 : index
    %get3A_1327 = tpu.vector_load %arg8[%get3A_1326] {strides = array<i32>} : memref<480xf32, #tpu.memory_space<vmem>>, vector<16xf32>,
    %get3A_1328 = vector.shape_cast %get3A_1327 : vector<16xf32> to vector<16xf32>
    %get3A_1329 = arith.constant 32 : index
    %get3A_1330 = tpu.vector_load %arg9[%get3A_1329] {strides = array<i32>} : memref<48xf32, #tpu.memory_space<vmem>>, vector<16xf32>,
    %get3A_1331 = vector.shape_cast %get3A_1330 : vector<16xf32> to vector<16xf32>
    %add3A_1332 = arith.addf %get3A_1319, %get3A_1322 : vector<16xf32>
    %mul3A_1333 = arith.constant 5.000000e-01 : f32
    %mul3A_1334 = vector.broadcast %mul3A_1333 : f32 to vector<16xf32>
    %mul3A_1335 = arith.mulf %add3A_1332, %mul3A_1334 : vector<16xf32>
    %add3A_1336 = arith.addf %get3A_1325, %mul3A_1335 : vector<16xf32>
    %sub3A_1337 = arith.subf %add3A_1336, %get3A_1328 : vector<16xf32>
    %mul3A_1338 = arith.mulf %sub3A_1337, %get3A_1331 : vector<16xf32>
    %swap3A_1339 = arith.constant 368 : index
    %swap3A_1340 = tpu.vector_load %arg12[%swap3A_1339] {strides = array<i32>} : memref<480xf32, #tpu.memory_space<vmem>>, vector<16xf32>,
    %swap3A_1341 = vector.shape_cast %swap3A_1340 : vector<16xf32> to vector<16xf32>
    %swap3A_1342 = vector.shape_cast %mul3A_1338 : vector<16xf32> to vector<16xf32>
    tpu.vector_store %arg12[%swap3A_1339], %swap3A_1342 {strides = array<i32>} : memref<480xf32, #tpu.memory_space<vmem>>, vector<16xf32>,
    %get3A_1343 = arith.constant 64 : index
    %get3A_1344 = tpu.vector_load %arg11[%get3A_1343] {strides = array<i32>} : memref<960xf32, #tpu.memory_space<vmem>>, vector<16xf32>,
    %get3A_1345 = vector.shape_cast %get3A_1344 : vector<16xf32> to vector<16xf32>
    %get3A_1346 = arith.constant 544 : index
    %get3A_1347 = tpu.vector_load %arg11[%get3A_1346] {strides = array<i32>} : memref<960xf32, #tpu.memory_space<vmem>>, vector<16xf32>,
    %get3A_1348 = vector.shape_cast %get3A_1347 : vector<16xf32> to vector<16xf32>
    %get3A_1349 = arith.constant 64 : index
    %get3A_1350 = tpu.vector_load %arg7[%get3A_1349] {strides = array<i32>} : memref<480xf32, #tpu.memory_space<vmem>>, vector<16xf32>,
    %get3A_1351 = vector.shape_cast %get3A_1350 : vector<16xf32> to vector<16xf32>
    %get3A_1352 = arith.constant 64 : index
    %get3A_1353 = tpu.vector_load %arg8[%get3A_1352] {strides = array<i32>} : memref<480xf32, #tpu.memory_space<vmem>>, vector<16xf32>,
    %get3A_1354 = vector.shape_cast %get3A_1353 : vector<16xf32> to vector<16xf32>
    %get3A_1355 = arith.constant 0 : index
    %get3A_1356 = tpu.vector_load %arg9[%get3A_1355] {strides = array<i32>} : memref<48xf32, #tpu.memory_space<vmem>>, vector<16xf32>,
    %get3A_1357 = vector.shape_cast %get3A_1356 : vector<16xf32> to vector<16xf32>
    %add3A_1358 = arith.addf %get3A_1345, %get3A_1348 : vector<16xf32>
    %mul3A_1359 = arith.constant 5.000000e-01 : f32
    %mul3A_1360 = vector.broadcast %mul3A_1359 : f32 to vector<16xf32>
    %mul3A_1361 = arith.mulf %add3A_1358, %mul3A_1360 : vector<16xf32>
    %add3A_1362 = arith.addf %get3A_1351, %mul3A_1361 : vector<16xf32>
    %sub3A_1363 = arith.subf %add3A_1362, %get3A_1354 : vector<16xf32>
    %mul3A_1364 = arith.mulf %sub3A_1363, %get3A_1357 : vector<16xf32>
    %swap3A_1365 = arith.constant 64 : index
    %swap3A_1366 = tpu.vector_load %arg12[%swap3A_1365] {strides = array<i32>} : memref<480xf32, #tpu.memory_space<vmem>>, vector<16xf32>,
    %swap3A_1367 = vector.shape_cast %swap3A_1366 : vector<16xf32> to vector<16xf32>
    %swap3A_1368 = vector.shape_cast %mul3A_1364 : vector<16xf32> to vector<16xf32>
    tpu.vector_store %arg12[%swap3A_1365], %swap3A_1368 {strides = array<i32>} : memref<480xf32, #tpu.memory_space<vmem>>, vector<16xf32>,
    %get3A_1369 = arith.constant 224 : index
    %get3A_1370 = tpu.vector_load %arg11[%get3A_1369] {strides = array<i32>} : memref<960xf32, #tpu.memory_space<vmem>>, vector<16xf32>,
    %get3A_1371 = vector.shape_cast %get3A_1370 : vector<16xf32> to vector<16xf32>
    %get3A_1372 = arith.constant 704 : index
    %get3A_1373 = tpu.vector_load %arg11[%get3A_1372] {strides = array<i32>} : memref<960xf32, #tpu.memory_space<vmem>>, vector<16xf32>,
    %get3A_1374 = vector.shape_cast %get3A_1373 : vector<16xf32> to vector<16xf32>
    %get3A_1375 = arith.constant 224 : index
    %get3A_1376 = tpu.vector_load %arg7[%get3A_1375] {strides = array<i32>} : memref<480xf32, #tpu.memory_space<vmem>>, vector<16xf32>,
    %get3A_1377 = vector.shape_cast %get3A_1376 : vector<16xf32> to vector<16xf32>
    %get3A_1378 = arith.constant 224 : index
    %get3A_1379 = tpu.vector_load %arg8[%get3A_1378] {strides = array<i32>} : memref<480xf32, #tpu.memory_space<vmem>>, vector<16xf32>,
    %get3A_1380 = vector.shape_cast %get3A_1379 : vector<16xf32> to vector<16xf32>
    %get3A_1381 = arith.constant 16 : index
    %get3A_1382 = tpu.vector_load %arg9[%get3A_1381] {strides = array<i32>} : memref<48xf32, #tpu.memory_space<vmem>>, vector<16xf32>,
    %get3A_1383 = vector.shape_cast %get3A_1382 : vector<16xf32> to vector<16xf32>
    %add3A_1384 = arith.addf %get3A_1371, %get3A_1374 : vector<16xf32>
    %mul3A_1385 = arith.constant 5.000000e-01 : f32
    %mul3A_1386 = vector.broadcast %mul3A_1385 : f32 to vector<16xf32>
    %mul3A_1387 = arith.mulf %add3A_1384, %mul3A_1386 : vector<16xf32>
    %add3A_1388 = arith.addf %get3A_1377, %mul3A_1387 : vector<16xf32>
    %sub3A_1389 = arith.subf %add3A_1388, %get3A_1380 : vector<16xf32>
    %mul3A_1390 = arith.mulf %sub3A_1389, %get3A_1383 : vector<16xf32>
    %swap3A_1391 = arith.constant 224 : index
    %swap3A_1392 = tpu.vector_load %arg12[%swap3A_1391] {strides = array<i32>} : memref<480xf32, #tpu.memory_space<vmem>>, vector<16xf32>,
    %swap3A_1393 = vector.shape_cast %swap3A_1392 : vector<16xf32> to vector<16xf32>
    %swap3A_1394 = vector.shape_cast %mul3A_1390 : vector<16xf32> to vector<16xf32>
    tpu.vector_store %arg12[%swap3A_1391], %swap3A_1394 {strides = array<i32>} : memref<480xf32, #tpu.memory_space<vmem>>, vector<16xf32>,
    %get3A_1395 = arith.constant 384 : index
    %get3A_1396 = tpu.vector_load %arg11[%get3A_1395] {strides = array<i32>} : memref<960xf32, #tpu.memory_space<vmem>>, vector<16xf32>,
    %get3A_1397 = vector.shape_cast %get3A_1396 : vector<16xf32> to vector<16xf32>
    %get3A_1398 = arith.constant 864 : index
    %get3A_1399 = tpu.vector_load %arg11[%get3A_1398] {strides = array<i32>} : memref<960xf32, #tpu.memory_space<vmem>>, vector<16xf32>,
    %get3A_1400 = vector.shape_cast %get3A_1399 : vector<16xf32> to vector<16xf32>
    %get3A_1401 = arith.constant 384 : index
    %get3A_1402 = tpu.vector_load %arg7[%get3A_1401] {strides = array<i32>} : memref<480xf32, #tpu.memory_space<vmem>>, vector<16xf32>,
    %get3A_1403 = vector.shape_cast %get3A_1402 : vector<16xf32> to vector<16xf32>
    %get3A_1404 = arith.constant 384 : index
    %get3A_1405 = tpu.vector_load %arg8[%get3A_1404] {strides = array<i32>} : memref<480xf32, #tpu.memory_space<vmem>>, vector<16xf32>,
    %get3A_1406 = vector.shape_cast %get3A_1405 : vector<16xf32> to vector<16xf32>
    %get3A_1407 = arith.constant 32 : index
    %get3A_1408 = tpu.vector_load %arg9[%get3A_1407] {strides = array<i32>} : memref<48xf32, #tpu.memory_space<vmem>>, vector<16xf32>,
    %get3A_1409 = vector.shape_cast %get3A_1408 : vector<16xf32> to vector<16xf32>
    %add3A_1410 = arith.addf %get3A_1397, %get3A_1400 : vector<16xf32>
    %mul3A_1411 = arith.constant 5.000000e-01 : f32
    %mul3A_1412 = vector.broadcast %mul3A_1411 : f32 to vector<16xf32>
    %mul3A_1413 = arith.mulf %add3A_1410, %mul3A_1412 : vector<16xf32>
    %add3A_1414 = arith.addf %get3A_1403, %mul3A_1413 : vector<16xf32>
    %sub3A_1415 = arith.subf %add3A_1414, %get3A_1406 : vector<16xf32>
    %mul3A_1416 = arith.mulf %sub3A_1415, %get3A_1409 : vector<16xf32>
    %swap3A_1417 = arith.constant 384 : index
    %swap3A_1418 = tpu.vector_load %arg12[%swap3A_1417] {strides = array<i32>} : memref<480xf32, #tpu.memory_space<vmem>>, vector<16xf32>,
    %swap3A_1419 = vector.shape_cast %swap3A_1418 : vector<16xf32> to vector<16xf32>
    %swap3A_1420 = vector.shape_cast %mul3A_1416 : vector<16xf32> to vector<16xf32>
    tpu.vector_store %arg12[%swap3A_1417], %swap3A_1420 {strides = array<i32>} : memref<480xf32, #tpu.memory_space<vmem>>, vector<16xf32>,
    %get3A_1421 = arith.constant 80 : index
    %get3A_1422 = tpu.vector_load %arg11[%get3A_1421] {strides = array<i32>} : memref<960xf32, #tpu.memory_space<vmem>>, vector<16xf32>,
    %get3A_1423 = vector.shape_cast %get3A_1422 : vector<16xf32> to vector<16xf32>
    %get3A_1424 = arith.constant 560 : index
    %get3A_1425 = tpu.vector_load %arg11[%get3A_1424] {strides = array<i32>} : memref<960xf32, #tpu.memory_space<vmem>>, vector<16xf32>,
    %get3A_1426 = vector.shape_cast %get3A_1425 : vector<16xf32> to vector<16xf32>
    %get3A_1427 = arith.constant 80 : index
    %get3A_1428 = tpu.vector_load %arg7[%get3A_1427] {strides = array<i32>} : memref<480xf32, #tpu.memory_space<vmem>>, vector<16xf32>,
    %get3A_1429 = vector.shape_cast %get3A_1428 : vector<16xf32> to vector<16xf32>
    %get3A_1430 = arith.constant 80 : index
    %get3A_1431 = tpu.vector_load %arg8[%get3A_1430] {strides = array<i32>} : memref<480xf32, #tpu.memory_space<vmem>>, vector<16xf32>,
    %get3A_1432 = vector.shape_cast %get3A_1431 : vector<16xf32> to vector<16xf32>
    %get3A_1433 = arith.constant 0 : index
    %get3A_1434 = tpu.vector_load %arg9[%get3A_1433] {strides = array<i32>} : memref<48xf32, #tpu.memory_space<vmem>>, vector<16xf32>,
    %get3A_1435 = vector.shape_cast %get3A_1434 : vector<16xf32> to vector<16xf32>
    %add3A_1436 = arith.addf %get3A_1423, %get3A_1426 : vector<16xf32>
    %mul3A_1437 = arith.constant 5.000000e-01 : f32
    %mul3A_1438 = vector.broadcast %mul3A_1437 : f32 to vector<16xf32>
    %mul3A_1439 = arith.mulf %add3A_1436, %mul3A_1438 : vector<16xf32>
    %add3A_1440 = arith.addf %get3A_1429, %mul3A_1439 : vector<16xf32>
    %sub3A_1441 = arith.subf %add3A_1440, %get3A_1432 : vector<16xf32>
    %mul3A_1442 = arith.mulf %sub3A_1441, %get3A_1435 : vector<16xf32>
    %swap3A_1443 = arith.constant 80 : index
    %swap3A_1444 = tpu.vector_load %arg12[%swap3A_1443] {strides = array<i32>} : memref<480xf32, #tpu.memory_space<vmem>>, vector<16xf32>,
    %swap3A_1445 = vector.shape_cast %swap3A_1444 : vector<16xf32> to vector<16xf32>
    %swap3A_1446 = vector.shape_cast %mul3A_1442 : vector<16xf32> to vector<16xf32>
    tpu.vector_store %arg12[%swap3A_1443], %swap3A_1446 {strides = array<i32>} : memref<480xf32, #tpu.memory_space<vmem>>, vector<16xf32>,
    %get3A_1447 = arith.constant 240 : index
    %get3A_1448 = tpu.vector_load %arg11[%get3A_1447] {strides = array<i32>} : memref<960xf32, #tpu.memory_space<vmem>>, vector<16xf32>,
    %get3A_1449 = vector.shape_cast %get3A_1448 : vector<16xf32> to vector<16xf32>
    %get3A_1450 = arith.constant 720 : index
    %get3A_1451 = tpu.vector_load %arg11[%get3A_1450] {strides = array<i32>} : memref<960xf32, #tpu.memory_space<vmem>>, vector<16xf32>,
    %get3A_1452 = vector.shape_cast %get3A_1451 : vector<16xf32> to vector<16xf32>
    %get3A_1453 = arith.constant 240 : index
    %get3A_1454 = tpu.vector_load %arg7[%get3A_1453] {strides = array<i32>} : memref<480xf32, #tpu.memory_space<vmem>>, vector<16xf32>,
    %get3A_1455 = vector.shape_cast %get3A_1454 : vector<16xf32> to vector<16xf32>
    %get3A_1456 = arith.constant 240 : index
    %get3A_1457 = tpu.vector_load %arg8[%get3A_1456] {strides = array<i32>} : memref<480xf32, #tpu.memory_space<vmem>>, vector<16xf32>,
    %get3A_1458 = vector.shape_cast %get3A_1457 : vector<16xf32> to vector<16xf32>
    %get3A_1459 = arith.constant 16 : index
    %get3A_1460 = tpu.vector_load %arg9[%get3A_1459] {strides = array<i32>} : memref<48xf32, #tpu.memory_space<vmem>>, vector<16xf32>,
    %get3A_1461 = vector.shape_cast %get3A_1460 : vector<16xf32> to vector<16xf32>
    %add3A_1462 = arith.addf %get3A_1449, %get3A_1452 : vector<16xf32>
    %mul3A_1463 = arith.constant 5.000000e-01 : f32
    %mul3A_1464 = vector.broadcast %mul3A_1463 : f32 to vector<16xf32>
    %mul3A_1465 = arith.mulf %add3A_1462, %mul3A_1464 : vector<16xf32>
    %add3A_1466 = arith.addf %get3A_1455, %mul3A_1465 : vector<16xf32>
    %sub3A_1467 = arith.subf %add3A_1466, %get3A_1458 : vector<16xf32>
    %mul3A_1468 = arith.mulf %sub3A_1467, %get3A_1461 : vector<16xf32>
    %swap3A_1469 = arith.constant 240 : index
    %swap3A_1470 = tpu.vector_load %arg12[%swap3A_1469] {strides = array<i32>} : memref<480xf32, #tpu.memory_space<vmem>>, vector<16xf32>,
    %swap3A_1471 = vector.shape_cast %swap3A_1470 : vector<16xf32> to vector<16xf32>
    %swap3A_1472 = vector.shape_cast %mul3A_1468 : vector<16xf32> to vector<16xf32>
    tpu.vector_store %arg12[%swap3A_1469], %swap3A_1472 {strides = array<i32>} : memref<480xf32, #tpu.memory_space<vmem>>, vector<16xf32>,
    %get3A_1473 = arith.constant 400 : index
    %get3A_1474 = tpu.vector_load %arg11[%get3A_1473] {strides = array<i32>} : memref<960xf32, #tpu.memory_space<vmem>>, vector<16xf32>,
    %get3A_1475 = vector.shape_cast %get3A_1474 : vector<16xf32> to vector<16xf32>
    %get3A_1476 = arith.constant 880 : index
    %get3A_1477 = tpu.vector_load %arg11[%get3A_1476] {strides = array<i32>} : memref<960xf32, #tpu.memory_space<vmem>>, vector<16xf32>,
    %get3A_1478 = vector.shape_cast %get3A_1477 : vector<16xf32> to vector<16xf32>
    %get3A_1479 = arith.constant 400 : index
    %get3A_1480 = tpu.vector_load %arg7[%get3A_1479] {strides = array<i32>} : memref<480xf32, #tpu.memory_space<vmem>>, vector<16xf32>,
    %get3A_1481 = vector.shape_cast %get3A_1480 : vector<16xf32> to vector<16xf32>
    %get3A_1482 = arith.constant 400 : index
    %get3A_1483 = tpu.vector_load %arg8[%get3A_1482] {strides = array<i32>} : memref<480xf32, #tpu.memory_space<vmem>>, vector<16xf32>,
    %get3A_1484 = vector.shape_cast %get3A_1483 : vector<16xf32> to vector<16xf32>
    %get3A_1485 = arith.constant 32 : index
    %get3A_1486 = tpu.vector_load %arg9[%get3A_1485] {strides = array<i32>} : memref<48xf32, #tpu.memory_space<vmem>>, vector<16xf32>,
    %get3A_1487 = vector.shape_cast %get3A_1486 : vector<16xf32> to vector<16xf32>
    %add3A_1488 = arith.addf %get3A_1475, %get3A_1478 : vector<16xf32>
    %mul3A_1489 = arith.constant 5.000000e-01 : f32
    %mul3A_1490 = vector.broadcast %mul3A_1489 : f32 to vector<16xf32>
    %mul3A_1491 = arith.mulf %add3A_1488, %mul3A_1490 : vector<16xf32>
    %add3A_1492 = arith.addf %get3A_1481, %mul3A_1491 : vector<16xf32>
    %sub3A_1493 = arith.subf %add3A_1492, %get3A_1484 : vector<16xf32>
    %mul3A_1494 = arith.mulf %sub3A_1493, %get3A_1487 : vector<16xf32>
    %swap3A_1495 = arith.constant 400 : index
    %swap3A_1496 = tpu.vector_load %arg12[%swap3A_1495] {strides = array<i32>} : memref<480xf32, #tpu.memory_space<vmem>>, vector<16xf32>,
    %swap3A_1497 = vector.shape_cast %swap3A_1496 : vector<16xf32> to vector<16xf32>
    %swap3A_1498 = vector.shape_cast %mul3A_1494 : vector<16xf32> to vector<16xf32>
    tpu.vector_store %arg12[%swap3A_1495], %swap3A_1498 {strides = array<i32>} : memref<480xf32, #tpu.memory_space<vmem>>, vector<16xf32>,
    %get3A_1499 = arith.constant 96 : index
    %get3A_1500 = tpu.vector_load %arg11[%get3A_1499] {strides = array<i32>} : memref<960xf32, #tpu.memory_space<vmem>>, vector<16xf32>,
    %get3A_1501 = vector.shape_cast %get3A_1500 : vector<16xf32> to vector<16xf32>
    %get3A_1502 = arith.constant 576 : index
    %get3A_1503 = tpu.vector_load %arg11[%get3A_1502] {strides = array<i32>} : memref<960xf32, #tpu.memory_space<vmem>>, vector<16xf32>,
    %get3A_1504 = vector.shape_cast %get3A_1503 : vector<16xf32> to vector<16xf32>
    %get3A_1505 = arith.constant 96 : index
    %get3A_1506 = tpu.vector_load %arg7[%get3A_1505] {strides = array<i32>} : memref<480xf32, #tpu.memory_space<vmem>>, vector<16xf32>,
    %get3A_1507 = vector.shape_cast %get3A_1506 : vector<16xf32> to vector<16xf32>
    %get3A_1508 = arith.constant 96 : index
    %get3A_1509 = tpu.vector_load %arg8[%get3A_1508] {strides = array<i32>} : memref<480xf32, #tpu.memory_space<vmem>>, vector<16xf32>,
    %get3A_1510 = vector.shape_cast %get3A_1509 : vector<16xf32> to vector<16xf32>
    %get3A_1511 = arith.constant 0 : index
    %get3A_1512 = tpu.vector_load %arg9[%get3A_1511] {strides = array<i32>} : memref<48xf32, #tpu.memory_space<vmem>>, vector<16xf32>,
    %get3A_1513 = vector.shape_cast %get3A_1512 : vector<16xf32> to vector<16xf32>
    %add3A_1514 = arith.addf %get3A_1501, %get3A_1504 : vector<16xf32>
    %mul3A_1515 = arith.constant 5.000000e-01 : f32
    %mul3A_1516 = vector.broadcast %mul3A_1515 : f32 to vector<16xf32>
    %mul3A_1517 = arith.mulf %add3A_1514, %mul3A_1516 : vector<16xf32>
    %add3A_1518 = arith.addf %get3A_1507, %mul3A_1517 : vector<16xf32>
    %sub3A_1519 = arith.subf %add3A_1518, %get3A_1510 : vector<16xf32>
    %mul3A_1520 = arith.mulf %sub3A_1519, %get3A_1513 : vector<16xf32>
    %swap3A_1521 = arith.constant 96 : index
    %swap3A_1522 = tpu.vector_load %arg12[%swap3A_1521] {strides = array<i32>} : memref<480xf32, #tpu.memory_space<vmem>>, vector<16xf32>,
    %swap3A_1523 = vector.shape_cast %swap3A_1522 : vector<16xf32> to vector<16xf32>
    %swap3A_1524 = vector.shape_cast %mul3A_1520 : vector<16xf32> to vector<16xf32>
    tpu.vector_store %arg12[%swap3A_1521], %swap3A_1524 {strides = array<i32>} : memref<480xf32, #tpu.memory_space<vmem>>, vector<16xf32>,
    %get3A_1525 = arith.constant 256 : index
    %get3A_1526 = tpu.vector_load %arg11[%get3A_1525] {strides = array<i32>} : memref<960xf32, #tpu.memory_space<vmem>>, vector<16xf32>,
    %get3A_1527 = vector.shape_cast %get3A_1526 : vector<16xf32> to vector<16xf32>
    %get3A_1528 = arith.constant 736 : index
    %get3A_1529 = tpu.vector_load %arg11[%get3A_1528] {strides = array<i32>} : memref<960xf32, #tpu.memory_space<vmem>>, vector<16xf32>,
    %get3A_1530 = vector.shape_cast %get3A_1529 : vector<16xf32> to vector<16xf32>
    %get3A_1531 = arith.constant 256 : index
    %get3A_1532 = tpu.vector_load %arg7[%get3A_1531] {strides = array<i32>} : memref<480xf32, #tpu.memory_space<vmem>>, vector<16xf32>,
    %get3A_1533 = vector.shape_cast %get3A_1532 : vector<16xf32> to vector<16xf32>
    %get3A_1534 = arith.constant 256 : index
    %get3A_1535 = tpu.vector_load %arg8[%get3A_1534] {strides = array<i32>} : memref<480xf32, #tpu.memory_space<vmem>>, vector<16xf32>,
    %get3A_1536 = vector.shape_cast %get3A_1535 : vector<16xf32> to vector<16xf32>
    %get3A_1537 = arith.constant 16 : index
    %get3A_1538 = tpu.vector_load %arg9[%get3A_1537] {strides = array<i32>} : memref<48xf32, #tpu.memory_space<vmem>>, vector<16xf32>,
    %get3A_1539 = vector.shape_cast %get3A_1538 : vector<16xf32> to vector<16xf32>
    %add3A_1540 = arith.addf %get3A_1527, %get3A_1530 : vector<16xf32>
    %mul3A_1541 = arith.constant 5.000000e-01 : f32
    %mul3A_1542 = vector.broadcast %mul3A_1541 : f32 to vector<16xf32>
    %mul3A_1543 = arith.mulf %add3A_1540, %mul3A_1542 : vector<16xf32>
    %add3A_1544 = arith.addf %get3A_1533, %mul3A_1543 : vector<16xf32>
    %sub3A_1545 = arith.subf %add3A_1544, %get3A_1536 : vector<16xf32>
    %mul3A_1546 = arith.mulf %sub3A_1545, %get3A_1539 : vector<16xf32>
    %swap3A_1547 = arith.constant 256 : index
    %swap3A_1548 = tpu.vector_load %arg12[%swap3A_1547] {strides = array<i32>} : memref<480xf32, #tpu.memory_space<vmem>>, vector<16xf32>,
    %swap3A_1549 = vector.shape_cast %swap3A_1548 : vector<16xf32> to vector<16xf32>
    %swap3A_1550 = vector.shape_cast %mul3A_1546 : vector<16xf32> to vector<16xf32>
    tpu.vector_store %arg12[%swap3A_1547], %swap3A_1550 {strides = array<i32>} : memref<480xf32, #tpu.memory_space<vmem>>, vector<16xf32>,
    %get3A_1551 = arith.constant 416 : index
    %get3A_1552 = tpu.vector_load %arg11[%get3A_1551] {strides = array<i32>} : memref<960xf32, #tpu.memory_space<vmem>>, vector<16xf32>,
    %get3A_1553 = vector.shape_cast %get3A_1552 : vector<16xf32> to vector<16xf32>
    %get3A_1554 = arith.constant 896 : index
    %get3A_1555 = tpu.vector_load %arg11[%get3A_1554] {strides = array<i32>} : memref<960xf32, #tpu.memory_space<vmem>>, vector<16xf32>,
    %get3A_1556 = vector.shape_cast %get3A_1555 : vector<16xf32> to vector<16xf32>
    %get3A_1557 = arith.constant 416 : index
    %get3A_1558 = tpu.vector_load %arg7[%get3A_1557] {strides = array<i32>} : memref<480xf32, #tpu.memory_space<vmem>>, vector<16xf32>,
    %get3A_1559 = vector.shape_cast %get3A_1558 : vector<16xf32> to vector<16xf32>
    %get3A_1560 = arith.constant 416 : index
    %get3A_1561 = tpu.vector_load %arg8[%get3A_1560] {strides = array<i32>} : memref<480xf32, #tpu.memory_space<vmem>>, vector<16xf32>,
    %get3A_1562 = vector.shape_cast %get3A_1561 : vector<16xf32> to vector<16xf32>
    %get3A_1563 = arith.constant 32 : index
    %get3A_1564 = tpu.vector_load %arg9[%get3A_1563] {strides = array<i32>} : memref<48xf32, #tpu.memory_space<vmem>>, vector<16xf32>,
    %get3A_1565 = vector.shape_cast %get3A_1564 : vector<16xf32> to vector<16xf32>
    %add3A_1566 = arith.addf %get3A_1553, %get3A_1556 : vector<16xf32>
    %mul3A_1567 = arith.constant 5.000000e-01 : f32
    %mul3A_1568 = vector.broadcast %mul3A_1567 : f32 to vector<16xf32>
    %mul3A_1569 = arith.mulf %add3A_1566, %mul3A_1568 : vector<16xf32>
    %add3A_1570 = arith.addf %get3A_1559, %mul3A_1569 : vector<16xf32>
    %sub3A_1571 = arith.subf %add3A_1570, %get3A_1562 : vector<16xf32>
    %mul3A_1572 = arith.mulf %sub3A_1571, %get3A_1565 : vector<16xf32>
    %swap3A_1573 = arith.constant 416 : index
    %swap3A_1574 = tpu.vector_load %arg12[%swap3A_1573] {strides = array<i32>} : memref<480xf32, #tpu.memory_space<vmem>>, vector<16xf32>,
    %swap3A_1575 = vector.shape_cast %swap3A_1574 : vector<16xf32> to vector<16xf32>
    %swap3A_1576 = vector.shape_cast %mul3A_1572 : vector<16xf32> to vector<16xf32>
    tpu.vector_store %arg12[%swap3A_1573], %swap3A_1576 {strides = array<i32>} : memref<480xf32, #tpu.memory_space<vmem>>, vector<16xf32>,
    %get3A_1577 = arith.constant 112 : index
    %get3A_1578 = tpu.vector_load %arg11[%get3A_1577] {strides = array<i32>} : memref<960xf32, #tpu.memory_space<vmem>>, vector<16xf32>,
    %get3A_1579 = vector.shape_cast %get3A_1578 : vector<16xf32> to vector<16xf32>
    %get3A_1580 = arith.constant 592 : index
    %get3A_1581 = tpu.vector_load %arg11[%get3A_1580] {strides = array<i32>} : memref<960xf32, #tpu.memory_space<vmem>>, vector<16xf32>,
    %get3A_1582 = vector.shape_cast %get3A_1581 : vector<16xf32> to vector<16xf32>
    %get3A_1583 = arith.constant 112 : index
    %get3A_1584 = tpu.vector_load %arg7[%get3A_1583] {strides = array<i32>} : memref<480xf32, #tpu.memory_space<vmem>>, vector<16xf32>,
    %get3A_1585 = vector.shape_cast %get3A_1584 : vector<16xf32> to vector<16xf32>
    %get3A_1586 = arith.constant 112 : index
    %get3A_1587 = tpu.vector_load %arg8[%get3A_1586] {strides = array<i32>} : memref<480xf32, #tpu.memory_space<vmem>>, vector<16xf32>,
    %get3A_1588 = vector.shape_cast %get3A_1587 : vector<16xf32> to vector<16xf32>
    %get3A_1589 = arith.constant 0 : index
    %get3A_1590 = tpu.vector_load %arg9[%get3A_1589] {strides = array<i32>} : memref<48xf32, #tpu.memory_space<vmem>>, vector<16xf32>,
    %get3A_1591 = vector.shape_cast %get3A_1590 : vector<16xf32> to vector<16xf32>
    %add3A_1592 = arith.addf %get3A_1579, %get3A_1582 : vector<16xf32>
    %mul3A_1593 = arith.constant 5.000000e-01 : f32
    %mul3A_1594 = vector.broadcast %mul3A_1593 : f32 to vector<16xf32>
    %mul3A_1595 = arith.mulf %add3A_1592, %mul3A_1594 : vector<16xf32>
    %add3A_1596 = arith.addf %get3A_1585, %mul3A_1595 : vector<16xf32>
    %sub3A_1597 = arith.subf %add3A_1596, %get3A_1588 : vector<16xf32>
    %mul3A_1598 = arith.mulf %sub3A_1597, %get3A_1591 : vector<16xf32>
    %swap3A_1599 = arith.constant 112 : index
    %swap3A_1600 = tpu.vector_load %arg12[%swap3A_1599] {strides = array<i32>} : memref<480xf32, #tpu.memory_space<vmem>>, vector<16xf32>,
    %swap3A_1601 = vector.shape_cast %swap3A_1600 : vector<16xf32> to vector<16xf32>
    %swap3A_1602 = vector.shape_cast %mul3A_1598 : vector<16xf32> to vector<16xf32>
    tpu.vector_store %arg12[%swap3A_1599], %swap3A_1602 {strides = array<i32>} : memref<480xf32, #tpu.memory_space<vmem>>, vector<16xf32>,
    %get3A_1603 = arith.constant 272 : index
    %get3A_1604 = tpu.vector_load %arg11[%get3A_1603] {strides = array<i32>} : memref<960xf32, #tpu.memory_space<vmem>>, vector<16xf32>,
    %get3A_1605 = vector.shape_cast %get3A_1604 : vector<16xf32> to vector<16xf32>
    %get3A_1606 = arith.constant 752 : index
    %get3A_1607 = tpu.vector_load %arg11[%get3A_1606] {strides = array<i32>} : memref<960xf32, #tpu.memory_space<vmem>>, vector<16xf32>,
    %get3A_1608 = vector.shape_cast %get3A_1607 : vector<16xf32> to vector<16xf32>
    %get3A_1609 = arith.constant 272 : index
    %get3A_1610 = tpu.vector_load %arg7[%get3A_1609] {strides = array<i32>} : memref<480xf32, #tpu.memory_space<vmem>>, vector<16xf32>,
    %get3A_1611 = vector.shape_cast %get3A_1610 : vector<16xf32> to vector<16xf32>
    %get3A_1612 = arith.constant 272 : index
    %get3A_1613 = tpu.vector_load %arg8[%get3A_1612] {strides = array<i32>} : memref<480xf32, #tpu.memory_space<vmem>>, vector<16xf32>,
    %get3A_1614 = vector.shape_cast %get3A_1613 : vector<16xf32> to vector<16xf32>
    %get3A_1615 = arith.constant 16 : index
    %get3A_1616 = tpu.vector_load %arg9[%get3A_1615] {strides = array<i32>} : memref<48xf32, #tpu.memory_space<vmem>>, vector<16xf32>,
    %get3A_1617 = vector.shape_cast %get3A_1616 : vector<16xf32> to vector<16xf32>
    %add3A_1618 = arith.addf %get3A_1605, %get3A_1608 : vector<16xf32>
    %mul3A_1619 = arith.constant 5.000000e-01 : f32
    %mul3A_1620 = vector.broadcast %mul3A_1619 : f32 to vector<16xf32>
    %mul3A_1621 = arith.mulf %add3A_1618, %mul3A_1620 : vector<16xf32>
    %add3A_1622 = arith.addf %get3A_1611, %mul3A_1621 : vector<16xf32>
    %sub3A_1623 = arith.subf %add3A_1622, %get3A_1614 : vector<16xf32>
    %mul3A_1624 = arith.mulf %sub3A_1623, %get3A_1617 : vector<16xf32>
    %swap3A_1625 = arith.constant 272 : index
    %swap3A_1626 = tpu.vector_load %arg12[%swap3A_1625] {strides = array<i32>} : memref<480xf32, #tpu.memory_space<vmem>>, vector<16xf32>,
    %swap3A_1627 = vector.shape_cast %swap3A_1626 : vector<16xf32> to vector<16xf32>
    %swap3A_1628 = vector.shape_cast %mul3A_1624 : vector<16xf32> to vector<16xf32>
    tpu.vector_store %arg12[%swap3A_1625], %swap3A_1628 {strides = array<i32>} : memref<480xf32, #tpu.memory_space<vmem>>, vector<16xf32>,
    %get3A_1629 = arith.constant 432 : index
    %get3A_1630 = tpu.vector_load %arg11[%get3A_1629] {strides = array<i32>} : memref<960xf32, #tpu.memory_space<vmem>>, vector<16xf32>,
    %get3A_1631 = vector.shape_cast %get3A_1630 : vector<16xf32> to vector<16xf32>
    %get3A_1632 = arith.constant 912 : index
    %get3A_1633 = tpu.vector_load %arg11[%get3A_1632] {strides = array<i32>} : memref<960xf32, #tpu.memory_space<vmem>>, vector<16xf32>,
    %get3A_1634 = vector.shape_cast %get3A_1633 : vector<16xf32> to vector<16xf32>
    %get3A_1635 = arith.constant 432 : index
    %get3A_1636 = tpu.vector_load %arg7[%get3A_1635] {strides = array<i32>} : memref<480xf32, #tpu.memory_space<vmem>>, vector<16xf32>,
    %get3A_1637 = vector.shape_cast %get3A_1636 : vector<16xf32> to vector<16xf32>
    %get3A_1638 = arith.constant 432 : index
    %get3A_1639 = tpu.vector_load %arg8[%get3A_1638] {strides = array<i32>} : memref<480xf32, #tpu.memory_space<vmem>>, vector<16xf32>,
    %get3A_1640 = vector.shape_cast %get3A_1639 : vector<16xf32> to vector<16xf32>
    %get3A_1641 = arith.constant 32 : index
    %get3A_1642 = tpu.vector_load %arg9[%get3A_1641] {strides = array<i32>} : memref<48xf32, #tpu.memory_space<vmem>>, vector<16xf32>,
    %get3A_1643 = vector.shape_cast %get3A_1642 : vector<16xf32> to vector<16xf32>
    %add3A_1644 = arith.addf %get3A_1631, %get3A_1634 : vector<16xf32>
    %mul3A_1645 = arith.constant 5.000000e-01 : f32
    %mul3A_1646 = vector.broadcast %mul3A_1645 : f32 to vector<16xf32>
    %mul3A_1647 = arith.mulf %add3A_1644, %mul3A_1646 : vector<16xf32>
    %add3A_1648 = arith.addf %get3A_1637, %mul3A_1647 : vector<16xf32>
    %sub3A_1649 = arith.subf %add3A_1648, %get3A_1640 : vector<16xf32>
    %mul3A_1650 = arith.mulf %sub3A_1649, %get3A_1643 : vector<16xf32>
    %swap3A_1651 = arith.constant 432 : index
    %swap3A_1652 = tpu.vector_load %arg12[%swap3A_1651] {strides = array<i32>} : memref<480xf32, #tpu.memory_space<vmem>>, vector<16xf32>,
    %swap3A_1653 = vector.shape_cast %swap3A_1652 : vector<16xf32> to vector<16xf32>
    %swap3A_1654 = vector.shape_cast %mul3A_1650 : vector<16xf32> to vector<16xf32>
    tpu.vector_store %arg12[%swap3A_1651], %swap3A_1654 {strides = array<i32>} : memref<480xf32, #tpu.memory_space<vmem>>, vector<16xf32>,
    %get3A_1655 = arith.constant 128 : index
    %get3A_1656 = tpu.vector_load %arg11[%get3A_1655] {strides = array<i32>} : memref<960xf32, #tpu.memory_space<vmem>>, vector<16xf32>,
    %get3A_1657 = vector.shape_cast %get3A_1656 : vector<16xf32> to vector<16xf32>
    %get3A_1658 = arith.constant 608 : index
    %get3A_1659 = tpu.vector_load %arg11[%get3A_1658] {strides = array<i32>} : memref<960xf32, #tpu.memory_space<vmem>>, vector<16xf32>,
    %get3A_1660 = vector.shape_cast %get3A_1659 : vector<16xf32> to vector<16xf32>
    %get3A_1661 = arith.constant 128 : index
    %get3A_1662 = tpu.vector_load %arg7[%get3A_1661] {strides = array<i32>} : memref<480xf32, #tpu.memory_space<vmem>>, vector<16xf32>,
    %get3A_1663 = vector.shape_cast %get3A_1662 : vector<16xf32> to vector<16xf32>
    %get3A_1664 = arith.constant 128 : index
    %get3A_1665 = tpu.vector_load %arg8[%get3A_1664] {strides = array<i32>} : memref<480xf32, #tpu.memory_space<vmem>>, vector<16xf32>,
    %get3A_1666 = vector.shape_cast %get3A_1665 : vector<16xf32> to vector<16xf32>
    %get3A_1667 = arith.constant 0 : index
    %get3A_1668 = tpu.vector_load %arg9[%get3A_1667] {strides = array<i32>} : memref<48xf32, #tpu.memory_space<vmem>>, vector<16xf32>,
    %get3A_1669 = vector.shape_cast %get3A_1668 : vector<16xf32> to vector<16xf32>
    %add3A_1670 = arith.addf %get3A_1657, %get3A_1660 : vector<16xf32>
    %mul3A_1671 = arith.constant 5.000000e-01 : f32
    %mul3A_1672 = vector.broadcast %mul3A_1671 : f32 to vector<16xf32>
    %mul3A_1673 = arith.mulf %add3A_1670, %mul3A_1672 : vector<16xf32>
    %add3A_1674 = arith.addf %get3A_1663, %mul3A_1673 : vector<16xf32>
    %sub3A_1675 = arith.subf %add3A_1674, %get3A_1666 : vector<16xf32>
    %mul3A_1676 = arith.mulf %sub3A_1675, %get3A_1669 : vector<16xf32>
    %swap3A_1677 = arith.constant 128 : index
    %swap3A_1678 = tpu.vector_load %arg12[%swap3A_1677] {strides = array<i32>} : memref<480xf32, #tpu.memory_space<vmem>>, vector<16xf32>,
    %swap3A_1679 = vector.shape_cast %swap3A_1678 : vector<16xf32> to vector<16xf32>
    %swap3A_1680 = vector.shape_cast %mul3A_1676 : vector<16xf32> to vector<16xf32>
    tpu.vector_store %arg12[%swap3A_1677], %swap3A_1680 {strides = array<i32>} : memref<480xf32, #tpu.memory_space<vmem>>, vector<16xf32>,
    %get3A_1681 = arith.constant 288 : index
    %get3A_1682 = tpu.vector_load %arg11[%get3A_1681] {strides = array<i32>} : memref<960xf32, #tpu.memory_space<vmem>>, vector<16xf32>,
    %get3A_1683 = vector.shape_cast %get3A_1682 : vector<16xf32> to vector<16xf32>
    %get3A_1684 = arith.constant 768 : index
    %get3A_1685 = tpu.vector_load %arg11[%get3A_1684] {strides = array<i32>} : memref<960xf32, #tpu.memory_space<vmem>>, vector<16xf32>,
    %get3A_1686 = vector.shape_cast %get3A_1685 : vector<16xf32> to vector<16xf32>
    %get3A_1687 = arith.constant 288 : index
    %get3A_1688 = tpu.vector_load %arg7[%get3A_1687] {strides = array<i32>} : memref<480xf32, #tpu.memory_space<vmem>>, vector<16xf32>,
    %get3A_1689 = vector.shape_cast %get3A_1688 : vector<16xf32> to vector<16xf32>
    %get3A_1690 = arith.constant 288 : index
    %get3A_1691 = tpu.vector_load %arg8[%get3A_1690] {strides = array<i32>} : memref<480xf32, #tpu.memory_space<vmem>>, vector<16xf32>,
    %get3A_1692 = vector.shape_cast %get3A_1691 : vector<16xf32> to vector<16xf32>
    %get3A_1693 = arith.constant 16 : index
    %get3A_1694 = tpu.vector_load %arg9[%get3A_1693] {strides = array<i32>} : memref<48xf32, #tpu.memory_space<vmem>>, vector<16xf32>,
    %get3A_1695 = vector.shape_cast %get3A_1694 : vector<16xf32> to vector<16xf32>
    %add3A_1696 = arith.addf %get3A_1683, %get3A_1686 : vector<16xf32>
    %mul3A_1697 = arith.constant 5.000000e-01 : f32
    %mul3A_1698 = vector.broadcast %mul3A_1697 : f32 to vector<16xf32>
    %mul3A_1699 = arith.mulf %add3A_1696, %mul3A_1698 : vector<16xf32>
    %add3A_1700 = arith.addf %get3A_1689, %mul3A_1699 : vector<16xf32>
    %sub3A_1701 = arith.subf %add3A_1700, %get3A_1692 : vector<16xf32>
    %mul3A_1702 = arith.mulf %sub3A_1701, %get3A_1695 : vector<16xf32>
    %swap3A_1703 = arith.constant 288 : index
    %swap3A_1704 = tpu.vector_load %arg12[%swap3A_1703] {strides = array<i32>} : memref<480xf32, #tpu.memory_space<vmem>>, vector<16xf32>,
    %swap3A_1705 = vector.shape_cast %swap3A_1704 : vector<16xf32> to vector<16xf32>
    %swap3A_1706 = vector.shape_cast %mul3A_1702 : vector<16xf32> to vector<16xf32>
    tpu.vector_store %arg12[%swap3A_1703], %swap3A_1706 {strides = array<i32>} : memref<480xf32, #tpu.memory_space<vmem>>, vector<16xf32>,
    %get3A_1707 = arith.constant 448 : index
    %get3A_1708 = tpu.vector_load %arg11[%get3A_1707] {strides = array<i32>} : memref<960xf32, #tpu.memory_space<vmem>>, vector<16xf32>,
    %get3A_1709 = vector.shape_cast %get3A_1708 : vector<16xf32> to vector<16xf32>
    %get3A_1710 = arith.constant 928 : index
    %get3A_1711 = tpu.vector_load %arg11[%get3A_1710] {strides = array<i32>} : memref<960xf32, #tpu.memory_space<vmem>>, vector<16xf32>,
    %get3A_1712 = vector.shape_cast %get3A_1711 : vector<16xf32> to vector<16xf32>
    %get3A_1713 = arith.constant 448 : index
    %get3A_1714 = tpu.vector_load %arg7[%get3A_1713] {strides = array<i32>} : memref<480xf32, #tpu.memory_space<vmem>>, vector<16xf32>,
    %get3A_1715 = vector.shape_cast %get3A_1714 : vector<16xf32> to vector<16xf32>
    %get3A_1716 = arith.constant 448 : index
    %get3A_1717 = tpu.vector_load %arg8[%get3A_1716] {strides = array<i32>} : memref<480xf32, #tpu.memory_space<vmem>>, vector<16xf32>,
    %get3A_1718 = vector.shape_cast %get3A_1717 : vector<16xf32> to vector<16xf32>
    %get3A_1719 = arith.constant 32 : index
    %get3A_1720 = tpu.vector_load %arg9[%get3A_1719] {strides = array<i32>} : memref<48xf32, #tpu.memory_space<vmem>>, vector<16xf32>,
    %get3A_1721 = vector.shape_cast %get3A_1720 : vector<16xf32> to vector<16xf32>
    %add3A_1722 = arith.addf %get3A_1709, %get3A_1712 : vector<16xf32>
    %mul3A_1723 = arith.constant 5.000000e-01 : f32
    %mul3A_1724 = vector.broadcast %mul3A_1723 : f32 to vector<16xf32>
    %mul3A_1725 = arith.mulf %add3A_1722, %mul3A_1724 : vector<16xf32>
    %add3A_1726 = arith.addf %get3A_1715, %mul3A_1725 : vector<16xf32>
    %sub3A_1727 = arith.subf %add3A_1726, %get3A_1718 : vector<16xf32>
    %mul3A_1728 = arith.mulf %sub3A_1727, %get3A_1721 : vector<16xf32>
    %swap3A_1729 = arith.constant 448 : index
    %swap3A_1730 = tpu.vector_load %arg12[%swap3A_1729] {strides = array<i32>} : memref<480xf32, #tpu.memory_space<vmem>>, vector<16xf32>,
    %swap3A_1731 = vector.shape_cast %swap3A_1730 : vector<16xf32> to vector<16xf32>
    %swap3A_1732 = vector.shape_cast %mul3A_1728 : vector<16xf32> to vector<16xf32>
    tpu.vector_store %arg12[%swap3A_1729], %swap3A_1732 {strides = array<i32>} : memref<480xf32, #tpu.memory_space<vmem>>, vector<16xf32>,
    %get3A_1733 = arith.constant 144 : index
    %get3A_1734 = tpu.vector_load %arg11[%get3A_1733] {strides = array<i32>} : memref<960xf32, #tpu.memory_space<vmem>>, vector<16xf32>,
    %get3A_1735 = vector.shape_cast %get3A_1734 : vector<16xf32> to vector<16xf32>
    %get3A_1736 = arith.constant 624 : index
    %get3A_1737 = tpu.vector_load %arg11[%get3A_1736] {strides = array<i32>} : memref<960xf32, #tpu.memory_space<vmem>>, vector<16xf32>,
    %get3A_1738 = vector.shape_cast %get3A_1737 : vector<16xf32> to vector<16xf32>
    %get3A_1739 = arith.constant 144 : index
    %get3A_1740 = tpu.vector_load %arg7[%get3A_1739] {strides = array<i32>} : memref<480xf32, #tpu.memory_space<vmem>>, vector<16xf32>,
    %get3A_1741 = vector.shape_cast %get3A_1740 : vector<16xf32> to vector<16xf32>
    %get3A_1742 = arith.constant 144 : index
    %get3A_1743 = tpu.vector_load %arg8[%get3A_1742] {strides = array<i32>} : memref<480xf32, #tpu.memory_space<vmem>>, vector<16xf32>,
    %get3A_1744 = vector.shape_cast %get3A_1743 : vector<16xf32> to vector<16xf32>
    %get3A_1745 = arith.constant 0 : index
    %get3A_1746 = tpu.vector_load %arg9[%get3A_1745] {strides = array<i32>} : memref<48xf32, #tpu.memory_space<vmem>>, vector<16xf32>,
    %get3A_1747 = vector.shape_cast %get3A_1746 : vector<16xf32> to vector<16xf32>
    %add3A_1748 = arith.addf %get3A_1735, %get3A_1738 : vector<16xf32>
    %mul3A_1749 = arith.constant 5.000000e-01 : f32
    %mul3A_1750 = vector.broadcast %mul3A_1749 : f32 to vector<16xf32>
    %mul3A_1751 = arith.mulf %add3A_1748, %mul3A_1750 : vector<16xf32>
    %add3A_1752 = arith.addf %get3A_1741, %mul3A_1751 : vector<16xf32>
    %sub3A_1753 = arith.subf %add3A_1752, %get3A_1744 : vector<16xf32>
    %mul3A_1754 = arith.mulf %sub3A_1753, %get3A_1747 : vector<16xf32>
    %swap3A_1755 = arith.constant 144 : index
    %swap3A_1756 = tpu.vector_load %arg12[%swap3A_1755] {strides = array<i32>} : memref<480xf32, #tpu.memory_space<vmem>>, vector<16xf32>,
    %swap3A_1757 = vector.shape_cast %swap3A_1756 : vector<16xf32> to vector<16xf32>
    %swap3A_1758 = vector.shape_cast %mul3A_1754 : vector<16xf32> to vector<16xf32>
    tpu.vector_store %arg12[%swap3A_1755], %swap3A_1758 {strides = array<i32>} : memref<480xf32, #tpu.memory_space<vmem>>, vector<16xf32>,
    %get3A_1759 = arith.constant 304 : index
    %get3A_1760 = tpu.vector_load %arg11[%get3A_1759] {strides = array<i32>} : memref<960xf32, #tpu.memory_space<vmem>>, vector<16xf32>,
    %get3A_1761 = vector.shape_cast %get3A_1760 : vector<16xf32> to vector<16xf32>
    %get3A_1762 = arith.constant 784 : index
    %get3A_1763 = tpu.vector_load %arg11[%get3A_1762] {strides = array<i32>} : memref<960xf32, #tpu.memory_space<vmem>>, vector<16xf32>,
    %get3A_1764 = vector.shape_cast %get3A_1763 : vector<16xf32> to vector<16xf32>
    %get3A_1765 = arith.constant 304 : index
    %get3A_1766 = tpu.vector_load %arg7[%get3A_1765] {strides = array<i32>} : memref<480xf32, #tpu.memory_space<vmem>>, vector<16xf32>,
    %get3A_1767 = vector.shape_cast %get3A_1766 : vector<16xf32> to vector<16xf32>
    %get3A_1768 = arith.constant 304 : index
    %get3A_1769 = tpu.vector_load %arg8[%get3A_1768] {strides = array<i32>} : memref<480xf32, #tpu.memory_space<vmem>>, vector<16xf32>,
    %get3A_1770 = vector.shape_cast %get3A_1769 : vector<16xf32> to vector<16xf32>
    %get3A_1771 = arith.constant 16 : index
    %get3A_1772 = tpu.vector_load %arg9[%get3A_1771] {strides = array<i32>} : memref<48xf32, #tpu.memory_space<vmem>>, vector<16xf32>,
    %get3A_1773 = vector.shape_cast %get3A_1772 : vector<16xf32> to vector<16xf32>
    %add3A_1774 = arith.addf %get3A_1761, %get3A_1764 : vector<16xf32>
    %mul3A_1775 = arith.constant 5.000000e-01 : f32
    %mul3A_1776 = vector.broadcast %mul3A_1775 : f32 to vector<16xf32>
    %mul3A_1777 = arith.mulf %add3A_1774, %mul3A_1776 : vector<16xf32>
    %add3A_1778 = arith.addf %get3A_1767, %mul3A_1777 : vector<16xf32>
    %sub3A_1779 = arith.subf %add3A_1778, %get3A_1770 : vector<16xf32>
    %mul3A_1780 = arith.mulf %sub3A_1779, %get3A_1773 : vector<16xf32>
    %swap3A_1781 = arith.constant 304 : index
    %swap3A_1782 = tpu.vector_load %arg12[%swap3A_1781] {strides = array<i32>} : memref<480xf32, #tpu.memory_space<vmem>>, vector<16xf32>,
    %swap3A_1783 = vector.shape_cast %swap3A_1782 : vector<16xf32> to vector<16xf32>
    %swap3A_1784 = vector.shape_cast %mul3A_1780 : vector<16xf32> to vector<16xf32>
    tpu.vector_store %arg12[%swap3A_1781], %swap3A_1784 {strides = array<i32>} : memref<480xf32, #tpu.memory_space<vmem>>, vector<16xf32>,
    %get3A_1785 = arith.constant 464 : index
    %get3A_1786 = tpu.vector_load %arg11[%get3A_1785] {strides = array<i32>} : memref<960xf32, #tpu.memory_space<vmem>>, vector<16xf32>,
    %get3A_1787 = vector.shape_cast %get3A_1786 : vector<16xf32> to vector<16xf32>
    %get3A_1788 = arith.constant 944 : index
    %get3A_1789 = tpu.vector_load %arg11[%get3A_1788] {strides = array<i32>} : memref<960xf32, #tpu.memory_space<vmem>>, vector<16xf32>,
    %get3A_1790 = vector.shape_cast %get3A_1789 : vector<16xf32> to vector<16xf32>
    %get3A_1791 = arith.constant 464 : index
    %get3A_1792 = tpu.vector_load %arg7[%get3A_1791] {strides = array<i32>} : memref<480xf32, #tpu.memory_space<vmem>>, vector<16xf32>,
    %get3A_1793 = vector.shape_cast %get3A_1792 : vector<16xf32> to vector<16xf32>
    %get3A_1794 = arith.constant 464 : index
    %get3A_1795 = tpu.vector_load %arg8[%get3A_1794] {strides = array<i32>} : memref<480xf32, #tpu.memory_space<vmem>>, vector<16xf32>,
    %get3A_1796 = vector.shape_cast %get3A_1795 : vector<16xf32> to vector<16xf32>
    %get3A_1797 = arith.constant 32 : index
    %get3A_1798 = tpu.vector_load %arg9[%get3A_1797] {strides = array<i32>} : memref<48xf32, #tpu.memory_space<vmem>>, vector<16xf32>,
    %get3A_1799 = vector.shape_cast %get3A_1798 : vector<16xf32> to vector<16xf32>
    %add3A_1800 = arith.addf %get3A_1787, %get3A_1790 : vector<16xf32>
    %mul3A_1801 = arith.constant 5.000000e-01 : f32
    %mul3A_1802 = vector.broadcast %mul3A_1801 : f32 to vector<16xf32>
    %mul3A_1803 = arith.mulf %add3A_1800, %mul3A_1802 : vector<16xf32>
    %add3A_1804 = arith.addf %get3A_1793, %mul3A_1803 : vector<16xf32>
    %sub3A_1805 = arith.subf %add3A_1804, %get3A_1796 : vector<16xf32>
    %mul3A_1806 = arith.mulf %sub3A_1805, %get3A_1799 : vector<16xf32>
    %swap3A_1807 = arith.constant 464 : index
    %swap3A_1808 = tpu.vector_load %arg12[%swap3A_1807] {strides = array<i32>} : memref<480xf32, #tpu.memory_space<vmem>>, vector<16xf32>,
    %swap3A_1809 = vector.shape_cast %swap3A_1808 : vector<16xf32> to vector<16xf32>
    %swap3A_1810 = vector.shape_cast %mul3A_1806 : vector<16xf32> to vector<16xf32>
    tpu.vector_store %arg12[%swap3A_1807], %swap3A_1810 {strides = array<i32>} : memref<480xf32, #tpu.memory_space<vmem>>, vector<16xf32>,
    %add3A_1811 = arith.constant 0 : i32
    %add3A_1812 = arith.addi %add3A_1811, %mul3A_2 : i32
    "tpu.region"() ({
      %run_scoped3A = tpu.sem_alloc : memref<!tpu.dma_semaphore, #tpu.memory_space<semaphore_mem>>
      %dma_start3A_1817 = arith.constant 0 : i32
      %dma_start3A_1818 = tpu.memref_slice %arg12[%dma_start3A_1817] : memref<480xf32, #tpu.memory_space<vmem>> -> memref<160xf32, #tpu.memory_space<vmem>>
      %dma_start3A_1819 = tpu.memref_slice %arg6[%add3A_1812] : memref<15360xf32, #tpu.memory_space<hbm>> -> memref<160xf32, #tpu.memory_space<hbm>>
      %dma_start3A_1820 = tpu.memref_slice %arg6[%add3A_1812] : memref<15360xf32, #tpu.memory_space<hbm>> -> memref<160xf32, #tpu.memory_space<hbm>>
      %dma_start3A_1821 = arith.constant 0 : i32
      %dma_start3A_1822 = tpu.memref_slice %arg12[%dma_start3A_1821] : memref<480xf32, #tpu.memory_space<vmem>> -> memref<160xf32, #tpu.memory_space<vmem>>
      tpu.enqueue_dma source(%dma_start3A_1822 : memref<160xf32, #tpu.memory_space<vmem>>) target(%dma_start3A_1820 : memref<160xf32, #tpu.memory_space<hbm>>) target_semaphore(%run_scoped3A : memref<!tpu.dma_semaphore, #tpu.memory_space<semaphore_mem>>)
      %dma_wait3A_1823 = arith.constant 0 : i32
      %dma_wait3A_1824 = tpu.memref_slice %arg12[%dma_wait3A_1823] : memref<480xf32, #tpu.memory_space<vmem>> -> memref<160xf32, #tpu.memory_space<vmem>>
      %dma_wait3A_1825 = tpu.memref_slice %arg6[%add3A_1812] : memref<15360xf32, #tpu.memory_space<hbm>> -> memref<160xf32, #tpu.memory_space<hbm>>
      %dma_wait3A_1826 = tpu.memref_slice %arg6[%add3A_1812] : memref<15360xf32, #tpu.memory_space<hbm>> -> memref<160xf32, #tpu.memory_space<hbm>>
      %dma_wait3A_1827 = arith.constant 0 : i32
      %dma_wait3A_1828 = tpu.memref_slice %arg12[%dma_wait3A_1827] : memref<480xf32, #tpu.memory_space<vmem>> -> memref<160xf32, #tpu.memory_space<vmem>>
      tpu.wait_dma2 semaphore(%run_scoped3A : memref<!tpu.dma_semaphore, #tpu.memory_space<semaphore_mem>>) src(%dma_wait3A_1828 : memref<160xf32, #tpu.memory_space<vmem>>) dst(%dma_wait3A_1826 : memref<160xf32, #tpu.memory_space<hbm>>)
      tpu.yield
    }) : () -> ()
    %add3A_1813 = arith.constant 5120 : i32
    %add3A_1814 = arith.addi %add3A_1813, %mul3A_2 : i32
    "tpu.region"() ({
      %run_scoped3A = tpu.sem_alloc : memref<!tpu.dma_semaphore, #tpu.memory_space<semaphore_mem>>
      %dma_start3A_1817 = arith.constant 160 : i32
      %dma_start3A_1818 = tpu.memref_slice %arg12[%dma_start3A_1817] : memref<480xf32, #tpu.memory_space<vmem>> -> memref<160xf32, #tpu.memory_space<vmem>>
      %dma_start3A_1819 = tpu.memref_slice %arg6[%add3A_1814] : memref<15360xf32, #tpu.memory_space<hbm>> -> memref<160xf32, #tpu.memory_space<hbm>>
      %dma_start3A_1820 = tpu.memref_slice %arg6[%add3A_1814] : memref<15360xf32, #tpu.memory_space<hbm>> -> memref<160xf32, #tpu.memory_space<hbm>>
      %dma_start3A_1821 = arith.constant 160 : i32
      %dma_start3A_1822 = tpu.memref_slice %arg12[%dma_start3A_1821] : memref<480xf32, #tpu.memory_space<vmem>> -> memref<160xf32, #tpu.memory_space<vmem>>
      tpu.enqueue_dma source(%dma_start3A_1822 : memref<160xf32, #tpu.memory_space<vmem>>) target(%dma_start3A_1820 : memref<160xf32, #tpu.memory_space<hbm>>) target_semaphore(%run_scoped3A : memref<!tpu.dma_semaphore, #tpu.memory_space<semaphore_mem>>)
      %dma_wait3A_1823 = arith.constant 160 : i32
      %dma_wait3A_1824 = tpu.memref_slice %arg12[%dma_wait3A_1823] : memref<480xf32, #tpu.memory_space<vmem>> -> memref<160xf32, #tpu.memory_space<vmem>>
      %dma_wait3A_1825 = tpu.memref_slice %arg6[%add3A_1814] : memref<15360xf32, #tpu.memory_space<hbm>> -> memref<160xf32, #tpu.memory_space<hbm>>
      %dma_wait3A_1826 = tpu.memref_slice %arg6[%add3A_1814] : memref<15360xf32, #tpu.memory_space<hbm>> -> memref<160xf32, #tpu.memory_space<hbm>>
      %dma_wait3A_1827 = arith.constant 160 : i32
      %dma_wait3A_1828 = tpu.memref_slice %arg12[%dma_wait3A_1827] : memref<480xf32, #tpu.memory_space<vmem>> -> memref<160xf32, #tpu.memory_space<vmem>>
      tpu.wait_dma2 semaphore(%run_scoped3A : memref<!tpu.dma_semaphore, #tpu.memory_space<semaphore_mem>>) src(%dma_wait3A_1828 : memref<160xf32, #tpu.memory_space<vmem>>) dst(%dma_wait3A_1826 : memref<160xf32, #tpu.memory_space<hbm>>)
      tpu.yield
    }) : () -> ()
    %add3A_1815 = arith.constant 10240 : i32
    %add3A_1816 = arith.addi %add3A_1815, %mul3A_2 : i32
    "tpu.region"() ({
      %run_scoped3A = tpu.sem_alloc : memref<!tpu.dma_semaphore, #tpu.memory_space<semaphore_mem>>
      %dma_start3A_1817 = arith.constant 320 : i32
      %dma_start3A_1818 = tpu.memref_slice %arg12[%dma_start3A_1817] : memref<480xf32, #tpu.memory_space<vmem>> -> memref<160xf32, #tpu.memory_space<vmem>>
      %dma_start3A_1819 = tpu.memref_slice %arg6[%add3A_1816] : memref<15360xf32, #tpu.memory_space<hbm>> -> memref<160xf32, #tpu.memory_space<hbm>>
      %dma_start3A_1820 = tpu.memref_slice %arg6[%add3A_1816] : memref<15360xf32, #tpu.memory_space<hbm>> -> memref<160xf32, #tpu.memory_space<hbm>>
      %dma_start3A_1821 = arith.constant 320 : i32
      %dma_start3A_1822 = tpu.memref_slice %arg12[%dma_start3A_1821] : memref<480xf32, #tpu.memory_space<vmem>> -> memref<160xf32, #tpu.memory_space<vmem>>
      tpu.enqueue_dma source(%dma_start3A_1822 : memref<160xf32, #tpu.memory_space<vmem>>) target(%dma_start3A_1820 : memref<160xf32, #tpu.memory_space<hbm>>) target_semaphore(%run_scoped3A : memref<!tpu.dma_semaphore, #tpu.memory_space<semaphore_mem>>)
      %dma_wait3A_1823 = arith.constant 320 : i32
      %dma_wait3A_1824 = tpu.memref_slice %arg12[%dma_wait3A_1823] : memref<480xf32, #tpu.memory_space<vmem>> -> memref<160xf32, #tpu.memory_space<vmem>>
      %dma_wait3A_1825 = tpu.memref_slice %arg6[%add3A_1816] : memref<15360xf32, #tpu.memory_space<hbm>> -> memref<160xf32, #tpu.memory_space<hbm>>
      %dma_wait3A_1826 = tpu.memref_slice %arg6[%add3A_1816] : memref<15360xf32, #tpu.memory_space<hbm>> -> memref<160xf32, #tpu.memory_space<hbm>>
      %dma_wait3A_1827 = arith.constant 320 : i32
      %dma_wait3A_1828 = tpu.memref_slice %arg12[%dma_wait3A_1827] : memref<480xf32, #tpu.memory_space<vmem>> -> memref<160xf32, #tpu.memory_space<vmem>>
      tpu.wait_dma2 semaphore(%run_scoped3A : memref<!tpu.dma_semaphore, #tpu.memory_space<semaphore_mem>>) src(%dma_wait3A_1828 : memref<160xf32, #tpu.memory_space<vmem>>) dst(%dma_wait3A_1826 : memref<160xf32, #tpu.memory_space<hbm>>)
      tpu.yield
    }) : () -> ()
    return
  }
}

</mosaic_0001>

<sc_bundles>
// kernel: kernel.3.cloned.1.call-start
scs
__scs_entry_jumppad:
0x0: {  	(pc) =	sbr.rel $0x88, $3  }
0x1: {  	(tag) =	ssettag $0x0;
	lr =	simm.s32 $0x1  }
0x2: {  	[smem:$0x3F9D] =	sst lr;
	_ =	strace $0xD0000000  }
0x3: {  	_ = 	snop  }
0x4: {  	_ = 	snop  }
0x5: {  	_ = 	snop  }
0x6: {  	_ = 	snop  }
0x7: {  	_ = 	snop  }
__scs_overlays_trampoline_lowered:
0x8: {  	[smem:$0x3FAC] =	sst s0  }
0x9: {  	[smem:$0x3FAD] =	sst s1  }
0xa: {  	[smem:$0x3FAE] =	sst s2  }
0xb: {  	[smem:$0x3FAF] =	sst s3  }
0xc: {  	[smem:$0x3FB0] =	sst s4  }
0xd: {  	[smem:$0x3FB1] =	sst s5  }
0xe: {  	[smem:$0x3FB2] =	sst s6  }
0xf: {  	[smem:$0x3FB3] =	sst s7  }
0x10: {  	[smem:$0x3FB4] =	sst s8  }
0x11: {  	[smem:$0x3FB5] =	sst s9;
	s0 =	simm.s32 @!p0 $0x0  }
0x12: {  	s1 =	sld [smem:$0x3F9B];
	s0 =	simm.s32 @p0 $0x1  }
0x13: {  	[smem:$0x3FB6] =	sst s0;
	s0 =	simm.s32 @!p1 $0x0  }
0x14: {  	s2 =	sld [smem:$0x3F9A];
	s0 =	simm.s32 @p1 $0x1  }
0x15: {  	[smem:$0x3FB7] =	sst s0;
	s0 =	simm.s32 @!p2 $0x0  }
0x16: {  	s3 =	sld [smem:$0x3FDB];
	s0 =	simm.s32 @p2 $0x1  }
0x17: {  	s4 =	simm.s32 $0x1BF5;
	[smem:$0x3FB9] =	sst s0  }
0x18: {  	s0 =	sld [smem:$0x3F9C];
	_ =	swait.ge [sflag:s4], $0x0  }
0x19: {  	s7 =	sld [smem:$0x3F9D]  }
0x1a: {  	s8 =	sadd.s32 $0xFFFFE003, lr  }
0x1b: {  	s9 =	sadd.s32 $0xFFFFFEF7, lr;
	s5 =	simm.s32 $0xFFFFFFFF;
	p2 =	slt.u32 s8, $0xFFFFF086  }
0x1c: {  	p1 =	slt.u32 s9, $0xF7A;
	s5 =	simm.s32 @!p2 $0x0  }
0x1d: {  	s5 =	simm.s32 @p1 $0x1;
	p0 =	seq.s32 s7, s2  }
0x1e: {  	s7 =	smul.u32 @!p0 $0xF7A, s2;
	p2 =	seq.s32 @!p0 s5, $0x0  }
0x1f: {  	s9 =	smul.u32 $0xF7A, s1;
	s8 =	simm.s32 @!p0 $0x1BF5;
	p2 =	por !p2, p0  }
0x20: {  	[sflag:s8] =	ssyncset.s32 @!p0 $0xFFFFF086;
	s6 =	sadd.s32 @!p0 s3, s7;
	s7 =	simm.s32 @!p0 $0x108  }
0x21: {  	s3 =	sadd.s32 s3, s9;
	s6 =	sadd.s32 @!p0 $0x88, s6;
	s7 =	simm.s32 @p2 $0x1082  }
0x22: {  	[simem:s7], [sflag:s8] =	dma.local @!p0 [hbm:s6], $0xF7A  }
0x23: {  	s9 =	sor.u32 $0xD0000000, s2;
	s6 =	simm.s32 $0x108;
	_ =	swait.ge @!p0 [sflag:s8], $0x0  }
0x24: {  	s3 =	sadd.s32 $0x88, s3;
	s6 =	simm.s32 @!p1 $0x1082;
	[sflag:s4] =	ssyncset.s32 $0xFFFFF086  }
0x25: {  	[simem:s6], [sflag:s4] =	dma.local [hbm:s3], $0xF7A  }
0x26: {  	[smem:$0x3F9D] =	sst s1;
	(tag) =	ssettag s2;
	_ =	strace s9  }
0x27: {  	s1 =	sld [smem:$0x3FAD]  }
0x28: {  	s2 =	sld [smem:$0x3FAE]  }
0x29: {  	s4 =	sld [smem:$0x3FB0]  }
0x2a: {  	p0 =	seq.s32 s5, $0x0;
	s5 =	sld [smem:$0x3FB1]  }
0x2b: {  	s6 =	sld [smem:$0x3FB2]  }
0x2c: {  	s7 =	sld [smem:$0x3FB3]  }
0x2d: {  	s3 =	simm.s32 $0x108;
	s8 =	sld [smem:$0x3FB4]  }
0x2e: {  	s3 =	simm.s32 @!p0 $0x1082;
	s9 =	sld [smem:$0x3FB5]  }
0x2f: {  	lr =	sadd.s32 s0, s3;
	s0 =	sld [smem:$0x3FAC]  }
0x30: {  	s3 =	sld [smem:$0x3FAF]  }
0x31: {  	[smem:$0x3FB8] =	sst s10  }
0x32: {  	s10 =	sld [smem:$0x3FB6];
	_ =	sdelay $0x3  }
0x33: {  	p0 =	seq.s32 s10, $0x1;
	s10 =	sld [smem:$0x3FB8];
	_ =	sdelay $0x3  }
0x34: {  	[smem:$0x3FB8] =	sst s10  }
0x35: {  	s10 =	sld [smem:$0x3FB7];
	_ =	sdelay $0x3  }
0x36: {  	p1 =	seq.s32 s10, $0x1;
	s10 =	sld [smem:$0x3FB8];
	_ =	sdelay $0x3  }
0x37: {  	[smem:$0x3FB8] =	sst s10  }
0x38: {  	s10 =	sld [smem:$0x3FB9]  }
0x39: {  	_ = 	snop;
	(pc) =	sbr.ind lr, $3  }
0x3a: {  	_ = 	snop  }
0x3b: {  	_ = 	snop  }
0x3c: {  	p2 =	seq.s32 s10, $0x1;
	s10 =	sld [smem:$0x3FB8]  }
0x3d: {  	_ =	shalt  }
0x3e: {  	_ =	shalt  }
0x3f: {  	_ =	shalt  }
0x40: {  	_ =	shalt  }
0x41: {  	_ =	shalt  }
0x42: {  	_ =	shalt  }
0x43: {  	_ =	shalt  }
0x44: {  	_ =	shalt  }
0x45: {  	_ =	shalt  }
0x46: {  	_ =	shalt  }
0x47: {  	_ =	shalt  }
0x48: {  	_ =	shalt  }
0x49: {  	_ =	shalt  }
0x4a: {  	_ =	shalt  }
0x4b: {  	_ =	shalt  }
0x4c: {  	_ =	shalt  }
0x4d: {  	_ =	shalt  }
0x4e: {  	_ =	shalt  }
0x4f: {  	_ =	shalt  }
0x50: {  	_ =	shalt  }
0x51: {  	_ =	shalt  }
0x52: {  	_ =	shalt  }
0x53: {  	_ =	shalt  }
0x54: {  	_ =	shalt  }
0x55: {  	_ =	shalt  }
0x56: {  	_ =	shalt  }
0x57: {  	_ =	shalt  }
0x58: {  	_ =	shalt  }
0x59: {  	_ =	shalt  }
0x5a: {  	_ =	shalt  }
0x5b: {  	_ =	shalt  }
0x5c: {  	_ =	shalt  }
0x5d: {  	_ =	shalt  }
0x5e: {  	_ =	shalt  }
0x5f: {  	_ =	shalt  }
0x60: {  	_ =	shalt  }
0x61: {  	_ =	shalt  }
0x62: {  	_ =	shalt  }
0x63: {  	_ =	shalt  }
0x64: {  	_ =	shalt  }
0x65: {  	_ =	shalt  }
0x66: {  	_ =	shalt  }
0x67: {  	_ =	shalt  }
0x68: {  	_ =	shalt  }
0x69: {  	_ =	shalt  }
0x6a: {  	_ =	shalt  }
0x6b: {  	_ =	shalt  }
0x6c: {  	_ =	shalt  }
0x6d: {  	_ =	shalt  }
0x6e: {  	_ =	shalt  }
0x6f: {  	_ =	shalt  }
0x70: {  	_ =	shalt  }
0x71: {  	_ =	shalt  }
0x72: {  	_ =	shalt  }
0x73: {  	_ =	shalt  }
0x74: {  	_ =	shalt  }
0x75: {  	_ =	shalt  }
0x76: {  	_ =	shalt  }
0x77: {  	_ =	shalt  }
0x78: {  	_ =	shalt  }
0x79: {  	_ =	shalt  }
0x7a: {  	_ =	shalt  }
0x7b: {  	_ =	shalt  }
0x7c: {  	_ =	shalt  }
0x7d: {  	_ =	shalt  }
0x7e: {  	_ =	shalt  }
0x7f: {  	_ =	shalt  }
0x80: {  	_ =	shalt  }
0x81: {  	_ =	shalt  }
0x82: {  	_ =	shalt  }
0x83: {  	_ =	shalt  }
0x84: {  	_ =	shalt  }
0x85: {  	_ =	shalt  }
0x86: {  	_ =	shalt  }
0x87: {  	_ =	shalt  }
.Lfunc_end0:
.L_simem_size_0:
called_computation_lowered:
.L_overlay_start_0:
0x88: {  	s2 =	sld [smem:$0x3FD9]  }
0x89: {  	s3 =	sld [smem:$0x3FFE];
	_ =	sdelay $0x1  }
0x8a: {  	s1 =	srdreg.scid  }
0x8b: {  	s0 =	sand.u32 $0x1, s1  }
0x8c: {  	s17 =	sshll.u32 s0, $0xA;
	s2 =	sadd.s32 s3, s2  }
0x8d: {  	s2 =	sadd.s32 s2, s17  }
0x8e: {  	[smem:$0x3FC4] =	sst s2  }
0x8f: {  	_ = 	snop  }
0x90: {  	s2 =	sld [smem:$0x3FD0];
	(tm) =	ssettm $0x1  }
0x91: {  	s18 =	sld [smem:$0x3FFB];
	_ =	sdelay $0x3  }
0x92: {  	_ =	strace s18  }
0x93: {  	s3 =	sld [smem:$0x3FFC];
	_ =	sdelay $0x3  }
0x94: {  	_ =	strace s3  }
0x95: {  	s3 =	sld [smem:$0x3FFD];
	_ =	sdelay $0x3  }
0x96: {  	_ =	strace s3  }
0x97: {  	_ =	strace $0x8FFFFFFF  }
0x98: {  	s19 =	sld [smem:$0x3FDB];
	_ =	sdelay $0x1  }
0x99: {  	s4 =	simm.s32 $_scs_section_size  }
0x9a: {  	s5 =	simm.s32 $_size__tile_overlayer_lowered;
	s6 =	simm.s32 $_tile_overlayer_lowered  }
0x9b: {  	s22 =	simm.s32 $0x1BFF;
	s21 =	sshll.u32 s6, $0x1;
	s3 =	sadd.s32 s4, s19  }
0x9c: {  	s7 =	simm.s32 $0x0;
	s20 =	sshll.u32 s5, $0x1;
	s5 =	sadd.s32 s21, s3  }
0x9d: {  	[timem:s7], [sflag:s22] =	dma.local [hbm:s5], s20  }
0x9e: {  	_ =	swait.ge [sflag:s22], s20  }
0x9f: {  	s4 =	ssub.s32 $0x0, s20;
	[sflag:s22] =	ssyncset.done $0x0  }
0xa0: {  	[sflag:s22] =	ssyncadd.s32 s4;
	_ =	sdelay $0x1  }
0xa1: {  	s23 =	simm.s32 $0x1B8B  }
0xa2: {  	_ =	swait.ge [sflag:s23], $0x1  }
0xa3: {  	[sflag:s23] =	ssyncset.done $0x0  }
0xa4: {  	s25 =	simm.s32 $0x1B8E;
	s24 =	sld [smem:$0x3FFE];
	[sflag:s23] =	ssyncadd.s32 $0xFFFFFFFF  }
0xa5: {  	s26 =	simm.s32 $execute0_lowered;
	[smem:$0x3FD2] =	sst s25  }
0xa6: {  	s5 =	sshll.u32 s26, $0x1;
	_ =	strace $0x80000046;
	[dreg:$0x1] =	wrdreg $0xFFFFFFFF  }
0xa7: {  	s28 =	simm.s32 $_size_execute0_lowered;
	s3 =	sadd.s32 s3, s5;
	[dreg:$0x0] =	wrdreg $0x0  }
0xa8: {  	s5 =	sshll.u32 s28, $0x1;
	[dreg:$0x2] =	wrdreg s3  }
0xa9: {  	[dreg:$0x3] =	wrdreg s5  }
0xaa: {  	[dreg:$0x4] =	wrdreg $0xC0  }
0xab: {  	_ =	task [dreg:s7], $0x5FFFF  }
0xac: {  	[dreg:$0x1] =	wrdreg $0xFFFFFFFF  }
0xad: {  	[dreg:$0x0] =	wrdreg $0x60  }
0xae: {  	[dreg:$0x2] =	wrdreg s2  }
0xaf: {  	[dreg:$0x3] =	wrdreg s24  }
0xb0: {  	[dreg:$0x4] =	wrdreg $0x9  }
0xb1: {  	_ =	task.clear_ibuf [dreg:s7], $0x5FFFF;
	_ =	strace $0x90000046  }
0xb2: {  	s29 =	simm.s32 $0x9;
	_ =	strace $0x80000048  }
0xb3: {  	_ =	swait.ge [sflag:s29], $0x1  }
0xb4: {  	[sflag:s29] =	ssyncadd.s32 $0xFFFFFFFF  }
0xb5: {  	_ =	strace $0x90000048  }
0xb6: {  	_ =	sfence  }
0xb7: {  	s30 =	sld [smem:$0x0];
	_ =	sdelay $0x2  }
0xb8: {  	s31 =	sshll.u32 s1, $0xD;
	s1 =	sshrl.u32 s1, $0x2  }
0xb9: {  	s3 =	sand.u32 $0x4000, s31;
	s1 =	sadd.s32 s1, s30  }
0xba: {  	s0 =	sor.u32 s3, s0;
	s1 =	sshll.u32 s1, $0x11  }
0xbb: {  	s0 =	sor.u32 s1, s0  }
0xbc: {  	s0 =	sadd.s32 $0x8F2B, s0  }
0xbd: {  	[sflag:s0] =	ssyncadd.remote.s32 $0x1  }
0xbe: {  	_ =	sfence.sel $0xFFFF  }
0xbf: {  	[dreg:$0x0] =	wrdreg $0xFFFFFFFF;
	(pc) =	sbr.abs _section_cstart, $3  }
0xc0: {  	[dreg:$0x1] =	wrdreg $0xFFFFFFFF  }
0xc1: {  	_ =	task.clear_ibuf [dreg:s7], $0x2FFFF;
	_ =	strace $0x9FFFFFFF  }
0xc2: {  	(tm) =	ssettm $0x7FFFFFFF  }
0xc3: {  	_ =	shalt  }
tec
execute0_lowered:
.L_overlay_start_1:
0x0: {  	(tag) =	ssettag $0x1  }
0x1: {  	s1 =	srdreg.scid  }
0x2: {  	s0 =	stileid.u32;
	s3 =	rddreg [dreg:$0x0]  }
0x3: {  	s4 =	rddreg [dreg:$0x1];
	s1 =	sand.u32 $0x1, s1;
	s2 =	sshll.u32 s0, $0x1  }
0x4: {  	s17 =	simm.s32 $0x200;
	s5 =	sor.u32 s1, s2;
	s2 =	simm.s32 $0x0  }
0x5: {  	s18 =	simm.s32 $0xA0;
	s6 =	sadd.s32 $0x200, s4;
	[smem:$0x7FF] =	sst s2  }
0x6: {  	s19 =	simm.s32 $0x2A0;
	_ =	strace $0x80000047;
	[dreg:$0x3] =	wrdreg s6  }
0x7: {  	s20 =	simm.s32 $0x140;
	s21 =	simm.s32 $0x340;
	[dreg:$0xd] =	wrdreg s17  }
0x8: {  	s23 =	simm.s32 $0x400;
	s24 =	simm.s32 $0x480;
	[dreg:$0xe] =	wrdreg s18  }
0x9: {  	s25 =	simm.s32 $0x880;
	s26 =	simm.s32 $0x4D0;
	[dreg:$0xf] =	wrdreg s19  }
0xa: {  	s28 =	simm.s32 $0xBF0;
	s29 =	simm.s32 $0x1;
	[dreg:$0x10] =	wrdreg s20  }
0xb: {  	s30 =	simm.s32 $0xC80;
	s31 =	simm.s32 $0xD20;
	[dreg:$0x11] =	wrdreg s21  }
0xc: {  	s7 =	sadd.s32 $0x400, s4;
	s1 =	ssub.s32 $0x2, s1;
	[dreg:$0x12] =	wrdreg s23  }
0xd: {  	s12 =	sadd.s32 $0x288C00, s4;
	s22 =	sshrl.u32 s1, $0x1;
	[dreg:$0x13] =	wrdreg s24  }
0xe: {  	s5 =	smul.u32 $0xA0, s5;
	s1 =	ssub.s32 s1, s22;
	[dreg:$0x14] =	wrdreg s25  }
0xf: {  	s6 =	simm.s32 $0x50;
	[dreg:$0x15] =	wrdreg s26;
	s17 =	simm.s32 $0xA60  }
0x10: {  	s18 =	simm.s32 $0x6B0;
	s19 =	simm.s32 $0xAB0;
	s20 =	simm.s32 $0x700  }
0x11: {  	s21 =	simm.s32 $0xB00;
	s22 =	simm.s32 $0x750;
	s5 =	sshrl.u32 s5, $0x3  }
0x12: {  	s23 =	simm.s32 $0xB50;
	s24 =	simm.s32 $0x7A0;
	s8 =	sadd.s32 s3, s5  }
0x13: {  	s25 =	simm.s32 $0xBA0;
	s9 =	sadd.s32 s7, s5;
	[dreg:$0x4] =	wrdreg s8  }
0x14: {  	s14 =	sadd.s32 s12, s5;
	s8 =	sadd.s32 $0x280, s5;
	[dreg:$0x5] =	wrdreg s9  }
0x15: {  	s26 =	simm.s32 $0x7F0;
	[dreg:$0xa] =	wrdreg s14;
	s10 =	sadd.s32 s3, s8  }
0x16: {  	s9 =	sadd.s32 $0x500, s5;
	s11 =	sadd.s32 s7, s8;
	[dreg:$0x6] =	wrdreg s10  }
0x17: {  	s5 =	simm.s32 $0x2;
	s3 =	sadd.s32 s3, s9;
	[dreg:$0x7] =	wrdreg s11  }
0x18: {  	s14 =	simm.s32 $0x610;
	s13 =	sadd.s32 s7, s9;
	[dreg:$0x8] =	wrdreg s3  }
0x19: {  	s15 =	sadd.s32 s12, s8;
	s16 =	sadd.s32 s12, s9;
	[dreg:$0x9] =	wrdreg s13  }
0x1a: {  	s9 =	simm.s32 $0x920;
	s12 =	simm.s32 $0x5C0;
	[dreg:$0xb] =	wrdreg s15  }
0x1b: {  	[dreg:$0xc] =	wrdreg s16;
	s3 =	sadd.s32 $0xC00, s4;
	s4 =	smax.u32 s1, $0x1  }
0x1c: {  	s10 =	simm.s32 $0x570;
	s11 =	simm.s32 $0x970;
	s13 =	simm.s32 $0x9C0  }
0x1d: {  	v0 =	vimm.s32 $0x0;
	s15 =	simm.s32 $0xA10;
	s16 =	simm.s32 $0x660;
	s1 =	simm.s32 $0xDC0  }
.LBB2_1:
0x1e: {  	s0 =	rddreg [dreg:$0x4]  }
0x1f: {  	[tilespmem:s2], [sflag:$0x2] =	stream.linear.gather [hbm4b:s0+s2], $0xA0, $0x38;
	[tilespmem:$0xE80] =	vst v63  }
0x20: {  	_ =	swait.ge [sflag:s5], $0xA0  }
0x21: {  	s8 =	rddreg [dreg:$0x5];
	[sflag:s5] =	ssyncset.done $0x0  }
0x22: {  	s7 =	rddreg [dreg:$0xd];
	[sflag:s5] =	ssyncadd.s32 $0xFFFFFF60  }
0x23: {  	[tilespmem:s7], [sflag:$0x2] =	stream.linear.gather [hbm4b:s8+s2], $0xA0, $0x38;
	[tilespmem:$0xE80] =	vst v63  }
0x24: {  	_ =	swait.ge [sflag:s5], $0xA0  }
0x25: {  	s7 =	rddreg [dreg:$0x6];
	[sflag:s5] =	ssyncset.done $0x0  }
0x26: {  	s8 =	rddreg [dreg:$0xe];
	[sflag:s5] =	ssyncadd.s32 $0xFFFFFF60  }
0x27: {  	[tilespmem:s8], [sflag:$0x2] =	stream.linear.gather [hbm4b:s7+s2], $0xA0, $0x38;
	[tilespmem:$0xE80] =	vst v63  }
0x28: {  	_ =	swait.ge [sflag:s5], $0xA0  }
0x29: {  	s7 =	rddreg [dreg:$0x7];
	[sflag:s5] =	ssyncset.done $0x0  }
0x2a: {  	s8 =	rddreg [dreg:$0xf];
	[sflag:s5] =	ssyncadd.s32 $0xFFFFFF60  }
0x2b: {  	[tilespmem:s8], [sflag:$0x2] =	stream.linear.gather [hbm4b:s7+s2], $0xA0, $0x38;
	[tilespmem:$0xE80] =	vst v63  }
0x2c: {  	_ =	swait.ge [sflag:s5], $0xA0  }
0x2d: {  	s7 =	rddreg [dreg:$0x8];
	[sflag:s5] =	ssyncset.done $0x0  }
0x2e: {  	s8 =	rddreg [dreg:$0x10];
	[sflag:s5] =	ssyncadd.s32 $0xFFFFFF60  }
0x2f: {  	[tilespmem:s8], [sflag:$0x2] =	stream.linear.gather [hbm4b:s7+s2], $0xA0, $0x38;
	[tilespmem:$0xE80] =	vst v63  }
0x30: {  	_ =	swait.ge [sflag:s5], $0xA0  }
0x31: {  	s7 =	rddreg [dreg:$0x9];
	[sflag:s5] =	ssyncset.done $0x0  }
0x32: {  	s8 =	rddreg [dreg:$0x11];
	[sflag:s5] =	ssyncadd.s32 $0xFFFFFF60  }
0x33: {  	[tilespmem:s8], [sflag:$0x2] =	stream.linear.gather [hbm4b:s7+s2], $0xA0, $0x38;
	[tilespmem:$0xE80] =	vst v63  }
0x34: {  	_ =	swait.ge [sflag:s5], $0xA0  }
0x35: {  	s7 =	rddreg [dreg:$0x3];
	[sflag:s5] =	ssyncset.done $0x0  }
0x36: {  	s8 =	rddreg [dreg:$0x12];
	[sflag:s5] =	ssyncadd.s32 $0xFFFFFF60  }
0x37: {  	[tilespmem:s8], [sflag:$0x2] =	stream.linear.gather [hbm4b:s7+s2], $0x80, $0x38;
	[tilespmem:$0xE80] =	vst v63  }
0x38: {  	_ =	swait.ge [sflag:s5], $0x80  }
0x39: {  	[sflag:s5] =	ssyncset.done $0x0  }
0x3a: {  	[sflag:s5] =	ssyncadd.s32 $0xFFFFFF80  }
0x3b: {  	v1 =	vld [tilespmem:$0x0]  }
0x3c: {  	v2 =	vld [tilespmem:$0xA0]  }
0x3d: {  	v43 =	vld [tilespmem:$0x10]  }
0x3e: {  	v44 =	vld [tilespmem:$0xB0]  }
0x3f: {  	v46 =	vld [tilespmem:$0x150]  }
0x40: {  	v49 =	vld [tilespmem:$0x20]  }
0x41: {  	v51 =	vld [tilespmem:$0xC0]  }
0x42: {  	v55 =	vld [tilespmem:$0x160]  }
0x43: {  	v57 =	vld [tilespmem:$0x30]  }
0x44: {  	v59 =	vld [tilespmem:$0xD0]  }
0x45: {  	v63 =	vld [tilespmem:$0x170]  }
0x46: {  	v29 =	vld [tilespmem:$0x40];
	v3 =	vtrunc.f32 v1;
	v5 =	vtrunc.f32 v2  }
0x47: {  	v31 =	vld [tilespmem:$0xE0];
	v45 =	vtrunc.f32 v43;
	v8 =	vtrunc.f32 v44  }
0x48: {  	v50 =	vtrunc.f32 v46;
	v53 =	vtrunc.f32 v49  }
0x49: {  	v14 =	vtrunc.f32 v51;
	v58 =	vtrunc.f32 v55  }
0x4a: {  	v61 =	vtrunc.f32 v57;
	v20 =	vtrunc.f32 v59  }
0x4b: {  	v30 =	vtrunc.f32 v63;
	v33 =	vtrunc.f32 v29  }
0x4c: {  	v36 =	vtrunc.f32 v31;
	v4 =	vcvt.f32.s32 v3  }
0x4d: {  	vm0 =	vgt.f32 v1, v3;
	v6 =	vcvt.f32.s32 v5;
	vm11 =	vgt.f32 v2, v5  }
0x4e: {  	vm13 =	vgt.f32 v43, v45;
	v9 =	vcvt.f32.s32 v8;
	vm14 =	vgt.f32 v44, v8  }
0x4f: {  	v35 =	vld [tilespmem:$0x180];
	v12 =	vcvt.f32.s32 v50;
	vm15 =	vgt.f32 v46, v50;
	v54 =	vcvt.f32.s32 v53  }
0x50: {  	v27 =	vld [tilespmem:$0x70];
	vm4 =	vgt.f32 v49, v53;
	v15 =	vcvt.f32.s32 v14;
	vm5 =	vgt.f32 v51, v14  }
0x51: {  	v18 =	vcvt.f32.s32 v58;
	vm6 =	vgt.f32 v55, v58;
	v62 =	vcvt.f32.s32 v61  }
0x52: {  	vm7 =	vgt.f32 v57, v61;
	v21 =	vcvt.f32.s32 v20;
	vm8 =	vgt.f32 v59, v20  }
0x53: {  	v24 =	vcvt.f32.s32 v30;
	vm9 =	vgt.f32 v63, v30;
	v34 =	vcvt.f32.s32 v33  }
0x54: {  	vm10 =	vgt.f32 v29, v33;
	v38 =	vcvt.f32.s32 v36;
	v44 =	vtrunc.f32 v35  }
0x55: {  	v33 =	vtrunc.f32 v27;
	v3 =	vsel vm0, $0x1, v0;
	v2 =	vsel vm11, $0x1, v0  }
0x56: {  	v48 =	vsel vm13, $0x1, v0;
	v13 =	vsel vm4, $0x1, v0;
	v19 =	vsel vm7, $0x1, v0  }
0x57: {  	v1 =	vld [tilespmem:$0x140];
	v20 =	vsel vm10, $0x1, v0;
	vm11 =	vgt.f32 v31, v36;
	vm7 =	vgt.f32 v27, v33  }
0x58: {  	v49 =	vld [tilespmem:$0x190];
	v3 =	vadd.s32 v4, v3;
	v4 =	vmul.u32 $0xC0, v4;
	v2 =	vadd.s32 v6, v2  }
0x59: {  	v13 =	vadd.s32 v54, v13;
	v19 =	vadd.s32 v62, v19;
	v37 =	vadd.s32 v34, v20  }
0x5a: {  	v39 =	vsel vm11, $0x1, v0;
	v3 =	vmul.u32 $0xC0, v3;
	v13 =	vmul.u32 $0xC0, v13  }
0x5b: {  	v19 =	vmul.u32 $0xC0, v19;
	v5 =	vmul.u32 $0xC0, v37;
	v37 =	vsel vm7, $0x1, v0  }
0x5c: {  	v4 =	vadd.s32 v6, v4;
	v6 =	vsel vm14, $0x1, v0;
	v2 =	vadd.s32 v3, v2  }
0x5d: {  	v3 =	vtrunc.f32 v1;
	v6 =	vadd.s32 v9, v6;
	v59 =	vtrunc.f32 v49  }
0x5e: {  	v40 =	vld [tilespmem:$0x50];
	v7 =	vcvt.f32.s32 v3;
	vm12 =	vgt.f32 v1, v3;
	v1 =	vmul.u32 $0xC0, v4  }
0x5f: {  	v2 =	vmul.u32 $0xC0, v2;
	v61 =	vcvt.f32.s32 v59;
	v3 =	vsel vm12, $0x1, v0  }
0x60: {  	vm12 =	vgt.f32 v35, v44;
	v3 =	vadd.s32 v7, v3;
	v1 =	vadd.s32 v7, v1  }
0x61: {  	v2 =	vadd.s32 v2, v3;
	v3 =	vcvt.f32.s32 v45;
	v47 =	vadd.s32 $0x6C0000, v1  }
0x62: {  	v11 =	vadd.s32 $0xD80000, v1;
	v10 =	vadd.s32 $0x6C0000, v2;
	v52 =	vadd.s32 $0xD80000, v2  }
0x63: {  	[tilespmem:$0x520] =	vst v47;
	v47 =	vtrunc.f32 v40;
	v7 =	vadd.s32 v3, v48;
	v3 =	vmul.u32 $0xC0, v3  }
0x64: {  	v45 =	vld [tilespmem:$0xF0];
	[tilespmem:$0x700] =	vst v10;
	v10 =	vadd.s32 v38, v39;
	v48 =	vcvt.f32.s32 v47;
	vm13 =	vgt.f32 v40, v47  }
0x65: {  	v7 =	vmul.u32 $0xC0, v7;
	v5 =	vadd.s32 v5, v10;
	v10 =	vsel vm12, $0x1, v0  }
0x66: {  	v35 =	vld [tilespmem:$0x1B0];
	v51 =	vsel vm13, $0x1, v0;
	v3 =	vadd.s32 v9, v3;
	v9 =	vsel vm5, $0x1, v0  }
0x67: {  	v5 =	vmul.u32 $0xC0, v5;
	v53 =	vadd.s32 v48, v51;
	v6 =	vadd.s32 v7, v6  }
0x68: {  	v3 =	vmul.u32 $0xC0, v3;
	v7 =	vsel vm15, $0x1, v0;
	v9 =	vadd.s32 v15, v9  }
0x69: {  	[tilespmem:$0x7A0] =	vst v52;
	v52 =	vtrunc.f32 v45;
	v8 =	vmul.u32 $0xC0, v53;
	vm15 =	vgt.f32 v49, v59  }
0x6a: {  	v6 =	vmul.u32 $0xC0, v6;
	v7 =	vadd.s32 v12, v7;
	v9 =	vadd.s32 v13, v9  }
0x6b: {  	v13 =	vsel vm6, $0x1, v0;
	vm14 =	vgt.f32 v45, v52;
	v45 =	vtrunc.f32 v35  }
0x6c: {  	v3 =	vadd.s32 v12, v3;
	v9 =	vmul.u32 $0xC0, v9;
	v13 =	vadd.s32 v18, v13  }
0x6d: {  	v55 =	vsel vm14, $0x1, v0;
	v47 =	vcvt.f32.s32 v45;
	v6 =	vadd.s32 v6, v7  }
0x6e: {  	[tilespmem:$0x480] =	vst v1;
	v56 =	vadd.s32 $0x6C0000, v3;
	v7 =	vmul.u32 $0xC0, v54;
	v17 =	vadd.s32 $0xD80000, v3  }
0x6f: {  	[tilespmem:$0x490] =	vst v3;
	v3 =	vcvt.f32.s32 v44;
	v54 =	vcvt.f32.s32 v52;
	v16 =	vadd.s32 $0x6C0000, v6  }
0x70: {  	[tilespmem:$0x660] =	vst v2;
	v60 =	vadd.s32 $0xD80000, v6;
	v9 =	vadd.s32 v9, v13;
	v13 =	vmul.u32 $0xC0, v62  }
0x71: {  	[tilespmem:$0x5C0] =	vst v11;
	v7 =	vadd.s32 v15, v7;
	v15 =	vsel vm8, $0x1, v0;
	v22 =	vadd.s32 $0x6C0000, v9  }
0x72: {  	v52 =	vld [tilespmem:$0x1C0];
	[tilespmem:$0x670] =	vst v6;
	v32 =	vadd.s32 $0xD80000, v9;
	v10 =	vadd.s32 v3, v10;
	v7 =	vmul.u32 $0xC0, v7  }
0x73: {  	[tilespmem:$0x530] =	vst v56;
	v15 =	vadd.s32 v21, v15;
	v13 =	vadd.s32 v21, v13;
	v5 =	vadd.s32 v5, v10  }
0x74: {  	[tilespmem:$0x5D0] =	vst v17;
	v56 =	vld [tilespmem:$0x60];
	v10 =	vmul.u32 $0xC0, v48;
	v15 =	vadd.s32 v19, v15;
	v13 =	vmul.u32 $0xC0, v13  }
0x75: {  	[tilespmem:$0x710] =	vst v16;
	v19 =	vsel vm9, $0x1, v0;
	v57 =	vadd.s32 $0x6C0000, v5;
	v63 =	vadd.s32 $0xD80000, v5  }
0x76: {  	[tilespmem:$0x7B0] =	vst v60;
	vm9 =	vgt.f32 v35, v45;
	v7 =	vadd.s32 v18, v7;
	v15 =	vmul.u32 $0xC0, v15  }
0x77: {  	[tilespmem:$0x680] =	vst v9;
	v19 =	vadd.s32 v24, v19;
	v10 =	vadd.s32 v54, v10;
	v59 =	vtrunc.f32 v52  }
0x78: {  	v60 =	vld [tilespmem:$0x100];
	[tilespmem:$0x720] =	vst v22;
	v28 =	vadd.s32 $0x6C0000, v7;
	v23 =	vadd.s32 $0xD80000, v7;
	v13 =	vadd.s32 v24, v13  }
0x79: {  	[tilespmem:$0x4A0] =	vst v7;
	v7 =	vadd.s32 v54, v55;
	v62 =	vmul.u32 $0xC0, v10;
	v20 =	vtrunc.f32 v56  }
0x7a: {  	[tilespmem:$0x7C0] =	vst v32;
	vm12 =	vgt.f32 v52, v59;
	v1 =	vadd.s32 v15, v19;
	v2 =	vadd.s32 $0x6C0000, v13  }
0x7b: {  	v22 =	vld [tilespmem:$0x1A0];
	[tilespmem:$0x6A0] =	vst v5;
	v15 =	vmul.u32 $0xC0, v34;
	v42 =	vadd.s32 $0xD80000, v13;
	v7 =	vadd.s32 v8, v7  }
0x7c: {  	[tilespmem:$0x740] =	vst v57;
	v19 =	vsel vm15, $0x1, v0;
	v21 =	vcvt.f32.s32 v20;
	vm4 =	vgt.f32 v56, v20  }
0x7d: {  	v31 =	vld [tilespmem:$0x110];
	[tilespmem:$0x5E0] =	vst v23;
	v23 =	vtrunc.f32 v60;
	v34 =	vcvt.f32.s32 v33;
	v5 =	vsel vm12, $0x1, v0  }
0x7e: {  	[tilespmem:$0x7E0] =	vst v63;
	v41 =	vadd.s32 $0x6C0000, v1;
	v46 =	vadd.s32 $0xD80000, v1;
	v7 =	vmul.u32 $0xC0, v7  }
0x7f: {  	[tilespmem:$0x540] =	vst v28;
	v10 =	vadd.s32 v61, v19;
	v14 =	vsel vm4, $0x1, v0;
	v25 =	vcvt.f32.s32 v23  }
0x80: {  	v63 =	vld [tilespmem:$0x1D0];
	[tilespmem:$0x4B0] =	vst v13;
	vm5 =	vgt.f32 v60, v23;
	v30 =	vtrunc.f32 v22;
	v43 =	vadd.s32 v38, v15  }
0x81: {  	[tilespmem:$0x550] =	vst v2;
	v2 =	vadd.s32 v21, v14;
	v26 =	vsel vm5, $0x1, v0;
	vm6 =	vgt.f32 v22, v30  }
0x82: {  	[tilespmem:$0x690] =	vst v1;
	v38 =	vtrunc.f32 v31;
	v39 =	vadd.s32 v34, v37;
	v9 =	vmul.u32 $0xC0, v34  }
0x83: {  	[tilespmem:$0x5F0] =	vst v42;
	v4 =	vmul.u32 $0xC0, v43;
	v7 =	vadd.s32 v7, v10;
	v10 =	vmul.u32 $0xC0, v21  }
0x84: {  	v56 =	vld [tilespmem:$0x90];
	[tilespmem:$0x730] =	vst v41;
	v2 =	vmul.u32 $0xC0, v2;
	v11 =	vadd.s32 v25, v26;
	v40 =	vcvt.f32.s32 v38  }
0x85: {  	[tilespmem:$0x7D0] =	vst v46;
	vm8 =	vgt.f32 v31, v38;
	v8 =	vmul.u32 $0xC0, v39;
	v17 =	vtrunc.f32 v63  }
0x86: {  	v28 =	vadd.s32 $0x6C0000, v7;
	v32 =	vadd.s32 $0xD80000, v7;
	v41 =	vsel vm8, $0x1, v0;
	[tilespmem:$0x6B0] =	vst v7  }
0x87: {  	v60 =	vld [tilespmem:$0x130];
	vm15 =	vgt.f32 v63, v17;
	v3 =	vadd.s32 v3, v4;
	v4 =	vadd.s32 v61, v62;
	[tilespmem:$0x750] =	vst v28  }
0x88: {  	v29 =	vadd.s32 v25, v10;
	v2 =	vadd.s32 v2, v11;
	v10 =	vsel vm6, $0x1, v0;
	[tilespmem:$0x7F0] =	vst v32  }
0x89: {  	v42 =	vld [tilespmem:$0x80];
	v61 =	vtrunc.f32 v56;
	v50 =	vadd.s32 $0x6C0000, v3;
	v58 =	vadd.s32 $0xD80000, v3;
	[tilespmem:$0x4C0] =	vst v3  }
0x8a: {  	v46 =	vld [tilespmem:$0x120];
	v1 =	vadd.s32 $0x6C0000, v4;
	v18 =	vadd.s32 $0xD80000, v4;
	v3 =	vcvt.f32.s32 v30;
	[tilespmem:$0x4D0] =	vst v4  }
0x8b: {  	v6 =	vmul.u32 $0xC0, v29;
	v2 =	vmul.u32 $0xC0, v2;
	v4 =	vadd.s32 v40, v41;
	[tilespmem:$0x560] =	vst v50  }
0x8c: {  	v62 =	vcvt.f32.s32 v61;
	vm13 =	vgt.f32 v56, v61;
	v14 =	vtrunc.f32 v60;
	[tilespmem:$0x600] =	vst v58  }
0x8d: {  	[tilespmem:$0x570] =	vst v1;
	v1 =	vadd.s32 v40, v9;
	v4 =	vadd.s32 v8, v4;
	v8 =	vsel vm9, $0x1, v0  }
0x8e: {  	[tilespmem:$0x610] =	vst v18;
	v50 =	vtrunc.f32 v42;
	v10 =	vadd.s32 v3, v10;
	v3 =	vadd.s32 v3, v6  }
0x8f: {  	v53 =	vtrunc.f32 v46;
	v13 =	vsel vm13, $0x1, v0;
	v2 =	vadd.s32 v2, v10;
	[tilespmem:$0x4E0] =	vst v3  }
0x90: {  	v15 =	vcvt.f32.s32 v14;
	v1 =	vmul.u32 $0xC0, v1;
	v36 =	vadd.s32 $0x6C0000, v3;
	[tilespmem:$0x6C0] =	vst v2  }
0x91: {  	v4 =	vmul.u32 $0xC0, v4;
	v49 =	vadd.s32 v47, v8;
	v44 =	vadd.s32 $0xD80000, v3;
	[tilespmem:$0x580] =	vst v36  }
0x92: {  	v51 =	vcvt.f32.s32 v50;
	vm10 =	vgt.f32 v42, v50;
	v43 =	vadd.s32 $0x6C0000, v2;
	[tilespmem:$0x620] =	vst v44  }
0x93: {  	v54 =	vcvt.f32.s32 v53;
	vm11 =	vgt.f32 v46, v53;
	v48 =	vadd.s32 $0xD80000, v2;
	[tilespmem:$0x760] =	vst v43  }
0x94: {  	v8 =	vsel vm10, $0x1, v0;
	v55 =	vsel vm11, $0x1, v0;
	v1 =	vadd.s32 v47, v1;
	[tilespmem:$0x800] =	vst v48  }
0x95: {  	v3 =	vadd.s32 v4, v49;
	v8 =	vadd.s32 v51, v8;
	v4 =	vmul.u32 $0xC0, v51;
	[tilespmem:$0x4F0] =	vst v1  }
0x96: {  	v7 =	vadd.s32 v54, v55;
	v2 =	vadd.s32 $0x6C0000, v1;
	v8 =	vmul.u32 $0xC0, v8;
	[tilespmem:$0x6D0] =	vst v3  }
0x97: {  	v57 =	vadd.s32 $0x6C0000, v3;
	v12 =	vadd.s32 $0xD80000, v1;
	v4 =	vadd.s32 v54, v4;
	[tilespmem:$0x590] =	vst v2  }
0x98: {  	v1 =	vcvt.f32.s32 v59;
	[tilespmem:$0x770] =	vst v57;
	v58 =	vadd.s32 v8, v7;
	v4 =	vmul.u32 $0xC0, v4  }
0x99: {  	vm14 =	vgt.f32 v60, v14;
	v3 =	vadd.s32 $0xD80000, v3;
	[tilespmem:$0x630] =	vst v12;
	v6 =	vmul.u32 $0xC0, v58  }
0x9a: {  	v18 =	vcvt.f32.s32 v17;
	[tilespmem:$0x810] =	vst v3;
	v2 =	vadd.s32 v1, v5;
	v1 =	vadd.s32 v1, v4  }
0x9b: {  	v3 =	vadd.s32 v62, v13;
	v5 =	vmul.u32 $0xC0, v62;
	v2 =	vadd.s32 v6, v2;
	[tilespmem:$0x500] =	vst v1  }
0x9c: {  	v8 =	vsel vm14, $0x1, v0;
	v3 =	vmul.u32 $0xC0, v3;
	v12 =	vadd.s32 $0x6C0000, v1;
	[tilespmem:$0x6E0] =	vst v2  }
0x9d: {  	v8 =	vadd.s32 v15, v8;
	v5 =	vadd.s32 v15, v5;
	v1 =	vadd.s32 $0xD80000, v1;
	[tilespmem:$0x5A0] =	vst v12  }
0x9e: {  	v3 =	vadd.s32 v3, v8;
	v19 =	vmul.u32 $0xC0, v5;
	v16 =	vadd.s32 $0x6C0000, v2;
	[tilespmem:$0x640] =	vst v1  }
0x9f: {  	v3 =	vmul.u32 $0xC0, v3;
	v1 =	vadd.s32 $0xD80000, v2;
	v2 =	vsel vm15, $0x1, v0;
	[tilespmem:$0x780] =	vst v16  }
0xa0: {  	[tilespmem:$0x820] =	vst v1;
	v1 =	vadd.s32 v18, v2;
	v2 =	vadd.s32 v18, v19  }
0xa1: {  	v1 =	vadd.s32 v3, v1;
	[tilespmem:$0x510] =	vst v2  }
0xa2: {  	v3 =	vadd.s32 $0x6C0000, v2;
	[tilespmem:$0x6F0] =	vst v1  }
0xa3: {  	v2 =	vadd.s32 $0xD80000, v2;
	[tilespmem:$0x5B0] =	vst v3  }
0xa4: {  	v3 =	vadd.s32 $0x6C0000, v1;
	[tilespmem:$0x650] =	vst v2  }
0xa5: {  	s0 =	rddreg [dreg:$0x13];
	v1 =	vadd.s32 $0xD80000, v1;
	[tilespmem:$0x790] =	vst v3  }
0xa6: {  	s7 =	rddreg [dreg:$0x14];
	[tilespmem:$0x830] =	vst v1  }
0xa7: {  	[tilespmem:s7], [sflag:$0x1] =	stream.indirect.gather [hbm4b:s3+s6], $0x1, s0, s6, $0xb8;
	[tilespmem:$0xE80] =	vst v63  }
0xa8: {  	s8 =	rddreg [dreg:$0x15];
	s7 =	simm.s32 $0x8D0  }
0xa9: {  	[tilespmem:s7], [sflag:$0x1] =	stream.indirect.gather [hbm4b:s3+s6], $0x1, s8, s6, $0xb8;
	[tilespmem:$0xE80] =	vst v63  }
0xaa: {  	s7 =	simm.s32 $0x520  }
0xab: {  	[tilespmem:s9], [sflag:$0x1] =	stream.indirect.gather [hbm4b:s3+s6], $0x1, s7, s6, $0xb8;
	[tilespmem:$0xE80] =	vst v63  }
0xac: {  	_ = 	snop  }
0xad: {  	[tilespmem:s11], [sflag:$0x1] =	stream.indirect.gather [hbm4b:s3+s6], $0x1, s10, s6, $0xb8;
	[tilespmem:$0xE80] =	vst v63  }
0xae: {  	_ = 	snop  }
0xaf: {  	[tilespmem:s13], [sflag:$0x1] =	stream.indirect.gather [hbm4b:s3+s6], $0x1, s12, s6, $0xb8;
	[tilespmem:$0xE80] =	vst v63  }
0xb0: {  	_ = 	snop  }
0xb1: {  	[tilespmem:s15], [sflag:$0x1] =	stream.indirect.gather [hbm4b:s3+s6], $0x1, s14, s6, $0xb8;
	[tilespmem:$0xE80] =	vst v63  }
0xb2: {  	_ = 	snop  }
0xb3: {  	[tilespmem:s17], [sflag:$0x1] =	stream.indirect.gather [hbm4b:s3+s6], $0x1, s16, s6, $0xb8;
	[tilespmem:$0xE80] =	vst v63  }
0xb4: {  	_ = 	snop  }
0xb5: {  	[tilespmem:s19], [sflag:$0x1] =	stream.indirect.gather [hbm4b:s3+s6], $0x1, s18, s6, $0xb8;
	[tilespmem:$0xE80] =	vst v63  }
0xb6: {  	_ = 	snop  }
0xb7: {  	[tilespmem:s21], [sflag:$0x1] =	stream.indirect.gather [hbm4b:s3+s6], $0x1, s20, s6, $0xb8;
	[tilespmem:$0xE80] =	vst v63  }
0xb8: {  	_ = 	snop  }
0xb9: {  	[tilespmem:s23], [sflag:$0x1] =	stream.indirect.gather [hbm4b:s3+s6], $0x1, s22, s6, $0xb8;
	[tilespmem:$0xE80] =	vst v63  }
0xba: {  	_ = 	snop  }
0xbb: {  	[tilespmem:s25], [sflag:$0x1] =	stream.indirect.gather [hbm4b:s3+s6], $0x1, s24, s6, $0xb8;
	[tilespmem:$0xE80] =	vst v63  }
0xbc: {  	_ = 	snop  }
0xbd: {  	[tilespmem:s28], [sflag:$0x1] =	stream.indirect.gather [hbm4b:s3+s6], $0x1, s26, s6, $0xb8;
	[tilespmem:$0xE80] =	vst v63  }
0xbe: {  	_ =	swait.ge [sflag:s29], $0x50  }
0xbf: {  	[sflag:s29] =	ssyncset.done $0x0  }
0xc0: {  	[sflag:s29] =	ssyncadd.s32 $0xFFFFFFB0  }
0xc1: {  	_ =	swait.ge [sflag:s29], $0x50  }
0xc2: {  	[sflag:s29] =	ssyncset.done $0x0  }
0xc3: {  	[sflag:s29] =	ssyncadd.s32 $0xFFFFFFB0  }
0xc4: {  	_ =	swait.ge [sflag:s29], $0x50  }
0xc5: {  	[sflag:s29] =	ssyncset.done $0x0  }
0xc6: {  	[sflag:s29] =	ssyncadd.s32 $0xFFFFFFB0  }
0xc7: {  	_ =	swait.ge [sflag:s29], $0x50  }
0xc8: {  	[sflag:s29] =	ssyncset.done $0x0  }
0xc9: {  	[sflag:s29] =	ssyncadd.s32 $0xFFFFFFB0  }
0xca: {  	_ =	swait.ge [sflag:s29], $0x50  }
0xcb: {  	[sflag:s29] =	ssyncset.done $0x0  }
0xcc: {  	[sflag:s29] =	ssyncadd.s32 $0xFFFFFFB0  }
0xcd: {  	_ =	swait.ge [sflag:s29], $0x50  }
0xce: {  	[sflag:s29] =	ssyncset.done $0x0  }
0xcf: {  	[sflag:s29] =	ssyncadd.s32 $0xFFFFFFB0  }
0xd0: {  	_ =	swait.ge [sflag:s29], $0x50  }
0xd1: {  	[sflag:s29] =	ssyncset.done $0x0  }
0xd2: {  	[sflag:s29] =	ssyncadd.s32 $0xFFFFFFB0  }
0xd3: {  	_ =	swait.ge [sflag:s29], $0x50  }
0xd4: {  	[sflag:s29] =	ssyncset.done $0x0  }
0xd5: {  	[sflag:s29] =	ssyncadd.s32 $0xFFFFFFB0  }
0xd6: {  	_ =	swait.ge [sflag:s29], $0x50  }
0xd7: {  	[sflag:s29] =	ssyncset.done $0x0  }
0xd8: {  	[sflag:s29] =	ssyncadd.s32 $0xFFFFFFB0  }
0xd9: {  	_ =	swait.ge [sflag:s29], $0x50  }
0xda: {  	[sflag:s29] =	ssyncset.done $0x0  }
0xdb: {  	[sflag:s29] =	ssyncadd.s32 $0xFFFFFFB0  }
0xdc: {  	_ =	swait.ge [sflag:s29], $0x50  }
0xdd: {  	[sflag:s29] =	ssyncset.done $0x0  }
0xde: {  	[sflag:s29] =	ssyncadd.s32 $0xFFFFFFB0  }
0xdf: {  	_ =	swait.ge [sflag:s29], $0x50  }
0xe0: {  	[sflag:s29] =	ssyncset.done $0x0  }
0xe1: {  	[sflag:s29] =	ssyncadd.s32 $0xFFFFFFB0  }
0xe2: {  	v3 =	vld [tilespmem:$0x880]  }
0xe3: {  	v6 =	vld [tilespmem:$0xA60]  }
0xe4: {  	v16 =	vld [tilespmem:$0x0]  }
0xe5: {  	v30 =	vld [tilespmem:$0x200]  }
0xe6: {  	v39 =	vld [tilespmem:$0x400]  }
0xe7: {  	v9 =	vld [tilespmem:$0x920]  }
0xe8: {  	v24 =	vld [tilespmem:$0xB00]  }
0xe9: {  	v42 =	vld [tilespmem:$0xA0]  }
0xea: {  	v43 =	vld [tilespmem:$0x2A0]  }
0xeb: {  	v44 =	vld [tilespmem:$0x410]  }
0xec: {  	v45 =	vld [tilespmem:$0x9C0]  }
0xed: {  	v46 =	vld [tilespmem:$0xBA0]  }
0xee: {  	v47 =	vld [tilespmem:$0x140]  }
0xef: {  	v48 =	vld [tilespmem:$0x340]  }
0xf0: {  	v49 =	vld [tilespmem:$0x420]  }
0xf1: {  	v50 =	vld [tilespmem:$0x890]  }
0xf2: {  	v51 =	vld [tilespmem:$0xA70]  }
0xf3: {  	v52 =	vld [tilespmem:$0x10]  }
0xf4: {  	v53 =	vld [tilespmem:$0x210]  }
0xf5: {  	v54 =	vld [tilespmem:$0x400]  }
0xf6: {  	v55 =	vld [tilespmem:$0x930]  }
0xf7: {  	v56 =	vld [tilespmem:$0xB10]  }
0xf8: {  	v57 =	vld [tilespmem:$0xB0]  }
0xf9: {  	v58 =	vld [tilespmem:$0x2B0]  }
0xfa: {  	v59 =	vld [tilespmem:$0x410]  }
0xfb: {  	v60 =	vld [tilespmem:$0x9D0]  }
0xfc: {  	v61 =	vld [tilespmem:$0xBB0]  }
0xfd: {  	v62 =	vld [tilespmem:$0x150]  }
0xfe: {  	v63 =	vld [tilespmem:$0x350]  }
0xff: {  	v34 =	vld [tilespmem:$0x420]  }
0x100: {  	v15 =	vld [tilespmem:$0x8A0]  }
0x101: {  	v14 =	vld [tilespmem:$0xA80]  }
0x102: {  	v37 =	vld [tilespmem:$0x20]  }
0x103: {  	v1 =	vld [tilespmem:$0x220]  }
0x104: {  	v13 =	vld [tilespmem:$0x940]  }
0x105: {  	v12 =	vld [tilespmem:$0xB20]  }
0x106: {  	v35 =	vld [tilespmem:$0xC0]  }
0x107: {  	v11 =	vld [tilespmem:$0x9E0]  }
0x108: {  	v10 =	vld [tilespmem:$0xBC0]  }
0x109: {  	v36 =	vld [tilespmem:$0x160]  }
0x10a: {  	v41 =	vld [tilespmem:$0x2E0]  }
0x10b: {  	v8 =	vld [tilespmem:$0x8B0]  }
0x10c: {  	v7 =	vld [tilespmem:$0xA90]  }
0x10d: {  	v33 =	vld [tilespmem:$0x30]  }
0x10e: {  	v5 =	vld [tilespmem:$0x950]  }
0x10f: {  	[tilespmem:$0x1FE70] =	vst v41;
	v41 =	vld [tilespmem:$0x420]  }
0x110: {  	v4 =	vld [tilespmem:$0xB30]  }
0x111: {  	v32 =	vld [tilespmem:$0xD0]  }
0x112: {  	v40 =	vld [tilespmem:$0x2D0]  }
0x113: {  	v2 =	vld [tilespmem:$0x9F0]  }
0x114: {  	[tilespmem:$0x1FEF0] =	vst v41;
	v41 =	vld [tilespmem:$0x250]  }
0x115: {  	v27 =	vld [tilespmem:$0x170]  }
0x116: {  	v38 =	vld [tilespmem:$0x370]  }
0x117: {  	v20 =	vld [tilespmem:$0x420]  }
0x118: {  	v31 =	vld [tilespmem:$0x8C0]  }
0x119: {  	[tilespmem:$0x1FED0] =	vst v41;
	v41 =	vld [tilespmem:$0xF0]  }
0x11a: {  	v28 =	vld [tilespmem:$0xAA0]  }
0x11b: {  	v21 =	vld [tilespmem:$0x40]  }
0x11c: {  	v22 =	vld [tilespmem:$0x240]  }
0x11d: {  	v23 =	vld [tilespmem:$0x400]  }
0x11e: {  	[tilespmem:$0x1FEB0] =	vst v41;
	v41 =	vld [tilespmem:$0x2F0]  }
0x11f: {  	v29 =	vld [tilespmem:$0x960]  }
0x120: {  	v26 =	vld [tilespmem:$0xB40]  }
0x121: {  	v25 =	vld [tilespmem:$0xE0]  }
0x122: {  	v19 =	vld [tilespmem:$0xB50]  }
0x123: {  	[tilespmem:$0x1FF00] =	vst v41;
	v41 =	vld [tilespmem:$0x410]  }
0x124: {  	v18 =	vld [tilespmem:$0xA10]  }
0x125: {  	v17 =	vld [tilespmem:$0xBF0]  }
0x126: {  	[tilespmem:$0x1FD90] =	vst v1;
	v1 =	vld [tilespmem:$0x400]  }
0x127: {  	[tilespmem:$0x1FE20] =	vst v20;
	v20 =	vld [tilespmem:$0x410]  }
0x128: {  	[tilespmem:$0x1FF70] =	vst v41;
	v41 =	vld [tilespmem:$0x190]  }
0x129: {  	[tilespmem:$0x1FE40] =	vst v25;
	v25 =	vld [tilespmem:$0xA00]  }
0x12a: {  	[tilespmem:$0x1FE90] =	vst v23;
	v23 =	vld [tilespmem:$0xBE0]  }
0x12b: {  	[tilespmem:$0x1FE30] =	vst v21;
	v21 =	vld [tilespmem:$0x180]  }
0x12c: {  	[tilespmem:$0x1FE50] =	vst v22;
	v22 =	vld [tilespmem:$0x380]  }
0x12d: {  	[tilespmem:$0x1FEE0] =	vst v41;
	v41 =	vld [tilespmem:$0x390]  }
0x12e: {  	v6 =	vadd.f32 v6, v3;
	v3 =	vld [tilespmem:$0xC00]  }
0x12f: {  	v24 =	vadd.f32 v24, v9;
	v9 =	vld [tilespmem:$0x1A0]  }
0x130: {  	v51 =	vadd.f32 v51, v50;
	v50 =	vld [tilespmem:$0x420]  }
0x131: {  	v46 =	vadd.f32 v46, v45;
	v45 =	vadd.f32 v56, v55;
	v55 =	vld [tilespmem:$0x8F0]  }
0x132: {  	[tilespmem:$0x1FF40] =	vst v41;
	v41 =	vld [tilespmem:$0x420]  }
0x133: {  	v56 =	vadd.f32 v61, v60;
	v60 =	vld [tilespmem:$0xAD0]  }
0x134: {  	v14 =	vadd.f32 v14, v15;
	v15 =	vld [tilespmem:$0xB70]  }
0x135: {  	v12 =	vadd.f32 v12, v13;
	v13 =	vld [tilespmem:$0x110]  }
0x136: {  	v8 =	vadd.f32 v7, v8;
	v7 =	vld [tilespmem:$0x410]  }
0x137: {  	[tilespmem:$0x1FF90] =	vst v41;
	v41 =	vld [tilespmem:$0x8E0]  }
0x138: {  	v28 =	vadd.f32 v28, v31;
	v31 =	vld [tilespmem:$0xAE0];
	v24 =	vmul.f32 $5.000000000e-01, v24  }
0x139: {  	v26 =	vadd.f32 v26, v29;
	v29 =	vld [tilespmem:$0x80]  }
0x13a: {  	v42 =	vadd.f32 v24, v42;
	v24 =	vld [tilespmem:$0x70]  }
0x13b: {  	v4 =	vadd.f32 v4, v5;
	v46 =	vmul.f32 $5.000000000e-01, v46;
	[tilespmem:$0x1FDB0] =	vst v1;
	v1 =	vld [tilespmem:$0x2C0]  }
0x13c: {  	v12 =	vmul.f32 $5.000000000e-01, v12;
	[tilespmem:$0x1FF10] =	vst v41;
	v41 =	vld [tilespmem:$0xAC0]  }
0x13d: {  	v4 =	vmul.f32 $5.000000000e-01, v4;
	v61 =	vadd.f32 v46, v47;
	v47 =	vld [tilespmem:$0x990]  }
0x13e: {  	v12 =	vadd.f32 v12, v35;
	v35 =	vld [tilespmem:$0x1B0]  }
0x13f: {  	v4 =	vadd.f32 v4, v32;
	v32 =	vld [tilespmem:$0x420]  }
0x140: {  	[tilespmem:$0x1FDA0] =	vst v1;
	v1 =	vld [tilespmem:$0x410]  }
0x141: {  	[tilespmem:$0x1FF20] =	vst v41;
	v41 =	vld [tilespmem:$0x60]  }
0x142: {  	[tilespmem:$0x1FEA0] =	vst v22;
	v22 =	vld [tilespmem:$0x8D0]  }
0x143: {  	[tilespmem:$0x1FE60] =	vst v21;
	v21 =	vld [tilespmem:$0xAB0]  }
0x144: {  	v56 =	vmul.f32 $5.000000000e-01, v56;
	[tilespmem:$0x1FEC0] =	vst v20;
	v20 =	vld [tilespmem:$0x50]  }
0x145: {  	v45 =	vmul.f32 $5.000000000e-01, v45;
	[tilespmem:$0x1FDD0] =	vst v1;
	v1 =	vld [tilespmem:$0x360]  }
0x146: {  	v62 =	vadd.f32 v56, v62;
	[tilespmem:$0x1FFA0] =	vst v41;
	v41 =	vld [tilespmem:$0x260]  }
0x147: {  	v45 =	vadd.f32 v45, v57;
	v43 =	vsub.f32 v42, v43;
	v42 =	vld [tilespmem:$0x270]  }
0x148: {  	v46 =	vsub.f32 v62, v63;
	v63 =	vmul.f32 $5.000000000e-01, v14;
	v14 =	vld [tilespmem:$0x310]  }
0x149: {  	v45 =	vsub.f32 v45, v58;
	v58 =	vmul.f32 $5.000000000e-01, v28;
	v28 =	vld [tilespmem:$0x280]  }
0x14a: {  	[tilespmem:$0x1FDC0] =	vst v1;
	v1 =	vld [tilespmem:$0x420]  }
0x14b: {  	[tilespmem:$0x1FFC0] =	vst v41;
	v41 =	vld [tilespmem:$0x400]  }
0x14c: {  	v62 =	vld [tilespmem:$0x1FE30]  }
0x14d: {  	v4 =	vsub.f32 v4, v40;
	v40 =	vld [tilespmem:$0x1FE40]  }
0x14e: {  	v34 =	vmul.f32 v46, v34;
	v46 =	vld [tilespmem:$0x1FD90]  }
0x14f: {  	[tilespmem:$0x1FDF0] =	vst v1;
	v1 =	vld [tilespmem:$0x230]  }
0x150: {  	v23 =	vadd.f32 v23, v25;
	[tilespmem:$0x1FFE0] =	vst v41;
	v41 =	vld [tilespmem:$0x980]  }
0x151: {  	v45 =	vmul.f32 v45, v59;
	v59 =	vld [tilespmem:$0x1FE20]  }
0x152: {  	v10 =	vadd.f32 v10, v11;
	v11 =	vadd.f32 v63, v37;
	v63 =	vmul.f32 $5.000000000e-01, v23;
	v23 =	vld [tilespmem:$0x9A0]  }
0x153: {  	[tilespmem:$0x1FE80] =	vst v20;
	v20 =	vld [tilespmem:$0x400]  }
0x154: {  	[tilespmem:$0x1FDE0] =	vst v1;
	v1 =	vld [tilespmem:$0x400]  }
0x155: {  	[tilespmem:$0x1FF50] =	vst v41;
	v41 =	vld [tilespmem:$0xB60]  }
0x156: {  	v37 =	vld [tilespmem:$0x320]  }
0x157: {  	v11 =	vsub.f32 v11, v46;
	v46 =	vld [tilespmem:$0x1FE50]  }
0x158: {  	[tilespmem:$0x1FF30] =	vst v20;
	v20 =	vld [tilespmem:$0x970]  }
0x159: {  	v43 =	vmul.f32 v43, v44;
	[tilespmem:$0x1FE00] =	vst v1;
	v1 =	vld [tilespmem:$0x410]  }
0x15a: {  	v51 =	vmul.f32 $5.000000000e-01, v51;
	[tilespmem:$0x1FF60] =	vst v41;
	v41 =	vld [tilespmem:$0x100]  }
0x15b: {  	[tilespmem:$0xD20] =	vst v43;
	v43 =	vld [tilespmem:$0x1FF30]  }
0x15c: {  	v52 =	vadd.f32 v51, v52;
	v51 =	vld [tilespmem:$0x1FDC0]  }
0x15d: {  	v25 =	vadd.f32 v58, v62;
	v58 =	vld [tilespmem:$0x1FEE0]  }
0x15e: {  	v17 =	vadd.f32 v17, v18;
	[tilespmem:$0x1FE10] =	vst v1;
	v1 =	vld [tilespmem:$0xBD0]  }
0x15f: {  	[tilespmem:$0x1FFB0] =	vst v41;
	v41 =	vld [tilespmem:$0x300]  }
0x160: {  	v17 =	vmul.f32 $5.000000000e-01, v17;
	v57 =	vld [tilespmem:$0x1FE10]  }
0x161: {  	v56 =	vld [tilespmem:$0x1FE00]  }
0x162: {  	v17 =	vadd.f32 v17, v58;
	v58 =	vld [tilespmem:$0xAF0]  }
0x163: {  	v1 =	vadd.f32 v1, v2;
	v2 =	vmul.f32 $5.000000000e-01, v8;
	v8 =	vld [tilespmem:$0xC10]  }
0x164: {  	[tilespmem:$0x1FFD0] =	vst v41;
	v41 =	vld [tilespmem:$0x410]  }
0x165: {  	v4 =	vmul.f32 v4, v57;
	v57 =	vld [tilespmem:$0x1FED0]  }
0x166: {  	v62 =	vld [tilespmem:$0x1FF10]  }
0x167: {  	[tilespmem:$0xD30] =	vst v45;
	v1 =	vmul.f32 $5.000000000e-01, v1;
	v45 =	vld [tilespmem:$0x1FF50]  }
0x168: {  	v25 =	vsub.f32 v25, v46;
	v46 =	vld [tilespmem:$0x1FF60]  }
0x169: {  	v1 =	vadd.f32 v1, v27;
	[tilespmem:$0x1FFF0] =	vst v41;
	v41 =	vld [tilespmem:$0xA20]  }
0x16a: {  	v2 =	vadd.f32 v2, v33;
	v33 =	vld [tilespmem:$0x3B0]  }
0x16b: {  	v27 =	vld [tilespmem:$0x900];
	v1 =	vsub.f32 v1, v38  }
0x16c: {  	v38 =	vld [tilespmem:$0xA40]  }
0x16d: {  	[tilespmem:$0xDD0] =	vst v34;
	v1 =	vmul.f32 v1, v59;
	v59 =	vld [tilespmem:$0x1FEF0]  }
0x16e: {  	v34 =	vadd.f32 v46, v45;
	v45 =	vld [tilespmem:$0x290];
	[tilespmem:$0x1FF80] =	vst v41;
	v41 =	vmul.f32 $5.000000000e-01, v6  }
0x16f: {  	[tilespmem:$0xDF0] =	vst v1;
	v1 =	vld [tilespmem:$0x1FFD0]  }
0x170: {  	v6 =	vld [tilespmem:$0x3A0];
	v16 =	vadd.f32 v41, v16  }
0x171: {  	v41 =	vmul.f32 $5.000000000e-01, v10;
	v10 =	vld [tilespmem:$0xA30]  }
0x172: {  	v16 =	vsub.f32 v16, v30;
	v30 =	vsub.f32 v61, v48;
	v48 =	vld [tilespmem:$0x1FDA0]  }
0x173: {  	v21 =	vadd.f32 v21, v22;
	v61 =	vsub.f32 v52, v53;
	v52 =	vld [tilespmem:$0x1FDD0]  }
0x174: {  	v53 =	vld [tilespmem:$0x1FDE0]  }
0x175: {  	v5 =	vadd.f32 v41, v36;
	v41 =	vmul.f32 $5.000000000e-01, v21;
	v21 =	vld [tilespmem:$0xB80]  }
0x176: {  	v36 =	vld [tilespmem:$0x120]  }
0x177: {  	v39 =	vmul.f32 v16, v39;
	v16 =	vld [tilespmem:$0x400]  }
0x178: {  	v30 =	vmul.f32 v30, v49;
	v49 =	vld [tilespmem:$0x1FDB0]  }
0x179: {  	v44 =	vmul.f32 v61, v54;
	v54 =	vld [tilespmem:$0x1FDF0]  }
0x17a: {  	v61 =	vmul.f32 $5.000000000e-01, v26;
	v26 =	vld [tilespmem:$0x400]  }
0x17b: {  	v5 =	vsub.f32 v5, v51;
	v51 =	vld [tilespmem:$0x1FE80]  }
0x17c: {  	[tilespmem:$0xDC0] =	vst v30;
	v30 =	vld [tilespmem:$0x410]  }
0x17d: {  	v22 =	vadd.f32 v61, v40;
	v61 =	vld [tilespmem:$0x1FF00]  }
0x17e: {  	v40 =	vld [tilespmem:$0xC20]  }
0x17f: {  	[tilespmem:$0xC90] =	vst v44;
	v44 =	vld [tilespmem:$0x1FF40]  }
0x180: {  	v12 =	vsub.f32 v12, v48;
	v48 =	vld [tilespmem:$0x1FE60]  }
0x181: {  	v2 =	vsub.f32 v2, v53;
	v53 =	vld [tilespmem:$0x1FEA0]  }
0x182: {  	v11 =	vmul.f32 v11, v49;
	v49 =	vld [tilespmem:$0x1FE70]  }
0x183: {  	v12 =	vmul.f32 v12, v52;
	v52 =	vld [tilespmem:$0x1FE90]  }
0x184: {  	v5 =	vmul.f32 v5, v54;
	v54 =	vld [tilespmem:$0x1FEB0]  }
0x185: {  	v2 =	vmul.f32 v2, v56;
	v56 =	vld [tilespmem:$0x1FEC0]  }
0x186: {  	v18 =	vadd.f32 v41, v51;
	v41 =	vld [tilespmem:$0x1C0]  }
0x187: {  	v8 =	vadd.f32 v8, v10;
	v51 =	vld [tilespmem:$0x1FF80]  }
0x188: {  	v19 =	vadd.f32 v19, v20;
	[tilespmem:$0xCB0] =	vst v2;
	v2 =	vld [tilespmem:$0x1FFB0]  }
0x189: {  	v8 =	vmul.f32 $5.000000000e-01, v8;
	v18 =	vsub.f32 v18, v57;
	v20 =	vadd.f32 v63, v48;
	v63 =	vld [tilespmem:$0x1FF20]  }
0x18a: {  	v15 =	vadd.f32 v15, v47;
	v48 =	vld [tilespmem:$0x1FF70]  }
0x18b: {  	v19 =	vmul.f32 $5.000000000e-01, v19;
	v8 =	vadd.f32 v8, v35;
	v18 =	vmul.f32 v18, v43;
	v43 =	vld [tilespmem:$0x420]  }
0x18c: {  	v35 =	vadd.f32 v31, v27;
	v22 =	vsub.f32 v22, v49;
	v25 =	vmul.f32 v25, v52;
	v52 =	vld [tilespmem:$0x1FF90]  }
0x18d: {  	v19 =	vadd.f32 v19, v54;
	v54 =	vadd.f32 v60, v55;
	v55 =	vld [tilespmem:$0x1FFA0]  }
0x18e: {  	v17 =	vsub.f32 v17, v44;
	v20 =	vsub.f32 v20, v53;
	v53 =	vmul.f32 $5.000000000e-01, v34;
	v34 =	vld [tilespmem:$0xA50]  }
0x18f: {  	[tilespmem:$0xD50] =	vst v4;
	v8 =	vsub.f32 v8, v33;
	v3 =	vadd.f32 v3, v51;
	v22 =	vmul.f32 v22, v56;
	v56 =	vld [tilespmem:$0x910]  }
0x190: {  	[tilespmem:$0xC80] =	vst v39;
	v44 =	vadd.f32 v21, v23;
	v46 =	vmul.f32 $5.000000000e-01, v35;
	v20 =	vmul.f32 v20, v59;
	v59 =	vld [tilespmem:$0x1FFC0]  }
0x191: {  	[tilespmem:$0xCA0] =	vst v11;
	v47 =	vadd.f32 v40, v38;
	v19 =	vsub.f32 v19, v61;
	v3 =	vmul.f32 $5.000000000e-01, v3;
	v61 =	vld [tilespmem:$0x90]  }
0x192: {  	v8 =	vmul.f32 v8, v32;
	v2 =	vadd.f32 v53, v2;
	v57 =	vmul.f32 $5.000000000e-01, v54;
	[tilespmem:$0xCC0] =	vst v25;
	v25 =	vld [tilespmem:$0x1FFF0]  }
0x193: {  	[tilespmem:$0xD40] =	vst v12;
	v60 =	vmul.f32 $5.000000000e-01, v15;
	v39 =	vadd.f32 v63, v62;
	v62 =	vld [tilespmem:$0x9B0];
	v3 =	vadd.f32 v3, v9  }
0x194: {  	[tilespmem:$0xDE0] =	vst v5;
	v63 =	vld [tilespmem:$0x1FFE0];
	v11 =	vmul.f32 v19, v48;
	v1 =	vsub.f32 v2, v1;
	v2 =	vadd.f32 v57, v24  }
0x195: {  	v51 =	vadd.f32 v46, v29;
	[tilespmem:$0xCD0] =	vst v18;
	v24 =	vld [tilespmem:$0xB90];
	v49 =	vmul.f32 $5.000000000e-01, v39;
	v12 =	vmul.f32 v17, v52  }
0x196: {  	[tilespmem:$0xE30] =	vst v8;
	v52 =	vmul.f32 $5.000000000e-01, v47;
	v3 =	vsub.f32 v3, v6;
	v2 =	vsub.f32 v2, v42;
	v42 =	vld [tilespmem:$0xC30]  }
0x197: {  	v53 =	vld [tilespmem:$0x1D0];
	[tilespmem:$0xD60] =	vst v22;
	v5 =	vadd.f32 v49, v55;
	v1 =	vmul.f32 v1, v25;
	v49 =	vmul.f32 $5.000000000e-01, v44  }
0x198: {  	[tilespmem:$0xE00] =	vst v20;
	v39 =	vld [tilespmem:$0x3C0];
	v10 =	vadd.f32 v58, v56;
	v56 =	vadd.f32 v52, v41;
	v3 =	vmul.f32 v3, v50  }
0x199: {  	[tilespmem:$0xD70] =	vst v11;
	v2 =	vmul.f32 v2, v16;
	v50 =	vld [tilespmem:$0x130];
	v4 =	vsub.f32 v5, v59;
	v5 =	vadd.f32 v60, v13  }
0x19a: {  	v48 =	vld [tilespmem:$0x400];
	v6 =	vadd.f32 v24, v62;
	[tilespmem:$0xD80] =	vst v1;
	v1 =	vadd.f32 v49, v36;
	v10 =	vmul.f32 $5.000000000e-01, v10  }
0x19b: {  	v55 =	vld [tilespmem:$0x330];
	[tilespmem:$0xE20] =	vst v3;
	v3 =	vsub.f32 v51, v28;
	v4 =	vmul.f32 v4, v63;
	v54 =	vadd.f32 v42, v34  }
0x19c: {  	v57 =	vld [tilespmem:$0x3D0];
	[tilespmem:$0xE10] =	vst v12;
	v5 =	vsub.f32 v5, v14;
	v6 =	vmul.f32 $5.000000000e-01, v6;
	v1 =	vsub.f32 v1, v37  }
0x19d: {  	v58 =	vld [tilespmem:$0x410];
	[tilespmem:$0xCF0] =	vst v2;
	v2 =	vadd.f32 v10, v61;
	v3 =	vmul.f32 v3, v26;
	v59 =	vmul.f32 $5.000000000e-01, v54  }
0x19e: {  	v61 =	vld [tilespmem:$0x420];
	v5 =	vmul.f32 v5, v7;
	[tilespmem:$0xCE0] =	vst v4;
	v4 =	vsub.f32 v56, v39;
	v60 =	vadd.f32 v6, v50  }
0x19f: {  	v1 =	vmul.f32 v1, v30;
	v2 =	vsub.f32 v2, v45;
	[tilespmem:$0xD00] =	vst v3;
	v62 =	vadd.f32 v59, v53  }
0x1a0: {  	[tilespmem:$0xD90] =	vst v5;
	v3 =	vmul.f32 v4, v43;
	v63 =	vsub.f32 v60, v55  }
0x1a1: {  	[tilespmem:$0xDA0] =	vst v1;
	v1 =	vmul.f32 v2, v48;
	v2 =	vsub.f32 v62, v57  }
0x1a2: {  	[tilespmem:$0xE40] =	vst v3;
	v3 =	vmul.f32 v63, v58  }
0x1a3: {  	[tilespmem:$0xD10] =	vst v1;
	v1 =	vmul.f32 v2, v61  }
0x1a4: {  	[tilespmem:$0xDB0] =	vst v3  }
0x1a5: {  	s8 =	rddreg [dreg:$0xa];
	[tilespmem:$0xE50] =	vst v1  }
0x1a6: {  	[hbm4b:s8+s2] =	stream.linear.scatter [tilespmem:s30], [sflag:$0x2], $0xA0, $0x38;
	[tilespmem:$0xE80] =	vst v63  }
0x1a7: {  	_ =	swait.ge [sflag:s5], $0xA0  }
0x1a8: {  	[sflag:s5] =	ssyncset.done $0x0  }
0x1a9: {  	s7 =	rddreg [dreg:$0xb];
	[sflag:s5] =	ssyncadd.s32 $0xFFFFFF60  }
0x1aa: {  	[hbm4b:s7+s2] =	stream.linear.scatter [tilespmem:s31], [sflag:$0x2], $0xA0, $0x38;
	[tilespmem:$0xE80] =	vst v63  }
0x1ab: {  	_ =	swait.ge [sflag:s5], $0xA0  }
0x1ac: {  	p0 =	sne.s32 s4, $0x1;
	[sflag:s5] =	ssyncset.done $0x0  }
.Ltmp0:
0x1ad: {  	s8 =	rddreg [dreg:$0xc];
	[sflag:s5] =	ssyncadd.s32 $0xFFFFFF60;
	(pc) =	sbr.rel @p0 .LBB2_1-.Ltmp0, $4  }
0x1ae: {  	[hbm4b:s8+s2] =	stream.linear.scatter [tilespmem:s1], [sflag:$0x2], $0xA0, $0x38;
	[tilespmem:$0xE80] =	vst v63  }
0x1af: {  	_ =	swait.ge [sflag:s5], $0xA0  }
0x1b0: {  	[sflag:s5] =	ssyncset.done $0x0  }
0x1b1: {  	s4 =	sadd.s32 $0xFFFFFFFF, s4;
	[sflag:s5] =	ssyncadd.s32 $0xFFFFFF60  }
0x1b2: {  	_ =	sfence.sel $0x180000  }
0x1b3: {  	[bflag:$0x0] =	sbarrier.arrive $0xFFFF  }
0x1b4: {  	_ =	strace $0x90000047  }
0x1b5: {  	s0 =	stileid.u32;
	[bflag:$0x2] =	sbarrier.arrive $0xFFFF  }
0x1b6: {  	p0 =	sne.s32 s0, $0x0;
	s0 =	rddreg [dreg:$0x2]  }
0x1b7: {  	s0 =	sadd.s32 @!p0 $0x100000, s0  }
0x1b8: {  	[sflag:s0] =	ssyncadd.tile.s32 @!p0 $0x1;
	_ =	shalt  }
.Lfunc_end2:
_tile_overlayer_lowered:
.L_overlay_start_2:
0x1b9: {  	(tag) =	ssettag $0x2  }
0x1ba: {  	s0 =	rddreg [dreg:$0x0];
	s2 =	stileid.u32  }
0x1bb: {  	s1 =	rddreg [dreg:$0x1];
	p0 =	sne.s32 s2, $0x0  }
0x1bc: {  	s3 =	rddreg [dreg:$0x2];
	[bflag:$0x3] =	sbarrier.arrive $0xFFFF;
	s2 =	simm.s32 @!p0 $0x1C02  }
0x1bd: {  	[timem:s3], [sflag:s2] =	dma.local @!p0 [hbm:s0], s1  }
0x1be: {  	s0 =	simm.s32 @!p0 $0x2  }
0x1bf: {  	_ =	swait.ge @!p0 [sflag:s0], s1  }
0x1c0: {  	s1 =	ssub.s32 @!p0 $0x0, s1;
	[sflag:s0] =	ssyncset.done @!p0 $0x0  }
0x1c1: {  	[sflag:s0] =	ssyncadd.s32 @!p0 s1  }
0x1c2: {  	[bflag:$0x3] =	sbarrier.arrive $0xFFFF  }
0x1c3: {  	_ =	shalt  }

</sc_bundles>
